<compile_context>
chip_gen: v7x
topology: tpu7x:2x2x1
jax: 0.10.2.dev20260603
libtpu: 0.0.44.dev20260713+nightly
codegen_flags: <defaults>
</compile_context>

<pallas_src>
import functools

import numpy as np
import jax
import jax.numpy as jnp
from jax import lax
from jax.experimental import pallas as pl
from jax.experimental.pallas import tpu as pltpu
from jax.experimental.pallas import tpu_sc as plsc

F32 = jnp.float32
I32 = jnp.int32
BIG = np.float32(3.0e7)
NPOINT = 10000


def _bf(x):
    return x.astype(jnp.bfloat16)


def _sumsq3(a, b, c):
    return (a * a + c * c) + b * b


def _dot(a, b):
    return lax.dot_general(_bf(a), _bf(b), (((a.ndim - 1,), (0,)), ((), ())),
                           preferred_element_type=F32)



def _fps_body(S, N, NL, xyz_ref, idx_out, cx_out, cy_out, cz_out):
    xr = xyz_ref[0]
    yr = xyz_ref[1]
    zr = xyz_ref[2]
    sub = lax.broadcasted_iota(I32, (8, NL), 0)
    lane = lax.broadcasted_iota(I32, (8, NL), 1)
    flat = sub * NL + lane
    dist0 = jnp.where(flat < N, jnp.full((8, NL), 1e10, F32),
                      jnp.full((8, NL), -1.0, F32))
    bsub = lax.broadcasted_iota(I32, (8, 128), 0)
    blane = lax.broadcasted_iota(I32, (8, 128), 1)
    bpos = bsub * 128 + blane
    buf0 = jnp.zeros((8, 128), I32)
    bf0 = jnp.zeros((8, 128), F32)

    def step(i, st):
        dist, far, bi, bx, by, bz = st
        sel = flat == far
        cx = jnp.sum(jnp.where(sel, xr, 0.0))
        cy = jnp.sum(jnp.where(sel, yr, 0.0))
        cz = jnp.sum(jnp.where(sel, zr, 0.0))
        pos = i % 1024
        lsel = bpos == pos
        bi = jnp.where(lsel, far, bi)
        bx = jnp.where(lsel, cx, bx)
        by = jnp.where(lsel, cy, by)
        bz = jnp.where(lsel, cz, bz)
        dx = xr - cx
        dy = yr - cy
        dz = zr - cz
        d = _sumsq3(dx, dy, dz)
        dist = jnp.minimum(dist, d)
        m = jnp.max(dist)
        far = jnp.min(jnp.where(dist == m, flat, jnp.int32(2 ** 30)))

        @pl.when(pos == 1023)
        def _flush():
            ro = (i // 1024) * 8
            idx_out[pl.ds(ro, 8), :] = bi
            cx_out[pl.ds(ro, 8), :] = bx
            cy_out[pl.ds(ro, 8), :] = by
            cz_out[pl.ds(ro, 8), :] = bz

        return dist, far, bi, bx, by, bz

    st = lax.fori_loop(0, S, step,
                       (dist0, jnp.int32(0), buf0, bf0, bf0, bf0))
    _, _, bi, bx, by, bz = st
    if S % 1024 != 0:
        ro = (S // 1024) * 8
        idx_out[pl.ds(ro, 8), :] = bi
        cx_out[pl.ds(ro, 8), :] = bx
        cy_out[pl.ds(ro, 8), :] = by
        cz_out[pl.ds(ro, 8), :] = bz


def _fps(xyz, S):
    N = xyz.shape[0]
    NPAD = ((N + 1023) // 1024) * 1024
    NL = NPAD // 8
    SPAD = ((S + 1023) // 1024) * 1024
    rows = SPAD // 128
    x3 = jnp.pad(xyz, ((0, NPAD - N), (0, 0))).T.reshape(3, 8, NL)
    outs = pl.pallas_call(
        functools.partial(_fps_body, S, N, NL),
        out_shape=[jax.ShapeDtypeStruct((rows, 128), I32)] +
                  [jax.ShapeDtypeStruct((rows, 128), F32)] * 3,
    )(x3)
    idx = outs[0].reshape(-1)[:S]
    new_xyz = jnp.stack([o.reshape(-1)[:S] for o in outs[1:]], axis=-1)
    return idx, new_xyz



def _select_body(N, K, r2, cb_ref, xt_ref, out_ref):
    cs = cb_ref[0]
    x0 = xt_ref[0:1, :]
    x1 = xt_ref[1:2, :]
    x2c = xt_ref[2:3, :]
    xsq = _sumsq3(x0, x1, x2c)
    dot = _dot(cs, xt_ref[...])
    c0 = cs[:, 0:1]
    c1 = cs[:, 1:2]
    c2 = cs[:, 2:3]
    cs2 = _sumsq3(c0, c1, c2)
    sqd = (cs2 - 2.0 * dot) + xsq
    col = lax.broadcasted_iota(I32, sqd.shape, 1)
    keep = jnp.logical_and(jnp.logical_not(sqd > r2), col < N)
    candv = jnp.where(keep, col.astype(F32), BIG)
    cnt = jnp.sum(keep.astype(I32), axis=1)
    tcap = jnp.minimum(jnp.max(cnt), K)
    blane = lax.broadcasted_iota(I32, (8, 128), 1)
    buf0 = jnp.full((8, 128), BIG, F32)

    def ext(k, st):
        def real(st):
            buf, prev = st
            cand = jnp.where(candv > prev, candv, BIG)
            mn = jnp.min(cand, axis=1, keepdims=True)
            buf = jnp.where(blane == k, mn, buf)
            return buf, mn

        return lax.cond(k < tcap, real, lambda s: s, st)

    buf, _ = lax.fori_loop(0, K, ext, (buf0, jnp.full((8, 1), -1.0, F32)))
    first = buf[:, 0:1]
    buf = jnp.where(buf >= BIG, first, buf)
    idxf = jnp.minimum(buf, np.float32(N - 1)).astype(I32)
    out_ref[0] = idxf[:, :K]


def _select(new_xyz, xyz, radius, K):
    S = new_xyz.shape[0]
    N = xyz.shape[0]
    NP = ((N + 127) // 128) * 128
    gs = S // 8
    cb = new_xyz.reshape(gs, 8, 3)
    xt = jnp.pad(xyz, ((0, NP - N), (0, 0))).T
    r2 = np.float32(np.float64(radius) ** 2)
    out = pl.pallas_call(
        functools.partial(_select_body, N, K, r2),
        grid=(gs,),
        in_specs=[
            pl.BlockSpec((1, 8, 3), lambda i: (i, 0, 0)),
            pl.BlockSpec((3, NP), lambda i: (0, 0)),
        ],
        out_specs=pl.BlockSpec((1, 8, K), lambda i: (i, 0, 0)),
        out_shape=jax.ShapeDtypeStruct((gs, 8, K), I32),
    )(cb, xt)
    return out.reshape(S, K)



def _sc_gather(table, idx):
    info = plsc.get_sparse_core_info()
    NC, NS = info.num_cores, info.num_subcores
    NW = NC * NS
    B = idx.shape[0]
    D = table.shape[1]
    b_per_w = B // NW
    CH = 80
    n_ch = b_per_w // CH
    mesh = plsc.VectorSubcoreMesh(core_axis_name="c", subcore_axis_name="s")

    @functools.partial(
        pl.kernel, mesh=mesh,
        out_type=jax.ShapeDtypeStruct((B, D), F32),
        compiler_params=pltpu.CompilerParams(use_tc_tiling_on_sc=False),
        scratch_types=[
            pltpu.VMEM((CH,), I32),
            pltpu.VMEM((CH, D), F32),
            pltpu.SemaphoreType.DMA,
        ],
    )
    def k(table_hbm, idx_hbm, out_hbm, idx_v, rows_v, sem):
        wid = lax.axis_index("s") * NC + lax.axis_index("c")
        base = wid * b_per_w

        def body(c, carry):
            off = base + c * CH
            pltpu.sync_copy(idx_hbm.at[pl.ds(off, CH)], idx_v)
            pltpu.async_copy(table_hbm.at[idx_v], rows_v, sem).wait()
            pltpu.sync_copy(rows_v, out_hbm.at[pl.ds(off, CH)])
            return carry

        lax.fori_loop(0, n_ch, body, 0)

    return k(table, idx)



def _b1_body(K, DP, C1, cnt, g_ref, cb_ref, w_ref, b_ref, y_ref, st_ref):
    i = pl.program_id(0)
    g = g_ref[...]
    cs = cb_ref[0]
    xyzn = g[:, :, :3] - cs[:, None, :]
    u = jnp.concatenate([xyzn, g[:, :, 3:]], axis=-1)
    y = _dot(u.reshape(8 * K, DP), w_ref[...]) + b_ref[0:1, :]
    y_ref[...] = y.reshape(8, K, C1)

    @pl.when(i == 0)
    def _init():
        st_ref[...] = jnp.zeros_like(st_ref)

    s1 = jnp.sum(y, axis=0, keepdims=True)
    s2 = jnp.sum(y * y, axis=0, keepdims=True)
    st_ref[...] += jnp.concatenate([s1, s2], axis=0)


def _b1(g, new_xyz, W1, b1, K, cnt):
    S, _, DP = g.shape
    C1 = W1.shape[0]
    gs = S // 8
    wt = jnp.zeros((DP, C1), F32).at[:W1.shape[1], :].set(W1.T)
    cb = new_xyz.reshape(gs, 8, 3)
    y, st = pl.pallas_call(
        functools.partial(_b1_body, K, DP, C1, cnt),
        grid=(gs,),
        in_specs=[
            pl.BlockSpec((8, K, DP), lambda i: (i, 0, 0)),
            pl.BlockSpec((1, 8, 3), lambda i: (i, 0, 0)),
            pl.BlockSpec((DP, C1), lambda i: (0, 0)),
            pl.BlockSpec((1, C1), lambda i: (0, 0)),
        ],
        out_specs=[
            pl.BlockSpec((8, K, C1), lambda i: (i, 0, 0)),
            pl.BlockSpec((2, C1), lambda i: (0, 0)),
        ],
        out_shape=[
            jax.ShapeDtypeStruct((S, K, C1), F32),
            jax.ShapeDtypeStruct((2, C1), F32),
        ],
    )(g, cb, wt, b1.reshape(1, C1))
    return y, st


def _norm_relu(y, st_ref, gma_ref, bta_ref, cnt):
    mean = st_ref[0:1, :] / cnt
    var = st_ref[1:2, :] / cnt - mean * mean
    xn = ((y - mean) / jnp.sqrt(var + 1e-5) * gma_ref[0:1, :]
          + bta_ref[0:1, :])
    return jnp.maximum(xn, 0.0)


def _b2_body(K, Cp, C2, cnt, y_ref, st_ref, gma_ref, bta_ref, w_ref, b_ref,
             o_ref, so_ref):
    i = pl.program_id(0)
    x = _norm_relu(y_ref[...].reshape(8 * K, Cp), st_ref, gma_ref, bta_ref,
                   cnt)
    y2 = _dot(x, w_ref[...]) + b_ref[0:1, :]
    o_ref[...] = y2.reshape(8, K, C2)

    @pl.when(i == 0)
    def _init():
        so_ref[...] = jnp.zeros_like(so_ref)

    s1 = jnp.sum(y2, axis=0, keepdims=True)
    s2 = jnp.sum(y2 * y2, axis=0, keepdims=True)
    so_ref[...] += jnp.concatenate([s1, s2], axis=0)


def _b2(y, st, gma, bta, W2, b2, K, cnt):
    S, _, Cp = y.shape
    C2 = W2.shape[0]
    gs = S // 8
    o, so = pl.pallas_call(
        functools.partial(_b2_body, K, Cp, C2, cnt),
        grid=(gs,),
        in_specs=[
            pl.BlockSpec((8, K, Cp), lambda i: (i, 0, 0)),
            pl.BlockSpec((2, Cp), lambda i: (0, 0)),
            pl.BlockSpec((1, Cp), lambda i: (0, 0)),
            pl.BlockSpec((1, Cp), lambda i: (0, 0)),
            pl.BlockSpec((Cp, C2), lambda i: (0, 0)),
            pl.BlockSpec((1, C2), lambda i: (0, 0)),
        ],
        out_specs=[
            pl.BlockSpec((8, K, C2), lambda i: (i, 0, 0)),
            pl.BlockSpec((2, C2), lambda i: (0, 0)),
        ],
        out_shape=[
            jax.ShapeDtypeStruct((S, K, C2), F32),
            jax.ShapeDtypeStruct((2, C2), F32),
        ],
    )(y, st, gma.reshape(1, Cp), bta.reshape(1, Cp), W2.T, b2.reshape(1, C2))
    return o, so


def _b4_body(K, C, cnt, fc, y_ref, st_ref, gma_ref, bta_ref, *rest):
    if fc:
        fw_ref, fb_ref, o_ref = rest
    else:
        (o_ref,) = rest
    x = _norm_relu(y_ref[...].reshape(8 * K, C), st_ref, gma_ref, bta_ref,
                   cnt).reshape(8, K, C)
    p = jnp.max(x, axis=1)
    if fc:
        p = _dot(p, fw_ref[...]) + fb_ref[0:1, :]
    o_ref[...] = p


def _b4(y, st, gma, bta, K, cnt, fc=None):
    S, _, C = y.shape
    gs = S // 8
    Co = fc[0].shape[0] if fc else C
    ins = [y, st, gma.reshape(1, C), bta.reshape(1, C)]
    in_specs = [
        pl.BlockSpec((8, K, C), lambda i: (i, 0, 0)),
        pl.BlockSpec((2, C), lambda i: (0, 0)),
        pl.BlockSpec((1, C), lambda i: (0, 0)),
        pl.BlockSpec((1, C), lambda i: (0, 0)),
    ]
    if fc:
        ins += [fc[0].T, fc[1].reshape(1, Co)]
        in_specs += [pl.BlockSpec((C, Co), lambda i: (0, 0)),
                     pl.BlockSpec((1, Co), lambda i: (0, 0))]
    out = pl.pallas_call(
        functools.partial(_b4_body, K, C, cnt, fc is not None),
        grid=(gs,),
        in_specs=in_specs,
        out_specs=pl.BlockSpec((8, Co), lambda i: (i, 0)),
        out_shape=jax.ShapeDtypeStruct((S, Co), F32),
    )(*ins)
    return out



def _sa_layer(xyz, feats, radius, K, layers, fc=None):
    N = xyz.shape[0]
    S = NPOINT
    _, new_xyz = _fps(xyz, S)
    idx = _select(new_xyz, xyz, radius, K)
    raw = jnp.concatenate([xyz, feats], axis=1)
    DP = ((raw.shape[1] + 15) // 16) * 16
    table = jnp.pad(raw, ((0, 0), (0, DP - raw.shape[1])))
    g = _sc_gather(table, idx.reshape(-1)).reshape(S, K, DP)
    cnt = np.float32(S * K)
    W1, b1, g1, be1 = layers[0]
    y, st = _b1(g, new_xyz, W1, b1, K, cnt)
    for (W, b, gm, be) in layers[1:]:
        y, st2 = _b2(y, st, g1, be1, W, b, K, cnt)
        st, g1, be1 = st2, gm, be
    p = _b4(y, st, g1, be1, K, cnt, fc=fc)
    return new_xyz, p


def kernel(pts, params):
    pts3 = pts[0]
    xyz = pts3[:3].T
    nrm = pts3[3:].T
    xyz1, p1 = _sa_layer(xyz, nrm, 0.1, 128, params['sa1'])
    xyz2, p2 = _sa_layer(xyz1, p1, 0.2, 64, params['sa2'])
    xyz3, out = _sa_layer(xyz2, p2, 0.4, 32, params['sa3'],
                          fc=(params['fc_w'], params['fc_b']))
    return (xyz3[None], out[None])

# --- scband reference (transcript-rebuilt; emitter-appended) ---
"""Pipeline reference for scband-feat-extraction-layer-67156108640285 (READ-ONLY COPY).

The authoritative reference and input builder live on the scoring server;
editing this copy changes nothing except your own understanding.
"""

import jax, jax.numpy as jnp
import numpy as np

NPOINT = 10000

def square_distance(src, dst):
    return (jnp.sum(src ** 2, -1)[:, :, None]
            - 2.0 * jnp.einsum('bnc,bmc->bnm', src, dst)
            + jnp.sum(dst ** 2, -1)[:, None, :])

def index_points(points, idx):
    return jax.vmap(lambda p, i: p[i])(points, idx)

def farthest_point_sample(xyz, npoint):
    B, N, _ = xyz.shape
    def body(i, state):
        centroids, distance, farthest = state
        centroids = centroids.at[:, i].set(farthest)
        centroid = jax.vmap(lambda p, f: p[f])(xyz, farthest)[:, None, :]
        dist = jnp.sum((xyz - centroid) ** 2, -1)
        distance = jnp.minimum(distance, dist)
        farthest = jnp.argmax(distance, axis=-1).astype(jnp.int32)
        return (centroids, distance, farthest)
    centroids = jnp.zeros((B, npoint), dtype=jnp.int32)
    distance = jnp.full((B, N), 1e10, dtype=xyz.dtype)
    farthest = jnp.zeros((B,), dtype=jnp.int32)
    centroids, _, _ = jax.lax.fori_loop(0, npoint, body, (centroids, distance, farthest))
    return centroids

def query_ball_point(radius, nsample, xyz, new_xyz):
    B, N, _ = xyz.shape
    S = new_xyz.shape[1]
    sqrdists = square_distance(new_xyz, xyz)
    group_idx = jnp.broadcast_to(jnp.arange(N, dtype=jnp.int32), (B, S, N))
    group_idx = jnp.where(sqrdists > radius ** 2, N, group_idx)
    # k smallest indices == ascending sort then slice [:nsample] (faithful to torch sort-based impl)
    neg_vals, _ = jax.lax.top_k(-group_idx, nsample)
    group_idx = -neg_vals
    group_first = jnp.broadcast_to(group_idx[:, :, 0:1], group_idx.shape)
    group_idx = jnp.where(group_idx == N, group_first, group_idx)
    return group_idx

def sample_and_group(npoint, radius, nsample, xyz, points):
    fps_idx = farthest_point_sample(jax.lax.stop_gradient(xyz), npoint)
    new_xyz = index_points(xyz, fps_idx)
    idx = query_ball_point(radius, nsample, jax.lax.stop_gradient(xyz), jax.lax.stop_gradient(new_xyz))
    grouped_xyz = index_points(xyz, idx)
    grouped_xyz_norm = grouped_xyz - new_xyz[:, :, None, :]
    if points is not None:
        grouped_points = index_points(points, idx)
        new_points = jnp.concatenate([grouped_xyz_norm, grouped_points], axis=-1)
    else:
        new_points = grouped_xyz_norm
    return new_xyz, new_points

def set_abstraction(xyz, points, radius, nsample, layer_params):
    new_xyz, x = sample_and_group(NPOINT, radius, nsample, xyz, points)
    # x: [B, S, K, C]; conv2d 1x1 + BatchNorm2d (training-mode batch stats) + ReLU
    for (W, b, g, beta) in layer_params:
        x = jnp.einsum('bskc,oc->bsko', x, W) + b
        mean = jnp.mean(x, axis=(0, 1, 2), keepdims=True)
        var = jnp.var(x, axis=(0, 1, 2), keepdims=True)
        x = (x - mean) / jnp.sqrt(var + 1e-5) * g + beta
        x = jax.nn.relu(x)
    new_points = jnp.max(x, axis=2)
    return new_xyz, new_points

def _mlp_params(key, dims):
    layers = []
    for i in range(len(dims) - 1):
        key, k1 = jax.random.split(key)
        W = jax.random.normal(k1, (dims[i + 1], dims[i]), dtype=jnp.float32) * 0.05
        b = jnp.zeros((dims[i + 1],), dtype=jnp.float32)
        g = jnp.ones((dims[i + 1],), dtype=jnp.float32)
        be = jnp.zeros((dims[i + 1],), dtype=jnp.float32)
        layers.append((W, b, g, be))
    return layers

def setup_inputs(seed: int = 0):
    key = jax.random.key(seed)
    k_pts, k1, k2, k3, k4 = jax.random.split(key, 5)
    pts = jax.random.normal(k_pts, (1, 6, 16384), dtype=jnp.float32)
    params = {
        'sa1': _mlp_params(k1, [6, 32, 32, 64]),
        'sa2': _mlp_params(k2, [67, 64, 64]),
        'sa3': _mlp_params(k3, [67, 32, 32]),
        'fc_w': jax.random.normal(k4, (32, 32), dtype=jnp.float32) * 0.05,
        'fc_b': jnp.zeros((32,), dtype=jnp.float32),
    }
    return {'pts': pts, 'params': params}

def reference(pts, params):
    xyz = jnp.transpose(pts[:, :3, :], (0, 2, 1))
    normal = jnp.transpose(pts[:, 3:, :], (0, 2, 1))
    xyz1, p1 = set_abstraction(xyz, normal, 0.1, 128, params['sa1'])
    xyz2, p2 = set_abstraction(xyz1, p1, 0.2, 64, params['sa2'])
    xyz3, p3 = set_abstraction(xyz2, p2, 0.4, 32, params['sa3'])
    out_pts = p3 @ params['fc_w'].T + params['fc_b']  # dropout = identity (eval)
    return (xyz3, out_pts)

if __name__ == "__main__":
    import jax
    _d = setup_inputs()
    print(jax.jit(kernel)(*tuple(_d.values())))

</pallas_src>

<mosaic_0001>
#map = affine_map<(d0, d1) -> (0, 0)>
#map1 = affine_map<(d0, d1) -> (0)>
module attributes {stable_mosaic.version = 14 : i64} {
  func.func @k(%arg0: i32, %arg1: i32, %arg2: memref<16384x16xf32, #tpu.memory_space<hbm>>, %arg3: memref<1280000xi32, #tpu.memory_space<hbm>>, %arg4: memref<1280000x16xf32, #tpu.memory_space<hbm>>, %arg5: memref<80xi32, #tpu.memory_space<vmem>>, %arg6: memref<80x16xf32, #tpu.memory_space<vmem>>, %arg7: memref<!tpu.dma_semaphore, #tpu.memory_space<semaphore_mem>>) attributes {dimension_semantics = [#tpu.dimension_semantics<core_parallel>, #tpu.dimension_semantics<subcore_parallel>], iteration_bounds = array<i64: 2, 16>, scalar_prefetch = 0 : i64, scratch_operands = 3 : i64, tpu.core_type = #tpu.core_type<sc_vector_subcore>, window_params = [{transform_indices = #map}, {transform_indices = #map1}, {transform_indices = #map}]} {
    %mul3A = arith.constant 2 : i32
    %mul3A_0 = arith.muli %arg1, %mul3A : i32
    %add3A = arith.addi %mul3A_0, %arg0 : i32
    %mul3A_1 = arith.constant 40000 : i32
    %mul3A_2 = arith.muli %add3A, %mul3A_1 : i32
    %scan3A = arith.constant 0 : i32
    %scan3A_3 = arith.constant 0 : i32
    %scan3A_4 = arith.constant 500 : i32
    %scan3A_5 = arith.addi %scan3A_3, %scan3A_4 : i32
    %scan3A_6 = arith.constant 1 : i32
    scf.for %scan3A_8 = %scan3A_3 to %scan3A_5 step %scan3A_6  : i32 {
      %mul3A_9 = arith.constant 80 : i32
      %mul3A_10 = arith.muli %scan3A_8, %mul3A_9 : i32
      %add3A_11 = arith.addi %mul3A_2, %mul3A_10 : i32
      "tpu.region"() ({
        %run_scoped3A = tpu.sem_alloc : memref<!tpu.dma_semaphore, #tpu.memory_space<semaphore_mem>>
        %dma_start3A_16 = tpu.memref_slice %arg3[%add3A_11] : memref<1280000xi32, #tpu.memory_space<hbm>> -> memref<80xi32, #tpu.memory_space<hbm>>
        %dma_start3A_17 = tpu.memref_slice %arg3[%add3A_11] : memref<1280000xi32, #tpu.memory_space<hbm>> -> memref<80xi32, #tpu.memory_space<hbm>>
        tpu.enqueue_dma source(%dma_start3A_17 : memref<80xi32, #tpu.memory_space<hbm>>) target(%arg5 : memref<80xi32, #tpu.memory_space<vmem>>) target_semaphore(%run_scoped3A : memref<!tpu.dma_semaphore, #tpu.memory_space<semaphore_mem>>)
        %dma_wait3A_18 = tpu.memref_slice %arg3[%add3A_11] : memref<1280000xi32, #tpu.memory_space<hbm>> -> memref<80xi32, #tpu.memory_space<hbm>>
        %dma_wait3A_19 = tpu.memref_slice %arg3[%add3A_11] : memref<1280000xi32, #tpu.memory_space<hbm>> -> memref<80xi32, #tpu.memory_space<hbm>>
        tpu.wait_dma2 semaphore(%run_scoped3A : memref<!tpu.dma_semaphore, #tpu.memory_space<semaphore_mem>>) src(%dma_wait3A_19 : memref<80xi32, #tpu.memory_space<hbm>>) dst(%arg5 : memref<80xi32, #tpu.memory_space<vmem>>)
        tpu.yield
      }) : () -> ()
      %dma_start3A = arith.constant 0 : i32
      %dma_start3A_12 = arith.constant 0 : i32
      %dma_start3A_13 = tpu.memref_slice %arg2[%dma_start3A, %dma_start3A_12] : memref<16384x16xf32, #tpu.memory_space<hbm>> -> memref<16384x16xf32, #tpu.memory_space<hbm>>
      tpu.enqueue_indirect_dma source(%dma_start3A_13 : memref<16384x16xf32, #tpu.memory_space<hbm>>) target(%arg6 : memref<80x16xf32, #tpu.memory_space<vmem>>) offsets(%arg5 : memref<80xi32, #tpu.memory_space<vmem>>) semaphore(%arg7 : memref<!tpu.dma_semaphore, #tpu.memory_space<semaphore_mem>>)
      %dma_wait3A = arith.constant 0 : i32
      %dma_wait3A_14 = arith.constant 0 : i32
      %dma_wait3A_15 = tpu.memref_slice %arg2[%dma_wait3A, %dma_wait3A_14] : memref<16384x16xf32, #tpu.memory_space<hbm>> -> memref<16384x16xf32, #tpu.memory_space<hbm>>
      tpu.wait_indirect_dma semaphore(%arg7 : memref<!tpu.dma_semaphore, #tpu.memory_space<semaphore_mem>>) src(%dma_wait3A_15 : memref<16384x16xf32, #tpu.memory_space<hbm>>) dst(%arg6 : memref<80x16xf32, #tpu.memory_space<vmem>>)
      "tpu.region"() ({
        %run_scoped3A = tpu.sem_alloc : memref<!tpu.dma_semaphore, #tpu.memory_space<semaphore_mem>>
        %dma_start3A_16 = arith.constant 0 : i32
        %dma_start3A_17 = tpu.memref_slice %arg4[%add3A_11, %dma_start3A_16] : memref<1280000x16xf32, #tpu.memory_space<hbm>> -> memref<80x16xf32, #tpu.memory_space<hbm>>
        %dma_start3A_18 = arith.constant 0 : i32
        %dma_start3A_19 = tpu.memref_slice %arg4[%add3A_11, %dma_start3A_18] : memref<1280000x16xf32, #tpu.memory_space<hbm>> -> memref<80x16xf32, #tpu.memory_space<hbm>>
        tpu.enqueue_dma source(%arg6 : memref<80x16xf32, #tpu.memory_space<vmem>>) target(%dma_start3A_19 : memref<80x16xf32, #tpu.memory_space<hbm>>) target_semaphore(%run_scoped3A : memref<!tpu.dma_semaphore, #tpu.memory_space<semaphore_mem>>)
        %dma_wait3A_20 = arith.constant 0 : i32
        %dma_wait3A_21 = tpu.memref_slice %arg4[%add3A_11, %dma_wait3A_20] : memref<1280000x16xf32, #tpu.memory_space<hbm>> -> memref<80x16xf32, #tpu.memory_space<hbm>>
        %dma_wait3A_22 = arith.constant 0 : i32
        %dma_wait3A_23 = tpu.memref_slice %arg4[%add3A_11, %dma_wait3A_22] : memref<1280000x16xf32, #tpu.memory_space<hbm>> -> memref<80x16xf32, #tpu.memory_space<hbm>>
        tpu.wait_dma2 semaphore(%run_scoped3A : memref<!tpu.dma_semaphore, #tpu.memory_space<semaphore_mem>>) src(%arg6 : memref<80x16xf32, #tpu.memory_space<vmem>>) dst(%dma_wait3A_23 : memref<80x16xf32, #tpu.memory_space<hbm>>)
        tpu.yield
      }) : () -> ()
    }
    %scan3A_7 = arith.constant 500 : i32
    return
  }
}

#map = affine_map<(d0, d1) -> (0, 0)>
#map1 = affine_map<(d0, d1) -> (0)>
module attributes {stable_mosaic.version = 14 : i64} {
  func.func @k(%arg0: i32, %arg1: i32, %arg2: memref<10000x80xf32, #tpu.memory_space<hbm>>, %arg3: memref<320000xi32, #tpu.memory_space<hbm>>, %arg4: memref<320000x80xf32, #tpu.memory_space<hbm>>, %arg5: memref<80xi32, #tpu.memory_space<vmem>>, %arg6: memref<80x80xf32, #tpu.memory_space<vmem>>, %arg7: memref<!tpu.dma_semaphore, #tpu.memory_space<semaphore_mem>>) attributes {dimension_semantics = [#tpu.dimension_semantics<core_parallel>, #tpu.dimension_semantics<subcore_parallel>], iteration_bounds = array<i64: 2, 16>, scalar_prefetch = 0 : i64, scratch_operands = 3 : i64, tpu.core_type = #tpu.core_type<sc_vector_subcore>, window_params = [{transform_indices = #map}, {transform_indices = #map1}, {transform_indices = #map}]} {
    %mul3A = arith.constant 2 : i32
    %mul3A_0 = arith.muli %arg1, %mul3A : i32
    %add3A = arith.addi %mul3A_0, %arg0 : i32
    %mul3A_1 = arith.constant 10000 : i32
    %mul3A_2 = arith.muli %add3A, %mul3A_1 : i32
    %scan3A = arith.constant 0 : i32
    %scan3A_3 = arith.constant 0 : i32
    %scan3A_4 = arith.constant 125 : i32
    %scan3A_5 = arith.addi %scan3A_3, %scan3A_4 : i32
    %scan3A_6 = arith.constant 1 : i32
    scf.for %scan3A_8 = %scan3A_3 to %scan3A_5 step %scan3A_6  : i32 {
      %mul3A_9 = arith.constant 80 : i32
      %mul3A_10 = arith.muli %scan3A_8, %mul3A_9 : i32
      %add3A_11 = arith.addi %mul3A_2, %mul3A_10 : i32
      "tpu.region"() ({
        %run_scoped3A = tpu.sem_alloc : memref<!tpu.dma_semaphore, #tpu.memory_space<semaphore_mem>>
        %dma_start3A_16 = tpu.memref_slice %arg3[%add3A_11] : memref<320000xi32, #tpu.memory_space<hbm>> -> memref<80xi32, #tpu.memory_space<hbm>>
        %dma_start3A_17 = tpu.memref_slice %arg3[%add3A_11] : memref<320000xi32, #tpu.memory_space<hbm>> -> memref<80xi32, #tpu.memory_space<hbm>>
        tpu.enqueue_dma source(%dma_start3A_17 : memref<80xi32, #tpu.memory_space<hbm>>) target(%arg5 : memref<80xi32, #tpu.memory_space<vmem>>) target_semaphore(%run_scoped3A : memref<!tpu.dma_semaphore, #tpu.memory_space<semaphore_mem>>)
        %dma_wait3A_18 = tpu.memref_slice %arg3[%add3A_11] : memref<320000xi32, #tpu.memory_space<hbm>> -> memref<80xi32, #tpu.memory_space<hbm>>
        %dma_wait3A_19 = tpu.memref_slice %arg3[%add3A_11] : memref<320000xi32, #tpu.memory_space<hbm>> -> memref<80xi32, #tpu.memory_space<hbm>>
        tpu.wait_dma2 semaphore(%run_scoped3A : memref<!tpu.dma_semaphore, #tpu.memory_space<semaphore_mem>>) src(%dma_wait3A_19 : memref<80xi32, #tpu.memory_space<hbm>>) dst(%arg5 : memref<80xi32, #tpu.memory_space<vmem>>)
        tpu.yield
      }) : () -> ()
      %dma_start3A = arith.constant 0 : i32
      %dma_start3A_12 = arith.constant 0 : i32
      %dma_start3A_13 = tpu.memref_slice %arg2[%dma_start3A, %dma_start3A_12] : memref<10000x80xf32, #tpu.memory_space<hbm>> -> memref<10000x80xf32, #tpu.memory_space<hbm>>
      tpu.enqueue_indirect_dma source(%dma_start3A_13 : memref<10000x80xf32, #tpu.memory_space<hbm>>) target(%arg6 : memref<80x80xf32, #tpu.memory_space<vmem>>) offsets(%arg5 : memref<80xi32, #tpu.memory_space<vmem>>) semaphore(%arg7 : memref<!tpu.dma_semaphore, #tpu.memory_space<semaphore_mem>>)
      %dma_wait3A = arith.constant 0 : i32
      %dma_wait3A_14 = arith.constant 0 : i32
      %dma_wait3A_15 = tpu.memref_slice %arg2[%dma_wait3A, %dma_wait3A_14] : memref<10000x80xf32, #tpu.memory_space<hbm>> -> memref<10000x80xf32, #tpu.memory_space<hbm>>
      tpu.wait_indirect_dma semaphore(%arg7 : memref<!tpu.dma_semaphore, #tpu.memory_space<semaphore_mem>>) src(%dma_wait3A_15 : memref<10000x80xf32, #tpu.memory_space<hbm>>) dst(%arg6 : memref<80x80xf32, #tpu.memory_space<vmem>>)
      "tpu.region"() ({
        %run_scoped3A = tpu.sem_alloc : memref<!tpu.dma_semaphore, #tpu.memory_space<semaphore_mem>>
        %dma_start3A_16 = arith.constant 0 : i32
        %dma_start3A_17 = tpu.memref_slice %arg4[%add3A_11, %dma_start3A_16] : memref<320000x80xf32, #tpu.memory_space<hbm>> -> memref<80x80xf32, #tpu.memory_space<hbm>>
        %dma_start3A_18 = arith.constant 0 : i32
        %dma_start3A_19 = tpu.memref_slice %arg4[%add3A_11, %dma_start3A_18] : memref<320000x80xf32, #tpu.memory_space<hbm>> -> memref<80x80xf32, #tpu.memory_space<hbm>>
        tpu.enqueue_dma source(%arg6 : memref<80x80xf32, #tpu.memory_space<vmem>>) target(%dma_start3A_19 : memref<80x80xf32, #tpu.memory_space<hbm>>) target_semaphore(%run_scoped3A : memref<!tpu.dma_semaphore, #tpu.memory_space<semaphore_mem>>)
        %dma_wait3A_20 = arith.constant 0 : i32
        %dma_wait3A_21 = tpu.memref_slice %arg4[%add3A_11, %dma_wait3A_20] : memref<320000x80xf32, #tpu.memory_space<hbm>> -> memref<80x80xf32, #tpu.memory_space<hbm>>
        %dma_wait3A_22 = arith.constant 0 : i32
        %dma_wait3A_23 = tpu.memref_slice %arg4[%add3A_11, %dma_wait3A_22] : memref<320000x80xf32, #tpu.memory_space<hbm>> -> memref<80x80xf32, #tpu.memory_space<hbm>>
        tpu.wait_dma2 semaphore(%run_scoped3A : memref<!tpu.dma_semaphore, #tpu.memory_space<semaphore_mem>>) src(%arg6 : memref<80x80xf32, #tpu.memory_space<vmem>>) dst(%dma_wait3A_23 : memref<80x80xf32, #tpu.memory_space<hbm>>)
        tpu.yield
      }) : () -> ()
    }
    %scan3A_7 = arith.constant 125 : i32
    return
  }
}

#map = affine_map<(d0, d1) -> (0, 0)>
#map1 = affine_map<(d0, d1) -> (0)>
module attributes {stable_mosaic.version = 14 : i64} {
  func.func @k(%arg0: i32, %arg1: i32, %arg2: memref<10000x80xf32, #tpu.memory_space<hbm>>, %arg3: memref<640000xi32, #tpu.memory_space<hbm>>, %arg4: memref<640000x80xf32, #tpu.memory_space<hbm>>, %arg5: memref<80xi32, #tpu.memory_space<vmem>>, %arg6: memref<80x80xf32, #tpu.memory_space<vmem>>, %arg7: memref<!tpu.dma_semaphore, #tpu.memory_space<semaphore_mem>>) attributes {dimension_semantics = [#tpu.dimension_semantics<core_parallel>, #tpu.dimension_semantics<subcore_parallel>], iteration_bounds = array<i64: 2, 16>, scalar_prefetch = 0 : i64, scratch_operands = 3 : i64, tpu.core_type = #tpu.core_type<sc_vector_subcore>, window_params = [{transform_indices = #map}, {transform_indices = #map1}, {transform_indices = #map}]} {
    %mul3A = arith.constant 2 : i32
    %mul3A_0 = arith.muli %arg1, %mul3A : i32
    %add3A = arith.addi %mul3A_0, %arg0 : i32
    %mul3A_1 = arith.constant 20000 : i32
    %mul3A_2 = arith.muli %add3A, %mul3A_1 : i32
    %scan3A = arith.constant 0 : i32
    %scan3A_3 = arith.constant 0 : i32
    %scan3A_4 = arith.constant 250 : i32
    %scan3A_5 = arith.addi %scan3A_3, %scan3A_4 : i32
    %scan3A_6 = arith.constant 1 : i32
    scf.for %scan3A_8 = %scan3A_3 to %scan3A_5 step %scan3A_6  : i32 {
      %mul3A_9 = arith.constant 80 : i32
      %mul3A_10 = arith.muli %scan3A_8, %mul3A_9 : i32
      %add3A_11 = arith.addi %mul3A_2, %mul3A_10 : i32
      "tpu.region"() ({
        %run_scoped3A = tpu.sem_alloc : memref<!tpu.dma_semaphore, #tpu.memory_space<semaphore_mem>>
        %dma_start3A_16 = tpu.memref_slice %arg3[%add3A_11] : memref<640000xi32, #tpu.memory_space<hbm>> -> memref<80xi32, #tpu.memory_space<hbm>>
        %dma_start3A_17 = tpu.memref_slice %arg3[%add3A_11] : memref<640000xi32, #tpu.memory_space<hbm>> -> memref<80xi32, #tpu.memory_space<hbm>>
        tpu.enqueue_dma source(%dma_start3A_17 : memref<80xi32, #tpu.memory_space<hbm>>) target(%arg5 : memref<80xi32, #tpu.memory_space<vmem>>) target_semaphore(%run_scoped3A : memref<!tpu.dma_semaphore, #tpu.memory_space<semaphore_mem>>)
        %dma_wait3A_18 = tpu.memref_slice %arg3[%add3A_11] : memref<640000xi32, #tpu.memory_space<hbm>> -> memref<80xi32, #tpu.memory_space<hbm>>
        %dma_wait3A_19 = tpu.memref_slice %arg3[%add3A_11] : memref<640000xi32, #tpu.memory_space<hbm>> -> memref<80xi32, #tpu.memory_space<hbm>>
        tpu.wait_dma2 semaphore(%run_scoped3A : memref<!tpu.dma_semaphore, #tpu.memory_space<semaphore_mem>>) src(%dma_wait3A_19 : memref<80xi32, #tpu.memory_space<hbm>>) dst(%arg5 : memref<80xi32, #tpu.memory_space<vmem>>)
        tpu.yield
      }) : () -> ()
      %dma_start3A = arith.constant 0 : i32
      %dma_start3A_12 = arith.constant 0 : i32
      %dma_start3A_13 = tpu.memref_slice %arg2[%dma_start3A, %dma_start3A_12] : memref<10000x80xf32, #tpu.memory_space<hbm>> -> memref<10000x80xf32, #tpu.memory_space<hbm>>
      tpu.enqueue_indirect_dma source(%dma_start3A_13 : memref<10000x80xf32, #tpu.memory_space<hbm>>) target(%arg6 : memref<80x80xf32, #tpu.memory_space<vmem>>) offsets(%arg5 : memref<80xi32, #tpu.memory_space<vmem>>) semaphore(%arg7 : memref<!tpu.dma_semaphore, #tpu.memory_space<semaphore_mem>>)
      %dma_wait3A = arith.constant 0 : i32
      %dma_wait3A_14 = arith.constant 0 : i32
      %dma_wait3A_15 = tpu.memref_slice %arg2[%dma_wait3A, %dma_wait3A_14] : memref<10000x80xf32, #tpu.memory_space<hbm>> -> memref<10000x80xf32, #tpu.memory_space<hbm>>
      tpu.wait_indirect_dma semaphore(%arg7 : memref<!tpu.dma_semaphore, #tpu.memory_space<semaphore_mem>>) src(%dma_wait3A_15 : memref<10000x80xf32, #tpu.memory_space<hbm>>) dst(%arg6 : memref<80x80xf32, #tpu.memory_space<vmem>>)
      "tpu.region"() ({
        %run_scoped3A = tpu.sem_alloc : memref<!tpu.dma_semaphore, #tpu.memory_space<semaphore_mem>>
        %dma_start3A_16 = arith.constant 0 : i32
        %dma_start3A_17 = tpu.memref_slice %arg4[%add3A_11, %dma_start3A_16] : memref<640000x80xf32, #tpu.memory_space<hbm>> -> memref<80x80xf32, #tpu.memory_space<hbm>>
        %dma_start3A_18 = arith.constant 0 : i32
        %dma_start3A_19 = tpu.memref_slice %arg4[%add3A_11, %dma_start3A_18] : memref<640000x80xf32, #tpu.memory_space<hbm>> -> memref<80x80xf32, #tpu.memory_space<hbm>>
        tpu.enqueue_dma source(%arg6 : memref<80x80xf32, #tpu.memory_space<vmem>>) target(%dma_start3A_19 : memref<80x80xf32, #tpu.memory_space<hbm>>) target_semaphore(%run_scoped3A : memref<!tpu.dma_semaphore, #tpu.memory_space<semaphore_mem>>)
        %dma_wait3A_20 = arith.constant 0 : i32
        %dma_wait3A_21 = tpu.memref_slice %arg4[%add3A_11, %dma_wait3A_20] : memref<640000x80xf32, #tpu.memory_space<hbm>> -> memref<80x80xf32, #tpu.memory_space<hbm>>
        %dma_wait3A_22 = arith.constant 0 : i32
        %dma_wait3A_23 = tpu.memref_slice %arg4[%add3A_11, %dma_wait3A_22] : memref<640000x80xf32, #tpu.memory_space<hbm>> -> memref<80x80xf32, #tpu.memory_space<hbm>>
        tpu.wait_dma2 semaphore(%run_scoped3A : memref<!tpu.dma_semaphore, #tpu.memory_space<semaphore_mem>>) src(%arg6 : memref<80x80xf32, #tpu.memory_space<vmem>>) dst(%dma_wait3A_23 : memref<80x80xf32, #tpu.memory_space<hbm>>)
        tpu.yield
      }) : () -> ()
    }
    %scan3A_7 = arith.constant 250 : i32
    return
  }
}

module attributes {stable_mosaic.version = 14 : i64} {
  func.func @_fps_body(%arg0: memref<3x8x2048xf32, #tpu.memory_space<vmem>>, %arg1: memref<80x128xi32, #tpu.memory_space<vmem>>, %arg2: memref<80x128xf32, #tpu.memory_space<vmem>>, %arg3: memref<80x128xf32, #tpu.memory_space<vmem>>, %arg4: memref<80x128xf32, #tpu.memory_space<vmem>>) attributes {dimension_semantics = [], scalar_prefetch = 0 : i64, scratch_operands = 0 : i64, tpu.core_type = #tpu.core_type<tc>} {
    %get3A = arith.constant 0 : index
    %get3A_0 = arith.constant 0 : index
    %get3A_1 = arith.constant 0 : index
    %get3A_2 = vector.load %arg0[%get3A, %get3A_0, %get3A_1] : memref<3x8x2048xf32, #tpu.memory_space<vmem>>, vector<1x8x2048xf32>
    %get3A_3 = vector.shape_cast %get3A_2 : vector<1x8x2048xf32> to vector<8x2048xf32>
    %get3A_4 = arith.constant 1 : index
    %get3A_5 = arith.constant 0 : index
    %get3A_6 = arith.constant 0 : index
    %get3A_7 = vector.load %arg0[%get3A_4, %get3A_5, %get3A_6] : memref<3x8x2048xf32, #tpu.memory_space<vmem>>, vector<1x8x2048xf32>
    %get3A_8 = vector.shape_cast %get3A_7 : vector<1x8x2048xf32> to vector<8x2048xf32>
    %get3A_9 = arith.constant 2 : index
    %get3A_10 = arith.constant 0 : index
    %get3A_11 = arith.constant 0 : index
    %get3A_12 = vector.load %arg0[%get3A_9, %get3A_10, %get3A_11] : memref<3x8x2048xf32, #tpu.memory_space<vmem>>, vector<1x8x2048xf32>
    %get3A_13 = vector.shape_cast %get3A_12 : vector<1x8x2048xf32> to vector<8x2048xf32>
    %iota3A = tpu.iota {dimensions = array<i32: 0>} : vector<8x2048xi32>
    %iota3A_14 = tpu.iota {dimensions = array<i32: 1>} : vector<8x2048xi32>
    %mul3A = arith.constant 2048 : i32
    %mul3A_15 = vector.broadcast %mul3A : i32 to vector<8x2048xi32>
    %mul3A_16 = arith.muli %iota3A, %mul3A_15 : vector<8x2048xi32>
    %add3A = arith.addi %mul3A_16, %iota3A_14 : vector<8x2048xi32>
    %lt3A = arith.constant 16384 : i32
    %lt3A_17 = vector.broadcast %lt3A : i32 to vector<8x2048xi32>
    %lt3A_18 = arith.cmpi slt, %add3A, %lt3A_17 : vector<8x2048xi32>
    %broadcast_in_dim3A = arith.constant 1.000000e+10 : f32
    %broadcast_in_dim3A_19 = vector.broadcast %broadcast_in_dim3A : f32 to vector<8x2048xf32>
    %broadcast_in_dim3A_20 = arith.constant -1.000000e+00 : f32
    %broadcast_in_dim3A_21 = vector.broadcast %broadcast_in_dim3A_20 : f32 to vector<8x2048xf32>
    %select_n3A = arith.select %lt3A_18, %broadcast_in_dim3A_19, %broadcast_in_dim3A_21 : vector<8x2048xi1>, vector<8x2048xf32>
    %iota3A_22 = tpu.iota {dimensions = array<i32: 0>} : vector<8x128xi32>
    %iota3A_23 = tpu.iota {dimensions = array<i32: 1>} : vector<8x128xi32>
    %mul3A_24 = arith.constant 128 : i32
    %mul3A_25 = vector.broadcast %mul3A_24 : i32 to vector<8x128xi32>
    %mul3A_26 = arith.muli %iota3A_22, %mul3A_25 : vector<8x128xi32>
    %add3A_27 = arith.addi %mul3A_26, %iota3A_23 : vector<8x128xi32>
    %broadcast_in_dim3A_28 = arith.constant 0 : i32
    %broadcast_in_dim3A_29 = vector.broadcast %broadcast_in_dim3A_28 : i32 to vector<8x128xi32>
    %broadcast_in_dim3A_30 = arith.constant 0.000000e+00 : f32
    %broadcast_in_dim3A_31 = vector.broadcast %broadcast_in_dim3A_30 : f32 to vector<8x128xf32>
    %scan3A = arith.constant 0 : i32
    %scan3A_32 = arith.constant 0 : i32
    %scan3A_33 = arith.constant 10000 : i32
    %scan3A_34 = arith.addi %scan3A_32, %scan3A_33 : i32
    %scan3A_35 = arith.constant 1 : i32
    %scan3A_36:6 = scf.for %scan3A_49 = %scan3A_32 to %scan3A_34 step %scan3A_35 iter_args(%scan3A_50 = %select_n3A, %scan3A_51 = %scan3A, %scan3A_52 = %broadcast_in_dim3A_29, %scan3A_53 = %broadcast_in_dim3A_31, %scan3A_54 = %broadcast_in_dim3A_31, %scan3A_55 = %broadcast_in_dim3A_31) -> (vector<8x2048xf32>, i32, vector<8x128xi32>, vector<8x128xf32>, vector<8x128xf32>, vector<8x128xf32>)  : i32 {
      %eq3A = vector.broadcast %scan3A_51 : i32 to vector<8x2048xi32>
      %eq3A_56 = arith.cmpi eq, %add3A, %eq3A : vector<8x2048xi32>
      %jit3A = arith.constant 0.000000e+00 : f32
      %broadcast_in_dim3A_57 = vector.broadcast %jit3A : f32 to vector<8x2048xf32>
      %select_n3A_58 = arith.select %eq3A_56, %get3A_3, %broadcast_in_dim3A_57 : vector<8x2048xi1>, vector<8x2048xf32>
      %reduce_sum3A = vector.shape_cast %select_n3A_58 : vector<8x2048xf32> to vector<1x8x2048xf32>
      %reduce_sum3A_59 = arith.constant dense<0.000000e+00> : vector<1xf32>
      %reduce_sum3A_60 = vector.multi_reduction <add>, %reduce_sum3A, %reduce_sum3A_59 [1, 2] : vector<1x8x2048xf32> to vector<1xf32>
      %reduce_sum3A_61 = vector.shape_cast %reduce_sum3A_60 : vector<1xf32> to vector<1x1x1xf32>
      %reduce_sum3A_62 = vector.extract %reduce_sum3A_61[0, 0, 0] : f32 from vector<1x1x1xf32>
      %jit3A_63 = arith.constant 0.000000e+00 : f32
      %broadcast_in_dim3A_64 = vector.broadcast %jit3A_63 : f32 to vector<8x2048xf32>
      %select_n3A_65 = arith.select %eq3A_56, %get3A_8, %broadcast_in_dim3A_64 : vector<8x2048xi1>, vector<8x2048xf32>
      %reduce_sum3A_66 = vector.shape_cast %select_n3A_65 : vector<8x2048xf32> to vector<1x8x2048xf32>
      %reduce_sum3A_67 = arith.constant dense<0.000000e+00> : vector<1xf32>
      %reduce_sum3A_68 = vector.multi_reduction <add>, %reduce_sum3A_66, %reduce_sum3A_67 [1, 2] : vector<1x8x2048xf32> to vector<1xf32>
      %reduce_sum3A_69 = vector.shape_cast %reduce_sum3A_68 : vector<1xf32> to vector<1x1x1xf32>
      %reduce_sum3A_70 = vector.extract %reduce_sum3A_69[0, 0, 0] : f32 from vector<1x1x1xf32>
      %jit3A_71 = arith.constant 0.000000e+00 : f32
      %broadcast_in_dim3A_72 = vector.broadcast %jit3A_71 : f32 to vector<8x2048xf32>
      %select_n3A_73 = arith.select %eq3A_56, %get3A_13, %broadcast_in_dim3A_72 : vector<8x2048xi1>, vector<8x2048xf32>
      %reduce_sum3A_74 = vector.shape_cast %select_n3A_73 : vector<8x2048xf32> to vector<1x8x2048xf32>
      %reduce_sum3A_75 = arith.constant dense<0.000000e+00> : vector<1xf32>
      %reduce_sum3A_76 = vector.multi_reduction <add>, %reduce_sum3A_74, %reduce_sum3A_75 [1, 2] : vector<1x8x2048xf32> to vector<1xf32>
      %reduce_sum3A_77 = vector.shape_cast %reduce_sum3A_76 : vector<1xf32> to vector<1x1x1xf32>
      %reduce_sum3A_78 = vector.extract %reduce_sum3A_77[0, 0, 0] : f32 from vector<1x1x1xf32>
      %jit3A_79 = arith.constant 1024 : i32
      %eq3A_80 = arith.constant 0 : i32
      %eq3A_81 = arith.cmpi eq, %jit3A_79, %eq3A_80 : i32
      %jit3A_82 = arith.constant 1 : i32
      %select_n3A_83 = arith.select %eq3A_81, %jit3A_82, %jit3A_79 : i32
      %rem3A = arith.remsi %scan3A_49, %select_n3A_83 : i32
      %ne3A = arith.constant 0 : i32
      %ne3A_84 = arith.cmpi ne, %rem3A, %ne3A : i32
      %lt3A_85 = arith.constant 0 : i32
      %lt3A_86 = arith.cmpi slt, %rem3A, %lt3A_85 : i32
      %lt3A_87 = arith.constant 0 : i32
      %lt3A_88 = arith.cmpi slt, %select_n3A_83, %lt3A_87 : i32
      %ne3A_89 = arith.xori %lt3A_86, %lt3A_88 : i1
      %and3A = arith.andi %ne3A_89, %ne3A_84 : i1
      %add3A_90 = arith.addi %rem3A, %select_n3A_83 : i32
      %select_n3A_91 = arith.select %and3A, %add3A_90, %rem3A : i32
      %eq3A_92 = vector.broadcast %select_n3A_91 : i32 to vector<8x128xi32>
      %eq3A_93 = arith.cmpi eq, %add3A_27, %eq3A_92 : vector<8x128xi32>
      %broadcast_in_dim3A_94 = vector.broadcast %scan3A_51 : i32 to vector<8x128xi32>
      %select_n3A_95 = arith.select %eq3A_93, %broadcast_in_dim3A_94, %scan3A_52 : vector<8x128xi1>, vector<8x128xi32>
      %broadcast_in_dim3A_96 = vector.broadcast %reduce_sum3A_62 : f32 to vector<8x128xf32>
      %select_n3A_97 = arith.select %eq3A_93, %broadcast_in_dim3A_96, %scan3A_53 : vector<8x128xi1>, vector<8x128xf32>
      %broadcast_in_dim3A_98 = vector.broadcast %reduce_sum3A_70 : f32 to vector<8x128xf32>
      %select_n3A_99 = arith.select %eq3A_93, %broadcast_in_dim3A_98, %scan3A_54 : vector<8x128xi1>, vector<8x128xf32>
      %broadcast_in_dim3A_100 = vector.broadcast %reduce_sum3A_78 : f32 to vector<8x128xf32>
      %select_n3A_101 = arith.select %eq3A_93, %broadcast_in_dim3A_100, %scan3A_55 : vector<8x128xi1>, vector<8x128xf32>
      %sub3A = vector.broadcast %reduce_sum3A_62 : f32 to vector<8x2048xf32>
      %sub3A_102 = arith.subf %get3A_3, %sub3A : vector<8x2048xf32>
      %sub3A_103 = vector.broadcast %reduce_sum3A_70 : f32 to vector<8x2048xf32>
      %sub3A_104 = arith.subf %get3A_8, %sub3A_103 : vector<8x2048xf32>
      %sub3A_105 = vector.broadcast %reduce_sum3A_78 : f32 to vector<8x2048xf32>
      %sub3A_106 = arith.subf %get3A_13, %sub3A_105 : vector<8x2048xf32>
      %mul3A_107 = arith.mulf %sub3A_102, %sub3A_102 : vector<8x2048xf32>
      %mul3A_108 = arith.mulf %sub3A_106, %sub3A_106 : vector<8x2048xf32>
      %add3A_109 = arith.addf %mul3A_107, %mul3A_108 : vector<8x2048xf32>
      %mul3A_110 = arith.mulf %sub3A_104, %sub3A_104 : vector<8x2048xf32>
      %add3A_111 = arith.addf %add3A_109, %mul3A_110 : vector<8x2048xf32>
      %min3A = arith.minimumf %scan3A_50, %add3A_111 : vector<8x2048xf32>
      %reduce_max3A = vector.shape_cast %min3A : vector<8x2048xf32> to vector<1x8x2048xf32>
      %reduce_max3A_112 = arith.constant dense<0xFF800000> : vector<1xf32>
      %reduce_max3A_113 = vector.multi_reduction <maximumf>, %reduce_max3A, %reduce_max3A_112 [1, 2] : vector<1x8x2048xf32> to vector<1xf32>
      %reduce_max3A_114 = vector.shape_cast %reduce_max3A_113 : vector<1xf32> to vector<1x1x1xf32>
      %reduce_max3A_115 = vector.extract %reduce_max3A_114[0, 0, 0] : f32 from vector<1x1x1xf32>
      %eq3A_116 = vector.broadcast %reduce_max3A_115 : f32 to vector<8x2048xf32>
      %eq3A_117 = arith.cmpf oeq, %min3A, %eq3A_116 : vector<8x2048xf32>
      %jit3A_118 = arith.constant 1073741824 : i32
      %broadcast_in_dim3A_119 = vector.broadcast %jit3A_118 : i32 to vector<8x2048xi32>
      %select_n3A_120 = arith.select %eq3A_117, %add3A, %broadcast_in_dim3A_119 : vector<8x2048xi1>, vector<8x2048xi32>
      %reduce_min3A = vector.shape_cast %select_n3A_120 : vector<8x2048xi32> to vector<1x8x2048xi32>
      %reduce_min3A_121 = arith.constant dense<2147483647> : vector<1xi32>
      %reduce_min3A_122 = vector.multi_reduction <minsi>, %reduce_min3A, %reduce_min3A_121 [1, 2] : vector<1x8x2048xi32> to vector<1xi32>
      %reduce_min3A_123 = vector.shape_cast %reduce_min3A_122 : vector<1xi32> to vector<1x1x1xi32>
      %reduce_min3A_124 = vector.extract %reduce_min3A_123[0, 0, 0] : i32 from vector<1x1x1xi32>
      %eq3A_125 = arith.constant 1023 : i32
      %eq3A_126 = arith.cmpi eq, %select_n3A_91, %eq3A_125 : i32
      %convert_element_type3A = arith.extui %eq3A_126 : i1 to i32
      %cond3A = arith.constant 0 : i32
      %cond3A_127 = arith.cmpi ne, %convert_element_type3A, %cond3A : i32
      scf.if %cond3A_127 {
        %jit3A_128 = arith.constant 1024 : i32
        %div3A = arith.divsi %scan3A_49, %jit3A_128 : i32
        %sign3A = arith.constant 0 : i32
        %sign3A_129 = arith.cmpi sgt, %scan3A_49, %sign3A : i32
        %sign3A_130 = arith.extui %sign3A_129 : i1 to i32
        %sign3A_131 = arith.constant 0 : i32
        %sign3A_132 = arith.cmpi slt, %scan3A_49, %sign3A_131 : i32
        %sign3A_133 = arith.extui %sign3A_132 : i1 to i32
        %sign3A_134 = arith.subi %sign3A_130, %sign3A_133 : i32
        %sign3A_135 = arith.constant 0 : i32
        %sign3A_136 = arith.cmpi sgt, %jit3A_128, %sign3A_135 : i32
        %sign3A_137 = arith.extui %sign3A_136 : i1 to i32
        %sign3A_138 = arith.constant 0 : i32
        %sign3A_139 = arith.cmpi slt, %jit3A_128, %sign3A_138 : i32
        %sign3A_140 = arith.extui %sign3A_139 : i1 to i32
        %sign3A_141 = arith.subi %sign3A_137, %sign3A_140 : i32
        %ne3A_142 = arith.cmpi ne, %sign3A_134, %sign3A_141 : i32
        %rem3A_143 = arith.remsi %scan3A_49, %jit3A_128 : i32
        %ne3A_144 = arith.constant 0 : i32
        %ne3A_145 = arith.cmpi ne, %rem3A_143, %ne3A_144 : i32
        %and3A_146 = arith.andi %ne3A_142, %ne3A_145 : i1
        %sub3A_147 = arith.constant 1 : i32
        %sub3A_148 = arith.subi %div3A, %sub3A_147 : i32
        %select_n3A_149 = arith.select %and3A_146, %sub3A_148, %div3A : i32
        %mul3A_150 = arith.constant 8 : i32
        %mul3A_151 = arith.muli %select_n3A_149, %mul3A_150 : i32
        %swap3A_152 = arith.index_cast %mul3A_151 : i32 to index
        %swap3A_153 = arith.constant 0 : index
        %swap3A_154 = vector.load %arg1[%swap3A_152, %swap3A_153] : memref<80x128xi32, #tpu.memory_space<vmem>>, vector<8x128xi32>
        tpu.vector_store %arg1[%swap3A_152, %swap3A_153], %select_n3A_95 {strides = array<i32>} : memref<80x128xi32, #tpu.memory_space<vmem>>, vector<8x128xi32>,
        %swap3A_155 = arith.index_cast %mul3A_151 : i32 to index
        %swap3A_156 = arith.constant 0 : index
        %swap3A_157 = vector.load %arg2[%swap3A_155, %swap3A_156] : memref<80x128xf32, #tpu.memory_space<vmem>>, vector<8x128xf32>
        tpu.vector_store %arg2[%swap3A_155, %swap3A_156], %select_n3A_97 {strides = array<i32>} : memref<80x128xf32, #tpu.memory_space<vmem>>, vector<8x128xf32>,
        %swap3A_158 = arith.index_cast %mul3A_151 : i32 to index
        %swap3A_159 = arith.constant 0 : index
        %swap3A_160 = vector.load %arg3[%swap3A_158, %swap3A_159] : memref<80x128xf32, #tpu.memory_space<vmem>>, vector<8x128xf32>
        tpu.vector_store %arg3[%swap3A_158, %swap3A_159], %select_n3A_99 {strides = array<i32>} : memref<80x128xf32, #tpu.memory_space<vmem>>, vector<8x128xf32>,
        %swap3A_161 = arith.index_cast %mul3A_151 : i32 to index
        %swap3A_162 = arith.constant 0 : index
        %swap3A_163 = vector.load %arg4[%swap3A_161, %swap3A_162] : memref<80x128xf32, #tpu.memory_space<vmem>>, vector<8x128xf32>
        tpu.vector_store %arg4[%swap3A_161, %swap3A_162], %select_n3A_101 {strides = array<i32>} : memref<80x128xf32, #tpu.memory_space<vmem>>, vector<8x128xf32>,
      } else {
      }
      scf.yield %min3A, %reduce_min3A_124, %select_n3A_95, %select_n3A_97, %select_n3A_99, %select_n3A_101 : vector<8x2048xf32>, i32, vector<8x128xi32>, vector<8x128xf32>, vector<8x128xf32>, vector<8x128xf32>
    }
    %scan3A_37 = arith.constant 10000 : i32
    %swap3A = arith.constant 72 : index
    %swap3A_38 = arith.constant 0 : index
    %swap3A_39 = vector.load %arg1[%swap3A, %swap3A_38] : memref<80x128xi32, #tpu.memory_space<vmem>>, vector<8x128xi32>
    tpu.vector_store %arg1[%swap3A, %swap3A_38], %scan3A_36#2 {strides = array<i32>} : memref<80x128xi32, #tpu.memory_space<vmem>>, vector<8x128xi32>,
    %swap3A_40 = arith.constant 72 : index
    %swap3A_41 = arith.constant 0 : index
    %swap3A_42 = vector.load %arg2[%swap3A_40, %swap3A_41] : memref<80x128xf32, #tpu.memory_space<vmem>>, vector<8x128xf32>
    tpu.vector_store %arg2[%swap3A_40, %swap3A_41], %scan3A_36#3 {strides = array<i32>} : memref<80x128xf32, #tpu.memory_space<vmem>>, vector<8x128xf32>,
    %swap3A_43 = arith.constant 72 : index
    %swap3A_44 = arith.constant 0 : index
    %swap3A_45 = vector.load %arg3[%swap3A_43, %swap3A_44] : memref<80x128xf32, #tpu.memory_space<vmem>>, vector<8x128xf32>
    tpu.vector_store %arg3[%swap3A_43, %swap3A_44], %scan3A_36#4 {strides = array<i32>} : memref<80x128xf32, #tpu.memory_space<vmem>>, vector<8x128xf32>,
    %swap3A_46 = arith.constant 72 : index
    %swap3A_47 = arith.constant 0 : index
    %swap3A_48 = vector.load %arg4[%swap3A_46, %swap3A_47] : memref<80x128xf32, #tpu.memory_space<vmem>>, vector<8x128xf32>
    tpu.vector_store %arg4[%swap3A_46, %swap3A_47], %scan3A_36#5 {strides = array<i32>} : memref<80x128xf32, #tpu.memory_space<vmem>>, vector<8x128xf32>,
    return
  }
}

module attributes {stable_mosaic.version = 14 : i64} {
  func.func @_select_body(%arg0: i32, %arg1: memref<1x8x3xf32, #tpu.memory_space<vmem>>, %arg2: memref<3x16384xf32, #tpu.memory_space<vmem>>, %arg3: memref<1x8x128xi32, #tpu.memory_space<vmem>>) attributes {dimension_semantics = [#tpu.dimension_semantics<arbitrary>], iteration_bounds = array<i64: 1250>, scalar_prefetch = 0 : i64, scratch_operands = 0 : i64, tpu.core_type = #tpu.core_type<tc>, window_params = [{transform_indices = @transform_0, window_bounds = array<i64: 1, 8, 3>}, {pipeline_mode = #tpu.pipeline_mode<synchronous>, transform_indices = @transform_1, window_bounds = array<i64: 3, 16384>}, {transform_indices = @transform_2, window_bounds = array<i64: 1, 8, 128>}]} {
    %get3A = arith.constant 0 : index
    %get3A_0 = arith.constant 0 : index
    %get3A_1 = arith.constant 0 : index
    %get3A_2 = vector.load %arg1[%get3A, %get3A_0, %get3A_1] : memref<1x8x3xf32, #tpu.memory_space<vmem>>, vector<1x8x3xf32>
    %get3A_3 = vector.shape_cast %get3A_2 : vector<1x8x3xf32> to vector<8x3xf32>
    %get3A_4 = arith.constant 0 : index
    %get3A_5 = arith.constant 0 : index
    %get3A_6 = vector.load %arg2[%get3A_4, %get3A_5] : memref<3x16384xf32, #tpu.memory_space<vmem>>, vector<1x16384xf32>
    %get3A_7 = arith.constant 1 : index
    %get3A_8 = arith.constant 0 : index
    %get3A_9 = vector.load %arg2[%get3A_7, %get3A_8] : memref<3x16384xf32, #tpu.memory_space<vmem>>, vector<1x16384xf32>
    %get3A_10 = arith.constant 2 : index
    %get3A_11 = arith.constant 0 : index
    %get3A_12 = vector.load %arg2[%get3A_10, %get3A_11] : memref<3x16384xf32, #tpu.memory_space<vmem>>, vector<1x16384xf32>
    %mul3A = arith.mulf %get3A_6, %get3A_6 : vector<1x16384xf32>
    %mul3A_13 = arith.mulf %get3A_12, %get3A_12 : vector<1x16384xf32>
    %add3A = arith.addf %mul3A, %mul3A_13 : vector<1x16384xf32>
    %mul3A_14 = arith.mulf %get3A_9, %get3A_9 : vector<1x16384xf32>
    %add3A_15 = arith.addf %add3A, %mul3A_14 : vector<1x16384xf32>
    %get3A_16 = arith.constant 0 : index
    %get3A_17 = arith.constant 0 : index
    %get3A_18 = vector.load %arg2[%get3A_16, %get3A_17] : memref<3x16384xf32, #tpu.memory_space<vmem>>, vector<3x16384xf32>
    %convert_element_type3A = arith.truncf %get3A_3 : vector<8x3xf32> to vector<8x3xbf16>
    %convert_element_type3A_19 = arith.truncf %get3A_18 : vector<3x16384xf32> to vector<3x16384xbf16>
    %dot_general3A = arith.constant dense<0.000000e+00> : vector<8x16384xf32>
    %dot_general3A_20 = tpu.matmul %convert_element_type3A, %convert_element_type3A_19, %dot_general3A {dimension_numbers = #tpu.dot_dimension_numbers<[1], [0], [0], [1], [0, 0, 1, 1], [], []>, transpose_lhs_hint = false} : vector<8x3xbf16>, vector<3x16384xbf16>, vector<8x16384xf32> -> vector<8x16384xf32>
    %slice3A = vector.extract_strided_slice %get3A_3 {offsets = [0, 0], sizes = [8, 1], strides = [1, 1]} : vector<8x3xf32> to vector<8x1xf32>
    %slice3A_21 = vector.extract_strided_slice %get3A_3 {offsets = [0, 1], sizes = [8, 1], strides = [1, 1]} : vector<8x3xf32> to vector<8x1xf32>
    %slice3A_22 = vector.extract_strided_slice %get3A_3 {offsets = [0, 2], sizes = [8, 1], strides = [1, 1]} : vector<8x3xf32> to vector<8x1xf32>
    %mul3A_23 = arith.mulf %slice3A, %slice3A : vector<8x1xf32>
    %mul3A_24 = arith.mulf %slice3A_22, %slice3A_22 : vector<8x1xf32>
    %add3A_25 = arith.addf %mul3A_23, %mul3A_24 : vector<8x1xf32>
    %mul3A_26 = arith.mulf %slice3A_21, %slice3A_21 : vector<8x1xf32>
    %add3A_27 = arith.addf %add3A_25, %mul3A_26 : vector<8x1xf32>
    %mul3A_28 = arith.constant 2.000000e+00 : f32
    %mul3A_29 = vector.broadcast %mul3A_28 : f32 to vector<8x16384xf32>
    %mul3A_30 = arith.mulf %mul3A_29, %dot_general3A_20 : vector<8x16384xf32>
    %sub3A = vector.broadcast %add3A_27 : vector<8x1xf32> to vector<8x16384xf32>
    %sub3A_31 = arith.subf %sub3A, %mul3A_30 : vector<8x16384xf32>
    %add3A_32 = vector.broadcast %add3A_15 : vector<1x16384xf32> to vector<8x16384xf32>
    %add3A_33 = arith.addf %sub3A_31, %add3A_32 : vector<8x16384xf32>
    %iota3A = tpu.iota {dimensions = array<i32: 1>} : vector<8x16384xi32>
    %gt3A = arith.constant 0.00999999977 : f32
    %gt3A_34 = vector.broadcast %gt3A : f32 to vector<8x16384xf32>
    %gt3A_35 = arith.cmpf ogt, %add3A_33, %gt3A_34 : vector<8x16384xf32>
    %not3A = arith.constant dense<true> : vector<8x16384xi1>
    %not3A_36 = arith.xori %gt3A_35, %not3A : vector<8x16384xi1>
    %lt3A = arith.constant 16384 : i32
    %lt3A_37 = vector.broadcast %lt3A : i32 to vector<8x16384xi32>
    %lt3A_38 = arith.cmpi slt, %iota3A, %lt3A_37 : vector<8x16384xi32>
    %and3A = arith.andi %not3A_36, %lt3A_38 : vector<8x16384xi1>
    %convert_element_type3A_39 = arith.sitofp %iota3A : vector<8x16384xi32> to vector<8x16384xf32>
    %jit3A = arith.constant 3.000000e+07 : f32
    %broadcast_in_dim3A = vector.broadcast %jit3A : f32 to vector<8x16384xf32>
    %select_n3A = arith.select %and3A, %convert_element_type3A_39, %broadcast_in_dim3A : vector<8x16384xi1>, vector<8x16384xf32>
    %convert_element_type3A_40 = arith.extui %and3A : vector<8x16384xi1> to vector<8x16384xi32>
    %reduce_sum3A = arith.constant dense<0> : vector<8xi32>
    %reduce_sum3A_41 = vector.multi_reduction <add>, %convert_element_type3A_40, %reduce_sum3A [1] : vector<8x16384xi32> to vector<8xi32>
    %reduce_max3A = vector.shape_cast %reduce_sum3A_41 : vector<8xi32> to vector<1x8xi32>
    %reduce_max3A_42 = arith.constant dense<-2147483648> : vector<1xi32>
    %reduce_max3A_43 = vector.multi_reduction <maxsi>, %reduce_max3A, %reduce_max3A_42 [1] : vector<1x8xi32> to vector<1xi32>
    %reduce_max3A_44 = vector.shape_cast %reduce_max3A_43 : vector<1xi32> to vector<1x1xi32>
    %reduce_max3A_45 = vector.extract %reduce_max3A_44[0, 0] : i32 from vector<1x1xi32>
    %min3A = arith.constant 128 : i32
    %min3A_46 = arith.minsi %reduce_max3A_45, %min3A : i32
    %iota3A_47 = tpu.iota {dimensions = array<i32: 1>} : vector<8x128xi32>
    %broadcast_in_dim3A_48 = arith.constant 3.000000e+07 : f32
    %broadcast_in_dim3A_49 = vector.broadcast %broadcast_in_dim3A_48 : f32 to vector<8x128xf32>
    %broadcast_in_dim3A_50 = arith.constant -1.000000e+00 : f32
    %broadcast_in_dim3A_51 = vector.broadcast %broadcast_in_dim3A_50 : f32 to vector<8x1xf32>
    %scan3A = arith.constant 0 : i32
    %scan3A_52 = arith.constant 128 : i32
    %scan3A_53 = arith.addi %scan3A, %scan3A_52 : i32
    %scan3A_54 = arith.constant 1 : i32
    %scan3A_55:2 = scf.for %scan3A_72 = %scan3A to %scan3A_53 step %scan3A_54 iter_args(%scan3A_73 = %broadcast_in_dim3A_49, %scan3A_74 = %broadcast_in_dim3A_51) -> (vector<8x128xf32>, vector<8x1xf32>)  : i32 {
      %lt3A_75 = arith.cmpi slt, %scan3A_72, %min3A_46 : i32
      %convert_element_type3A_76 = arith.extui %lt3A_75 : i1 to i32
      %cond3A = arith.constant 0 : i32
      %cond3A_77 = arith.cmpi ne, %convert_element_type3A_76, %cond3A : i32
      %cond3A_78:2 = scf.if %cond3A_77 -> (vector<8x128xf32>, vector<8x1xf32>) {
        %gt3A_79 = vector.broadcast %scan3A_74 : vector<8x1xf32> to vector<8x16384xf32>
        %gt3A_80 = arith.cmpf ogt, %select_n3A, %gt3A_79 : vector<8x16384xf32>
        %jit3A_81 = arith.constant 3.000000e+07 : f32
        %broadcast_in_dim3A_82 = vector.broadcast %jit3A_81 : f32 to vector<8x16384xf32>
        %select_n3A_83 = arith.select %gt3A_80, %select_n3A, %broadcast_in_dim3A_82 : vector<8x16384xi1>, vector<8x16384xf32>
        %reduce_min3A = arith.constant dense<0x7F800000> : vector<8xf32>
        %reduce_min3A_84 = vector.multi_reduction <minimumf>, %select_n3A_83, %reduce_min3A [1] : vector<8x16384xf32> to vector<8xf32>
        %broadcast_in_dim3A_85 = vector.shape_cast %reduce_min3A_84 : vector<8xf32> to vector<8x1xf32>
        %eq3A = vector.broadcast %scan3A_72 : i32 to vector<8x128xi32>
        %eq3A_86 = arith.cmpi eq, %iota3A_47, %eq3A : vector<8x128xi32>
        %broadcast_in_dim3A_87 = vector.shape_cast %broadcast_in_dim3A_85 : vector<8x1xf32> to vector<8x1xf32>
        %broadcast_in_dim3A_88 = vector.broadcast %broadcast_in_dim3A_87 : vector<8x1xf32> to vector<8x128xf32>
        %select_n3A_89 = arith.select %eq3A_86, %broadcast_in_dim3A_88, %scan3A_73 : vector<8x128xi1>, vector<8x128xf32>
        scf.yield %select_n3A_89, %broadcast_in_dim3A_85 : vector<8x128xf32>, vector<8x1xf32>
      } else {
        scf.yield %scan3A_73, %scan3A_74 : vector<8x128xf32>, vector<8x1xf32>
      }
      scf.yield %cond3A_78#0, %cond3A_78#1 : vector<8x128xf32>, vector<8x1xf32>
    }
    %scan3A_56 = arith.constant 128 : i32
    %slice3A_57 = vector.extract_strided_slice %scan3A_55#0 {offsets = [0, 0], sizes = [8, 1], strides = [1, 1]} : vector<8x128xf32> to vector<8x1xf32>
    %ge3A = arith.constant 3.000000e+07 : f32
    %ge3A_58 = vector.broadcast %ge3A : f32 to vector<8x128xf32>
    %ge3A_59 = arith.cmpf oge, %scan3A_55#0, %ge3A_58 : vector<8x128xf32>
    %broadcast_in_dim3A_60 = vector.shape_cast %slice3A_57 : vector<8x1xf32> to vector<8x1xf32>
    %broadcast_in_dim3A_61 = vector.broadcast %broadcast_in_dim3A_60 : vector<8x1xf32> to vector<8x128xf32>
    %select_n3A_62 = arith.select %ge3A_59, %broadcast_in_dim3A_61, %scan3A_55#0 : vector<8x128xi1>, vector<8x128xf32>
    %min3A_63 = arith.constant 1.638300e+04 : f32
    %min3A_64 = vector.broadcast %min3A_63 : f32 to vector<8x128xf32>
    %min3A_65 = arith.minimumf %select_n3A_62, %min3A_64 : vector<8x128xf32>
    %convert_element_type3A_66 = arith.fptosi %min3A_65 : vector<8x128xf32> to vector<8x128xi32>
    %swap3A = arith.constant 0 : index
    %swap3A_67 = arith.constant 0 : index
    %swap3A_68 = arith.constant 0 : index
    %swap3A_69 = vector.load %arg3[%swap3A, %swap3A_67, %swap3A_68] : memref<1x8x128xi32, #tpu.memory_space<vmem>>, vector<1x8x128xi32>
    %swap3A_70 = vector.shape_cast %swap3A_69 : vector<1x8x128xi32> to vector<8x128xi32>
    %swap3A_71 = vector.shape_cast %convert_element_type3A_66 : vector<8x128xi32> to vector<1x8x128xi32>
    tpu.vector_store %arg3[%swap3A, %swap3A_67, %swap3A_68], %swap3A_71 {strides = array<i32>} : memref<1x8x128xi32, #tpu.memory_space<vmem>>, vector<1x8x128xi32>,
    return
  }
  func.func @transform_0(%arg0: i32) -> (i32, i32, i32) {
    %c0_i32 = arith.constant 0 : i32
    %c0_i32_0 = arith.constant 0 : i32
    %c0_i32_1 = arith.constant 0 : i32
    return %arg0, %c0_i32, %c0_i32_0 : i32, i32, i32
  }
  func.func @transform_1(%arg0: i32) -> (i32, i32) {
    %c0_i32 = arith.constant 0 : i32
    %c0_i32_0 = arith.constant 0 : i32
    %c0_i32_1 = arith.constant 0 : i32
    return %c0_i32, %c0_i32_0 : i32, i32
  }
  func.func @transform_2(%arg0: i32) -> (i32, i32, i32) {
    %c0_i32 = arith.constant 0 : i32
    %c0_i32_0 = arith.constant 0 : i32
    %c0_i32_1 = arith.constant 0 : i32
    return %arg0, %c0_i32, %c0_i32_0 : i32, i32, i32
  }
}

module attributes {stable_mosaic.version = 14 : i64} {
  func.func @_fps_body(%arg0: memref<3x8x1280xf32, #tpu.memory_space<vmem>>, %arg1: memref<80x128xi32, #tpu.memory_space<vmem>>, %arg2: memref<80x128xf32, #tpu.memory_space<vmem>>, %arg3: memref<80x128xf32, #tpu.memory_space<vmem>>, %arg4: memref<80x128xf32, #tpu.memory_space<vmem>>) attributes {dimension_semantics = [], scalar_prefetch = 0 : i64, scratch_operands = 0 : i64, tpu.core_type = #tpu.core_type<tc>} {
    %get3A = arith.constant 0 : index
    %get3A_0 = arith.constant 0 : index
    %get3A_1 = arith.constant 0 : index
    %get3A_2 = vector.load %arg0[%get3A, %get3A_0, %get3A_1] : memref<3x8x1280xf32, #tpu.memory_space<vmem>>, vector<1x8x1280xf32>
    %get3A_3 = vector.shape_cast %get3A_2 : vector<1x8x1280xf32> to vector<8x1280xf32>
    %get3A_4 = arith.constant 1 : index
    %get3A_5 = arith.constant 0 : index
    %get3A_6 = arith.constant 0 : index
    %get3A_7 = vector.load %arg0[%get3A_4, %get3A_5, %get3A_6] : memref<3x8x1280xf32, #tpu.memory_space<vmem>>, vector<1x8x1280xf32>
    %get3A_8 = vector.shape_cast %get3A_7 : vector<1x8x1280xf32> to vector<8x1280xf32>
    %get3A_9 = arith.constant 2 : index
    %get3A_10 = arith.constant 0 : index
    %get3A_11 = arith.constant 0 : index
    %get3A_12 = vector.load %arg0[%get3A_9, %get3A_10, %get3A_11] : memref<3x8x1280xf32, #tpu.memory_space<vmem>>, vector<1x8x1280xf32>
    %get3A_13 = vector.shape_cast %get3A_12 : vector<1x8x1280xf32> to vector<8x1280xf32>
    %iota3A = tpu.iota {dimensions = array<i32: 0>} : vector<8x1280xi32>
    %iota3A_14 = tpu.iota {dimensions = array<i32: 1>} : vector<8x1280xi32>
    %mul3A = arith.constant 1280 : i32
    %mul3A_15 = vector.broadcast %mul3A : i32 to vector<8x1280xi32>
    %mul3A_16 = arith.muli %iota3A, %mul3A_15 : vector<8x1280xi32>
    %add3A = arith.addi %mul3A_16, %iota3A_14 : vector<8x1280xi32>
    %lt3A = arith.constant 10000 : i32
    %lt3A_17 = vector.broadcast %lt3A : i32 to vector<8x1280xi32>
    %lt3A_18 = arith.cmpi slt, %add3A, %lt3A_17 : vector<8x1280xi32>
    %broadcast_in_dim3A = arith.constant 1.000000e+10 : f32
    %broadcast_in_dim3A_19 = vector.broadcast %broadcast_in_dim3A : f32 to vector<8x1280xf32>
    %broadcast_in_dim3A_20 = arith.constant -1.000000e+00 : f32
    %broadcast_in_dim3A_21 = vector.broadcast %broadcast_in_dim3A_20 : f32 to vector<8x1280xf32>
    %select_n3A = arith.select %lt3A_18, %broadcast_in_dim3A_19, %broadcast_in_dim3A_21 : vector<8x1280xi1>, vector<8x1280xf32>
    %iota3A_22 = tpu.iota {dimensions = array<i32: 0>} : vector<8x128xi32>
    %iota3A_23 = tpu.iota {dimensions = array<i32: 1>} : vector<8x128xi32>
    %mul3A_24 = arith.constant 128 : i32
    %mul3A_25 = vector.broadcast %mul3A_24 : i32 to vector<8x128xi32>
    %mul3A_26 = arith.muli %iota3A_22, %mul3A_25 : vector<8x128xi32>
    %add3A_27 = arith.addi %mul3A_26, %iota3A_23 : vector<8x128xi32>
    %broadcast_in_dim3A_28 = arith.constant 0 : i32
    %broadcast_in_dim3A_29 = vector.broadcast %broadcast_in_dim3A_28 : i32 to vector<8x128xi32>
    %broadcast_in_dim3A_30 = arith.constant 0.000000e+00 : f32
    %broadcast_in_dim3A_31 = vector.broadcast %broadcast_in_dim3A_30 : f32 to vector<8x128xf32>
    %scan3A = arith.constant 0 : i32
    %scan3A_32 = arith.constant 0 : i32
    %scan3A_33 = arith.constant 10000 : i32
    %scan3A_34 = arith.addi %scan3A_32, %scan3A_33 : i32
    %scan3A_35 = arith.constant 1 : i32
    %scan3A_36:6 = scf.for %scan3A_49 = %scan3A_32 to %scan3A_34 step %scan3A_35 iter_args(%scan3A_50 = %select_n3A, %scan3A_51 = %scan3A, %scan3A_52 = %broadcast_in_dim3A_29, %scan3A_53 = %broadcast_in_dim3A_31, %scan3A_54 = %broadcast_in_dim3A_31, %scan3A_55 = %broadcast_in_dim3A_31) -> (vector<8x1280xf32>, i32, vector<8x128xi32>, vector<8x128xf32>, vector<8x128xf32>, vector<8x128xf32>)  : i32 {
      %eq3A = vector.broadcast %scan3A_51 : i32 to vector<8x1280xi32>
      %eq3A_56 = arith.cmpi eq, %add3A, %eq3A : vector<8x1280xi32>
      %jit3A = arith.constant 0.000000e+00 : f32
      %broadcast_in_dim3A_57 = vector.broadcast %jit3A : f32 to vector<8x1280xf32>
      %select_n3A_58 = arith.select %eq3A_56, %get3A_3, %broadcast_in_dim3A_57 : vector<8x1280xi1>, vector<8x1280xf32>
      %reduce_sum3A = vector.shape_cast %select_n3A_58 : vector<8x1280xf32> to vector<1x8x1280xf32>
      %reduce_sum3A_59 = arith.constant dense<0.000000e+00> : vector<1xf32>
      %reduce_sum3A_60 = vector.multi_reduction <add>, %reduce_sum3A, %reduce_sum3A_59 [1, 2] : vector<1x8x1280xf32> to vector<1xf32>
      %reduce_sum3A_61 = vector.shape_cast %reduce_sum3A_60 : vector<1xf32> to vector<1x1x1xf32>
      %reduce_sum3A_62 = vector.extract %reduce_sum3A_61[0, 0, 0] : f32 from vector<1x1x1xf32>
      %jit3A_63 = arith.constant 0.000000e+00 : f32
      %broadcast_in_dim3A_64 = vector.broadcast %jit3A_63 : f32 to vector<8x1280xf32>
      %select_n3A_65 = arith.select %eq3A_56, %get3A_8, %broadcast_in_dim3A_64 : vector<8x1280xi1>, vector<8x1280xf32>
      %reduce_sum3A_66 = vector.shape_cast %select_n3A_65 : vector<8x1280xf32> to vector<1x8x1280xf32>
      %reduce_sum3A_67 = arith.constant dense<0.000000e+00> : vector<1xf32>
      %reduce_sum3A_68 = vector.multi_reduction <add>, %reduce_sum3A_66, %reduce_sum3A_67 [1, 2] : vector<1x8x1280xf32> to vector<1xf32>
      %reduce_sum3A_69 = vector.shape_cast %reduce_sum3A_68 : vector<1xf32> to vector<1x1x1xf32>
      %reduce_sum3A_70 = vector.extract %reduce_sum3A_69[0, 0, 0] : f32 from vector<1x1x1xf32>
      %jit3A_71 = arith.constant 0.000000e+00 : f32
      %broadcast_in_dim3A_72 = vector.broadcast %jit3A_71 : f32 to vector<8x1280xf32>
      %select_n3A_73 = arith.select %eq3A_56, %get3A_13, %broadcast_in_dim3A_72 : vector<8x1280xi1>, vector<8x1280xf32>
      %reduce_sum3A_74 = vector.shape_cast %select_n3A_73 : vector<8x1280xf32> to vector<1x8x1280xf32>
      %reduce_sum3A_75 = arith.constant dense<0.000000e+00> : vector<1xf32>
      %reduce_sum3A_76 = vector.multi_reduction <add>, %reduce_sum3A_74, %reduce_sum3A_75 [1, 2] : vector<1x8x1280xf32> to vector<1xf32>
      %reduce_sum3A_77 = vector.shape_cast %reduce_sum3A_76 : vector<1xf32> to vector<1x1x1xf32>
      %reduce_sum3A_78 = vector.extract %reduce_sum3A_77[0, 0, 0] : f32 from vector<1x1x1xf32>
      %jit3A_79 = arith.constant 1024 : i32
      %eq3A_80 = arith.constant 0 : i32
      %eq3A_81 = arith.cmpi eq, %jit3A_79, %eq3A_80 : i32
      %jit3A_82 = arith.constant 1 : i32
      %select_n3A_83 = arith.select %eq3A_81, %jit3A_82, %jit3A_79 : i32
      %rem3A = arith.remsi %scan3A_49, %select_n3A_83 : i32
      %ne3A = arith.constant 0 : i32
      %ne3A_84 = arith.cmpi ne, %rem3A, %ne3A : i32
      %lt3A_85 = arith.constant 0 : i32
      %lt3A_86 = arith.cmpi slt, %rem3A, %lt3A_85 : i32
      %lt3A_87 = arith.constant 0 : i32
      %lt3A_88 = arith.cmpi slt, %select_n3A_83, %lt3A_87 : i32
      %ne3A_89 = arith.xori %lt3A_86, %lt3A_88 : i1
      %and3A = arith.andi %ne3A_89, %ne3A_84 : i1
      %add3A_90 = arith.addi %rem3A, %select_n3A_83 : i32
      %select_n3A_91 = arith.select %and3A, %add3A_90, %rem3A : i32
      %eq3A_92 = vector.broadcast %select_n3A_91 : i32 to vector<8x128xi32>
      %eq3A_93 = arith.cmpi eq, %add3A_27, %eq3A_92 : vector<8x128xi32>
      %broadcast_in_dim3A_94 = vector.broadcast %scan3A_51 : i32 to vector<8x128xi32>
      %select_n3A_95 = arith.select %eq3A_93, %broadcast_in_dim3A_94, %scan3A_52 : vector<8x128xi1>, vector<8x128xi32>
      %broadcast_in_dim3A_96 = vector.broadcast %reduce_sum3A_62 : f32 to vector<8x128xf32>
      %select_n3A_97 = arith.select %eq3A_93, %broadcast_in_dim3A_96, %scan3A_53 : vector<8x128xi1>, vector<8x128xf32>
      %broadcast_in_dim3A_98 = vector.broadcast %reduce_sum3A_70 : f32 to vector<8x128xf32>
      %select_n3A_99 = arith.select %eq3A_93, %broadcast_in_dim3A_98, %scan3A_54 : vector<8x128xi1>, vector<8x128xf32>
      %broadcast_in_dim3A_100 = vector.broadcast %reduce_sum3A_78 : f32 to vector<8x128xf32>
      %select_n3A_101 = arith.select %eq3A_93, %broadcast_in_dim3A_100, %scan3A_55 : vector<8x128xi1>, vector<8x128xf32>
      %sub3A = vector.broadcast %reduce_sum3A_62 : f32 to vector<8x1280xf32>
      %sub3A_102 = arith.subf %get3A_3, %sub3A : vector<8x1280xf32>
      %sub3A_103 = vector.broadcast %reduce_sum3A_70 : f32 to vector<8x1280xf32>
      %sub3A_104 = arith.subf %get3A_8, %sub3A_103 : vector<8x1280xf32>
      %sub3A_105 = vector.broadcast %reduce_sum3A_78 : f32 to vector<8x1280xf32>
      %sub3A_106 = arith.subf %get3A_13, %sub3A_105 : vector<8x1280xf32>
      %mul3A_107 = arith.mulf %sub3A_102, %sub3A_102 : vector<8x1280xf32>
      %mul3A_108 = arith.mulf %sub3A_106, %sub3A_106 : vector<8x1280xf32>
      %add3A_109 = arith.addf %mul3A_107, %mul3A_108 : vector<8x1280xf32>
      %mul3A_110 = arith.mulf %sub3A_104, %sub3A_104 : vector<8x1280xf32>
      %add3A_111 = arith.addf %add3A_109, %mul3A_110 : vector<8x1280xf32>
      %min3A = arith.minimumf %scan3A_50, %add3A_111 : vector<8x1280xf32>
      %reduce_max3A = vector.shape_cast %min3A : vector<8x1280xf32> to vector<1x8x1280xf32>
      %reduce_max3A_112 = arith.constant dense<0xFF800000> : vector<1xf32>
      %reduce_max3A_113 = vector.multi_reduction <maximumf>, %reduce_max3A, %reduce_max3A_112 [1, 2] : vector<1x8x1280xf32> to vector<1xf32>
      %reduce_max3A_114 = vector.shape_cast %reduce_max3A_113 : vector<1xf32> to vector<1x1x1xf32>
      %reduce_max3A_115 = vector.extract %reduce_max3A_114[0, 0, 0] : f32 from vector<1x1x1xf32>
      %eq3A_116 = vector.broadcast %reduce_max3A_115 : f32 to vector<8x1280xf32>
      %eq3A_117 = arith.cmpf oeq, %min3A, %eq3A_116 : vector<8x1280xf32>
      %jit3A_118 = arith.constant 1073741824 : i32
      %broadcast_in_dim3A_119 = vector.broadcast %jit3A_118 : i32 to vector<8x1280xi32>
      %select_n3A_120 = arith.select %eq3A_117, %add3A, %broadcast_in_dim3A_119 : vector<8x1280xi1>, vector<8x1280xi32>
      %reduce_min3A = vector.shape_cast %select_n3A_120 : vector<8x1280xi32> to vector<1x8x1280xi32>
      %reduce_min3A_121 = arith.constant dense<2147483647> : vector<1xi32>
      %reduce_min3A_122 = vector.multi_reduction <minsi>, %reduce_min3A, %reduce_min3A_121 [1, 2] : vector<1x8x1280xi32> to vector<1xi32>
      %reduce_min3A_123 = vector.shape_cast %reduce_min3A_122 : vector<1xi32> to vector<1x1x1xi32>
      %reduce_min3A_124 = vector.extract %reduce_min3A_123[0, 0, 0] : i32 from vector<1x1x1xi32>
      %eq3A_125 = arith.constant 1023 : i32
      %eq3A_126 = arith.cmpi eq, %select_n3A_91, %eq3A_125 : i32
      %convert_element_type3A = arith.extui %eq3A_126 : i1 to i32
      %cond3A = arith.constant 0 : i32
      %cond3A_127 = arith.cmpi ne, %convert_element_type3A, %cond3A : i32
      scf.if %cond3A_127 {
        %jit3A_128 = arith.constant 1024 : i32
        %div3A = arith.divsi %scan3A_49, %jit3A_128 : i32
        %sign3A = arith.constant 0 : i32
        %sign3A_129 = arith.cmpi sgt, %scan3A_49, %sign3A : i32
        %sign3A_130 = arith.extui %sign3A_129 : i1 to i32
        %sign3A_131 = arith.constant 0 : i32
        %sign3A_132 = arith.cmpi slt, %scan3A_49, %sign3A_131 : i32
        %sign3A_133 = arith.extui %sign3A_132 : i1 to i32
        %sign3A_134 = arith.subi %sign3A_130, %sign3A_133 : i32
        %sign3A_135 = arith.constant 0 : i32
        %sign3A_136 = arith.cmpi sgt, %jit3A_128, %sign3A_135 : i32
        %sign3A_137 = arith.extui %sign3A_136 : i1 to i32
        %sign3A_138 = arith.constant 0 : i32
        %sign3A_139 = arith.cmpi slt, %jit3A_128, %sign3A_138 : i32
        %sign3A_140 = arith.extui %sign3A_139 : i1 to i32
        %sign3A_141 = arith.subi %sign3A_137, %sign3A_140 : i32
        %ne3A_142 = arith.cmpi ne, %sign3A_134, %sign3A_141 : i32
        %rem3A_143 = arith.remsi %scan3A_49, %jit3A_128 : i32
        %ne3A_144 = arith.constant 0 : i32
        %ne3A_145 = arith.cmpi ne, %rem3A_143, %ne3A_144 : i32
        %and3A_146 = arith.andi %ne3A_142, %ne3A_145 : i1
        %sub3A_147 = arith.constant 1 : i32
        %sub3A_148 = arith.subi %div3A, %sub3A_147 : i32
        %select_n3A_149 = arith.select %and3A_146, %sub3A_148, %div3A : i32
        %mul3A_150 = arith.constant 8 : i32
        %mul3A_151 = arith.muli %select_n3A_149, %mul3A_150 : i32
        %swap3A_152 = arith.index_cast %mul3A_151 : i32 to index
        %swap3A_153 = arith.constant 0 : index
        %swap3A_154 = vector.load %arg1[%swap3A_152, %swap3A_153] : memref<80x128xi32, #tpu.memory_space<vmem>>, vector<8x128xi32>
        tpu.vector_store %arg1[%swap3A_152, %swap3A_153], %select_n3A_95 {strides = array<i32>} : memref<80x128xi32, #tpu.memory_space<vmem>>, vector<8x128xi32>,
        %swap3A_155 = arith.index_cast %mul3A_151 : i32 to index
        %swap3A_156 = arith.constant 0 : index
        %swap3A_157 = vector.load %arg2[%swap3A_155, %swap3A_156] : memref<80x128xf32, #tpu.memory_space<vmem>>, vector<8x128xf32>
        tpu.vector_store %arg2[%swap3A_155, %swap3A_156], %select_n3A_97 {strides = array<i32>} : memref<80x128xf32, #tpu.memory_space<vmem>>, vector<8x128xf32>,
        %swap3A_158 = arith.index_cast %mul3A_151 : i32 to index
        %swap3A_159 = arith.constant 0 : index
        %swap3A_160 = vector.load %arg3[%swap3A_158, %swap3A_159] : memref<80x128xf32, #tpu.memory_space<vmem>>, vector<8x128xf32>
        tpu.vector_store %arg3[%swap3A_158, %swap3A_159], %select_n3A_99 {strides = array<i32>} : memref<80x128xf32, #tpu.memory_space<vmem>>, vector<8x128xf32>,
        %swap3A_161 = arith.index_cast %mul3A_151 : i32 to index
        %swap3A_162 = arith.constant 0 : index
        %swap3A_163 = vector.load %arg4[%swap3A_161, %swap3A_162] : memref<80x128xf32, #tpu.memory_space<vmem>>, vector<8x128xf32>
        tpu.vector_store %arg4[%swap3A_161, %swap3A_162], %select_n3A_101 {strides = array<i32>} : memref<80x128xf32, #tpu.memory_space<vmem>>, vector<8x128xf32>,
      } else {
      }
      scf.yield %min3A, %reduce_min3A_124, %select_n3A_95, %select_n3A_97, %select_n3A_99, %select_n3A_101 : vector<8x1280xf32>, i32, vector<8x128xi32>, vector<8x128xf32>, vector<8x128xf32>, vector<8x128xf32>
    }
    %scan3A_37 = arith.constant 10000 : i32
    %swap3A = arith.constant 72 : index
    %swap3A_38 = arith.constant 0 : index
    %swap3A_39 = vector.load %arg1[%swap3A, %swap3A_38] : memref<80x128xi32, #tpu.memory_space<vmem>>, vector<8x128xi32>
    tpu.vector_store %arg1[%swap3A, %swap3A_38], %scan3A_36#2 {strides = array<i32>} : memref<80x128xi32, #tpu.memory_space<vmem>>, vector<8x128xi32>,
    %swap3A_40 = arith.constant 72 : index
    %swap3A_41 = arith.constant 0 : index
    %swap3A_42 = vector.load %arg2[%swap3A_40, %swap3A_41] : memref<80x128xf32, #tpu.memory_space<vmem>>, vector<8x128xf32>
    tpu.vector_store %arg2[%swap3A_40, %swap3A_41], %scan3A_36#3 {strides = array<i32>} : memref<80x128xf32, #tpu.memory_space<vmem>>, vector<8x128xf32>,
    %swap3A_43 = arith.constant 72 : index
    %swap3A_44 = arith.constant 0 : index
    %swap3A_45 = vector.load %arg3[%swap3A_43, %swap3A_44] : memref<80x128xf32, #tpu.memory_space<vmem>>, vector<8x128xf32>
    tpu.vector_store %arg3[%swap3A_43, %swap3A_44], %scan3A_36#4 {strides = array<i32>} : memref<80x128xf32, #tpu.memory_space<vmem>>, vector<8x128xf32>,
    %swap3A_46 = arith.constant 72 : index
    %swap3A_47 = arith.constant 0 : index
    %swap3A_48 = vector.load %arg4[%swap3A_46, %swap3A_47] : memref<80x128xf32, #tpu.memory_space<vmem>>, vector<8x128xf32>
    tpu.vector_store %arg4[%swap3A_46, %swap3A_47], %scan3A_36#5 {strides = array<i32>} : memref<80x128xf32, #tpu.memory_space<vmem>>, vector<8x128xf32>,
    return
  }
}

module attributes {stable_mosaic.version = 14 : i64} {
  func.func @_select_body(%arg0: i32, %arg1: memref<1x8x3xf32, #tpu.memory_space<vmem>>, %arg2: memref<3x10112xf32, #tpu.memory_space<vmem>>, %arg3: memref<1x8x64xi32, #tpu.memory_space<vmem>>) attributes {dimension_semantics = [#tpu.dimension_semantics<arbitrary>], iteration_bounds = array<i64: 1250>, scalar_prefetch = 0 : i64, scratch_operands = 0 : i64, tpu.core_type = #tpu.core_type<tc>, window_params = [{transform_indices = @transform_0, window_bounds = array<i64: 1, 8, 3>}, {pipeline_mode = #tpu.pipeline_mode<synchronous>, transform_indices = @transform_1, window_bounds = array<i64: 3, 10112>}, {transform_indices = @transform_2, window_bounds = array<i64: 1, 8, 64>}]} {
    %get3A = arith.constant 0 : index
    %get3A_0 = arith.constant 0 : index
    %get3A_1 = arith.constant 0 : index
    %get3A_2 = vector.load %arg1[%get3A, %get3A_0, %get3A_1] : memref<1x8x3xf32, #tpu.memory_space<vmem>>, vector<1x8x3xf32>
    %get3A_3 = vector.shape_cast %get3A_2 : vector<1x8x3xf32> to vector<8x3xf32>
    %get3A_4 = arith.constant 0 : index
    %get3A_5 = arith.constant 0 : index
    %get3A_6 = vector.load %arg2[%get3A_4, %get3A_5] : memref<3x10112xf32, #tpu.memory_space<vmem>>, vector<1x10112xf32>
    %get3A_7 = arith.constant 1 : index
    %get3A_8 = arith.constant 0 : index
    %get3A_9 = vector.load %arg2[%get3A_7, %get3A_8] : memref<3x10112xf32, #tpu.memory_space<vmem>>, vector<1x10112xf32>
    %get3A_10 = arith.constant 2 : index
    %get3A_11 = arith.constant 0 : index
    %get3A_12 = vector.load %arg2[%get3A_10, %get3A_11] : memref<3x10112xf32, #tpu.memory_space<vmem>>, vector<1x10112xf32>
    %mul3A = arith.mulf %get3A_6, %get3A_6 : vector<1x10112xf32>
    %mul3A_13 = arith.mulf %get3A_12, %get3A_12 : vector<1x10112xf32>
    %add3A = arith.addf %mul3A, %mul3A_13 : vector<1x10112xf32>
    %mul3A_14 = arith.mulf %get3A_9, %get3A_9 : vector<1x10112xf32>
    %add3A_15 = arith.addf %add3A, %mul3A_14 : vector<1x10112xf32>
    %get3A_16 = arith.constant 0 : index
    %get3A_17 = arith.constant 0 : index
    %get3A_18 = vector.load %arg2[%get3A_16, %get3A_17] : memref<3x10112xf32, #tpu.memory_space<vmem>>, vector<3x10112xf32>
    %convert_element_type3A = arith.truncf %get3A_3 : vector<8x3xf32> to vector<8x3xbf16>
    %convert_element_type3A_19 = arith.truncf %get3A_18 : vector<3x10112xf32> to vector<3x10112xbf16>
    %dot_general3A = arith.constant dense<0.000000e+00> : vector<8x10112xf32>
    %dot_general3A_20 = tpu.matmul %convert_element_type3A, %convert_element_type3A_19, %dot_general3A {dimension_numbers = #tpu.dot_dimension_numbers<[1], [0], [0], [1], [0, 0, 1, 1], [], []>, transpose_lhs_hint = false} : vector<8x3xbf16>, vector<3x10112xbf16>, vector<8x10112xf32> -> vector<8x10112xf32>
    %slice3A = vector.extract_strided_slice %get3A_3 {offsets = [0, 0], sizes = [8, 1], strides = [1, 1]} : vector<8x3xf32> to vector<8x1xf32>
    %slice3A_21 = vector.extract_strided_slice %get3A_3 {offsets = [0, 1], sizes = [8, 1], strides = [1, 1]} : vector<8x3xf32> to vector<8x1xf32>
    %slice3A_22 = vector.extract_strided_slice %get3A_3 {offsets = [0, 2], sizes = [8, 1], strides = [1, 1]} : vector<8x3xf32> to vector<8x1xf32>
    %mul3A_23 = arith.mulf %slice3A, %slice3A : vector<8x1xf32>
    %mul3A_24 = arith.mulf %slice3A_22, %slice3A_22 : vector<8x1xf32>
    %add3A_25 = arith.addf %mul3A_23, %mul3A_24 : vector<8x1xf32>
    %mul3A_26 = arith.mulf %slice3A_21, %slice3A_21 : vector<8x1xf32>
    %add3A_27 = arith.addf %add3A_25, %mul3A_26 : vector<8x1xf32>
    %mul3A_28 = arith.constant 2.000000e+00 : f32
    %mul3A_29 = vector.broadcast %mul3A_28 : f32 to vector<8x10112xf32>
    %mul3A_30 = arith.mulf %mul3A_29, %dot_general3A_20 : vector<8x10112xf32>
    %sub3A = vector.broadcast %add3A_27 : vector<8x1xf32> to vector<8x10112xf32>
    %sub3A_31 = arith.subf %sub3A, %mul3A_30 : vector<8x10112xf32>
    %add3A_32 = vector.broadcast %add3A_15 : vector<1x10112xf32> to vector<8x10112xf32>
    %add3A_33 = arith.addf %sub3A_31, %add3A_32 : vector<8x10112xf32>
    %iota3A = tpu.iota {dimensions = array<i32: 1>} : vector<8x10112xi32>
    %gt3A = arith.constant 4.000000e-02 : f32
    %gt3A_34 = vector.broadcast %gt3A : f32 to vector<8x10112xf32>
    %gt3A_35 = arith.cmpf ogt, %add3A_33, %gt3A_34 : vector<8x10112xf32>
    %not3A = arith.constant dense<true> : vector<8x10112xi1>
    %not3A_36 = arith.xori %gt3A_35, %not3A : vector<8x10112xi1>
    %lt3A = arith.constant 10000 : i32
    %lt3A_37 = vector.broadcast %lt3A : i32 to vector<8x10112xi32>
    %lt3A_38 = arith.cmpi slt, %iota3A, %lt3A_37 : vector<8x10112xi32>
    %and3A = arith.andi %not3A_36, %lt3A_38 : vector<8x10112xi1>
    %convert_element_type3A_39 = arith.sitofp %iota3A : vector<8x10112xi32> to vector<8x10112xf32>
    %jit3A = arith.constant 3.000000e+07 : f32
    %broadcast_in_dim3A = vector.broadcast %jit3A : f32 to vector<8x10112xf32>
    %select_n3A = arith.select %and3A, %convert_element_type3A_39, %broadcast_in_dim3A : vector<8x10112xi1>, vector<8x10112xf32>
    %convert_element_type3A_40 = arith.extui %and3A : vector<8x10112xi1> to vector<8x10112xi32>
    %reduce_sum3A = arith.constant dense<0> : vector<8xi32>
    %reduce_sum3A_41 = vector.multi_reduction <add>, %convert_element_type3A_40, %reduce_sum3A [1] : vector<8x10112xi32> to vector<8xi32>
    %reduce_max3A = vector.shape_cast %reduce_sum3A_41 : vector<8xi32> to vector<1x8xi32>
    %reduce_max3A_42 = arith.constant dense<-2147483648> : vector<1xi32>
    %reduce_max3A_43 = vector.multi_reduction <maxsi>, %reduce_max3A, %reduce_max3A_42 [1] : vector<1x8xi32> to vector<1xi32>
    %reduce_max3A_44 = vector.shape_cast %reduce_max3A_43 : vector<1xi32> to vector<1x1xi32>
    %reduce_max3A_45 = vector.extract %reduce_max3A_44[0, 0] : i32 from vector<1x1xi32>
    %min3A = arith.constant 64 : i32
    %min3A_46 = arith.minsi %reduce_max3A_45, %min3A : i32
    %iota3A_47 = tpu.iota {dimensions = array<i32: 1>} : vector<8x128xi32>
    %broadcast_in_dim3A_48 = arith.constant 3.000000e+07 : f32
    %broadcast_in_dim3A_49 = vector.broadcast %broadcast_in_dim3A_48 : f32 to vector<8x128xf32>
    %broadcast_in_dim3A_50 = arith.constant -1.000000e+00 : f32
    %broadcast_in_dim3A_51 = vector.broadcast %broadcast_in_dim3A_50 : f32 to vector<8x1xf32>
    %scan3A = arith.constant 0 : i32
    %scan3A_52 = arith.constant 64 : i32
    %scan3A_53 = arith.addi %scan3A, %scan3A_52 : i32
    %scan3A_54 = arith.constant 1 : i32
    %scan3A_55:2 = scf.for %scan3A_73 = %scan3A to %scan3A_53 step %scan3A_54 iter_args(%scan3A_74 = %broadcast_in_dim3A_49, %scan3A_75 = %broadcast_in_dim3A_51) -> (vector<8x128xf32>, vector<8x1xf32>)  : i32 {
      %lt3A_76 = arith.cmpi slt, %scan3A_73, %min3A_46 : i32
      %convert_element_type3A_77 = arith.extui %lt3A_76 : i1 to i32
      %cond3A = arith.constant 0 : i32
      %cond3A_78 = arith.cmpi ne, %convert_element_type3A_77, %cond3A : i32
      %cond3A_79:2 = scf.if %cond3A_78 -> (vector<8x128xf32>, vector<8x1xf32>) {
        %gt3A_80 = vector.broadcast %scan3A_75 : vector<8x1xf32> to vector<8x10112xf32>
        %gt3A_81 = arith.cmpf ogt, %select_n3A, %gt3A_80 : vector<8x10112xf32>
        %jit3A_82 = arith.constant 3.000000e+07 : f32
        %broadcast_in_dim3A_83 = vector.broadcast %jit3A_82 : f32 to vector<8x10112xf32>
        %select_n3A_84 = arith.select %gt3A_81, %select_n3A, %broadcast_in_dim3A_83 : vector<8x10112xi1>, vector<8x10112xf32>
        %reduce_min3A = arith.constant dense<0x7F800000> : vector<8xf32>
        %reduce_min3A_85 = vector.multi_reduction <minimumf>, %select_n3A_84, %reduce_min3A [1] : vector<8x10112xf32> to vector<8xf32>
        %broadcast_in_dim3A_86 = vector.shape_cast %reduce_min3A_85 : vector<8xf32> to vector<8x1xf32>
        %eq3A = vector.broadcast %scan3A_73 : i32 to vector<8x128xi32>
        %eq3A_87 = arith.cmpi eq, %iota3A_47, %eq3A : vector<8x128xi32>
        %broadcast_in_dim3A_88 = vector.shape_cast %broadcast_in_dim3A_86 : vector<8x1xf32> to vector<8x1xf32>
        %broadcast_in_dim3A_89 = vector.broadcast %broadcast_in_dim3A_88 : vector<8x1xf32> to vector<8x128xf32>
        %select_n3A_90 = arith.select %eq3A_87, %broadcast_in_dim3A_89, %scan3A_74 : vector<8x128xi1>, vector<8x128xf32>
        scf.yield %select_n3A_90, %broadcast_in_dim3A_86 : vector<8x128xf32>, vector<8x1xf32>
      } else {
        scf.yield %scan3A_74, %scan3A_75 : vector<8x128xf32>, vector<8x1xf32>
      }
      scf.yield %cond3A_79#0, %cond3A_79#1 : vector<8x128xf32>, vector<8x1xf32>
    }
    %scan3A_56 = arith.constant 64 : i32
    %slice3A_57 = vector.extract_strided_slice %scan3A_55#0 {offsets = [0, 0], sizes = [8, 1], strides = [1, 1]} : vector<8x128xf32> to vector<8x1xf32>
    %ge3A = arith.constant 3.000000e+07 : f32
    %ge3A_58 = vector.broadcast %ge3A : f32 to vector<8x128xf32>
    %ge3A_59 = arith.cmpf oge, %scan3A_55#0, %ge3A_58 : vector<8x128xf32>
    %broadcast_in_dim3A_60 = vector.shape_cast %slice3A_57 : vector<8x1xf32> to vector<8x1xf32>
    %broadcast_in_dim3A_61 = vector.broadcast %broadcast_in_dim3A_60 : vector<8x1xf32> to vector<8x128xf32>
    %select_n3A_62 = arith.select %ge3A_59, %broadcast_in_dim3A_61, %scan3A_55#0 : vector<8x128xi1>, vector<8x128xf32>
    %min3A_63 = arith.constant 9.999000e+03 : f32
    %min3A_64 = vector.broadcast %min3A_63 : f32 to vector<8x128xf32>
    %min3A_65 = arith.minimumf %select_n3A_62, %min3A_64 : vector<8x128xf32>
    %convert_element_type3A_66 = arith.fptosi %min3A_65 : vector<8x128xf32> to vector<8x128xi32>
    %slice3A_67 = vector.extract_strided_slice %convert_element_type3A_66 {offsets = [0, 0], sizes = [8, 64], strides = [1, 1]} : vector<8x128xi32> to vector<8x64xi32>
    %swap3A = arith.constant 0 : index
    %swap3A_68 = arith.constant 0 : index
    %swap3A_69 = arith.constant 0 : index
    %swap3A_70 = vector.load %arg3[%swap3A, %swap3A_68, %swap3A_69] : memref<1x8x64xi32, #tpu.memory_space<vmem>>, vector<1x8x64xi32>
    %swap3A_71 = vector.shape_cast %swap3A_70 : vector<1x8x64xi32> to vector<8x64xi32>
    %swap3A_72 = vector.shape_cast %slice3A_67 : vector<8x64xi32> to vector<1x8x64xi32>
    tpu.vector_store %arg3[%swap3A, %swap3A_68, %swap3A_69], %swap3A_72 {strides = array<i32>} : memref<1x8x64xi32, #tpu.memory_space<vmem>>, vector<1x8x64xi32>,
    return
  }
  func.func @transform_0(%arg0: i32) -> (i32, i32, i32) {
    %c0_i32 = arith.constant 0 : i32
    %c0_i32_0 = arith.constant 0 : i32
    %c0_i32_1 = arith.constant 0 : i32
    return %arg0, %c0_i32, %c0_i32_0 : i32, i32, i32
  }
  func.func @transform_1(%arg0: i32) -> (i32, i32) {
    %c0_i32 = arith.constant 0 : i32
    %c0_i32_0 = arith.constant 0 : i32
    %c0_i32_1 = arith.constant 0 : i32
    return %c0_i32, %c0_i32_0 : i32, i32
  }
  func.func @transform_2(%arg0: i32) -> (i32, i32, i32) {
    %c0_i32 = arith.constant 0 : i32
    %c0_i32_0 = arith.constant 0 : i32
    %c0_i32_1 = arith.constant 0 : i32
    return %arg0, %c0_i32, %c0_i32_0 : i32, i32, i32
  }
}

module attributes {stable_mosaic.version = 14 : i64} {
  func.func @_b1_body(%arg0: i32, %arg1: memref<8x128x16xf32, #tpu.memory_space<vmem>>, %arg2: memref<1x8x3xf32, #tpu.memory_space<vmem>>, %arg3: memref<16x32xf32, #tpu.memory_space<vmem>>, %arg4: memref<1x32xf32, #tpu.memory_space<vmem>>, %arg5: memref<8x128x32xf32, #tpu.memory_space<vmem>>, %arg6: memref<2x32xf32, #tpu.memory_space<vmem>>) attributes {dimension_semantics = [#tpu.dimension_semantics<arbitrary>], iteration_bounds = array<i64: 1250>, scalar_prefetch = 0 : i64, scratch_operands = 0 : i64, tpu.core_type = #tpu.core_type<tc>, window_params = [{transform_indices = @transform_0, window_bounds = array<i64: 8, 128, 16>}, {transform_indices = @transform_1, window_bounds = array<i64: 1, 8, 3>}, {pipeline_mode = #tpu.pipeline_mode<synchronous>, transform_indices = @transform_2, window_bounds = array<i64: 16, 32>}, {pipeline_mode = #tpu.pipeline_mode<synchronous>, transform_indices = @transform_3, window_bounds = array<i64: 1, 32>}, {transform_indices = @transform_4, window_bounds = array<i64: 8, 128, 32>}, {pipeline_mode = #tpu.pipeline_mode<synchronous>, transform_indices = @transform_5, window_bounds = array<i64: 2, 32>}]} {
    %get3A = arith.constant 0 : index
    %get3A_0 = arith.constant 0 : index
    %get3A_1 = arith.constant 0 : index
    %get3A_2 = vector.load %arg1[%get3A, %get3A_0, %get3A_1] : memref<8x128x16xf32, #tpu.memory_space<vmem>>, vector<8x128x16xf32>
    %get3A_3 = arith.constant 0 : index
    %get3A_4 = arith.constant 0 : index
    %get3A_5 = arith.constant 0 : index
    %get3A_6 = vector.load %arg2[%get3A_3, %get3A_4, %get3A_5] : memref<1x8x3xf32, #tpu.memory_space<vmem>>, vector<1x8x3xf32>
    %get3A_7 = vector.shape_cast %get3A_6 : vector<1x8x3xf32> to vector<8x3xf32>
    %slice3A = vector.extract_strided_slice %get3A_2 {offsets = [0, 0, 0], sizes = [8, 128, 3], strides = [1, 1, 1]} : vector<8x128x16xf32> to vector<8x128x3xf32>
    %broadcast_in_dim3A = vector.shape_cast %get3A_7 : vector<8x3xf32> to vector<8x1x3xf32>
    %sub3A = vector.broadcast %broadcast_in_dim3A : vector<8x1x3xf32> to vector<8x128x3xf32>
    %sub3A_8 = arith.subf %slice3A, %sub3A : vector<8x128x3xf32>
    %slice3A_9 = vector.extract_strided_slice %get3A_2 {offsets = [0, 0, 3], sizes = [8, 128, 13], strides = [1, 1, 1]} : vector<8x128x16xf32> to vector<8x128x13xf32>
    %concatenate3A = tpu.concatenate %sub3A_8, %slice3A_9 in 2 : vector<8x128x3xf32>, vector<8x128x13xf32> -> vector<8x128x16xf32>
    %reshape3A = vector.shape_cast %concatenate3A : vector<8x128x16xf32> to vector<1024x16xf32>
    %get3A_10 = arith.constant 0 : index
    %get3A_11 = arith.constant 0 : index
    %get3A_12 = vector.load %arg3[%get3A_10, %get3A_11] : memref<16x32xf32, #tpu.memory_space<vmem>>, vector<16x32xf32>
    %convert_element_type3A = arith.truncf %reshape3A : vector<1024x16xf32> to vector<1024x16xbf16>
    %convert_element_type3A_13 = arith.truncf %get3A_12 : vector<16x32xf32> to vector<16x32xbf16>
    %dot_general3A = arith.constant dense<0.000000e+00> : vector<1024x32xf32>
    %dot_general3A_14 = tpu.matmul %convert_element_type3A, %convert_element_type3A_13, %dot_general3A {dimension_numbers = #tpu.dot_dimension_numbers<[1], [0], [0], [1], [0, 0, 1, 1], [], []>, transpose_lhs_hint = false} : vector<1024x16xbf16>, vector<16x32xbf16>, vector<1024x32xf32> -> vector<1024x32xf32>
    %get3A_15 = arith.constant 0 : index
    %get3A_16 = arith.constant 0 : index
    %get3A_17 = vector.load %arg4[%get3A_15, %get3A_16] : memref<1x32xf32, #tpu.memory_space<vmem>>, vector<1x32xf32>
    %add3A = vector.broadcast %get3A_17 : vector<1x32xf32> to vector<1024x32xf32>
    %add3A_18 = arith.addf %dot_general3A_14, %add3A : vector<1024x32xf32>
    %reshape3A_19 = vector.shape_cast %add3A_18 : vector<1024x32xf32> to vector<8x128x32xf32>
    %swap3A = arith.constant 0 : index
    %swap3A_20 = arith.constant 0 : index
    %swap3A_21 = arith.constant 0 : index
    %swap3A_22 = vector.load %arg5[%swap3A, %swap3A_20, %swap3A_21] : memref<8x128x32xf32, #tpu.memory_space<vmem>>, vector<8x128x32xf32>
    tpu.vector_store %arg5[%swap3A, %swap3A_20, %swap3A_21], %reshape3A_19 {strides = array<i32>} : memref<8x128x32xf32, #tpu.memory_space<vmem>>, vector<8x128x32xf32>,
    %eq3A = arith.constant 0 : i32
    %eq3A_23 = arith.cmpi eq, %arg0, %eq3A : i32
    %convert_element_type3A_24 = arith.extui %eq3A_23 : i1 to i32
    %cond3A = arith.constant 0 : i32
    %cond3A_25 = arith.cmpi ne, %convert_element_type3A_24, %cond3A : i32
    scf.if %cond3A_25 {
      %broadcast_in_dim3A_39 = arith.constant 0.000000e+00 : f32
      %broadcast_in_dim3A_40 = vector.broadcast %broadcast_in_dim3A_39 : f32 to vector<2x32xf32>
      %swap3A_41 = arith.constant 0 : index
      %swap3A_42 = arith.constant 0 : index
      %swap3A_43 = vector.load %arg6[%swap3A_41, %swap3A_42] : memref<2x32xf32, #tpu.memory_space<vmem>>, vector<2x32xf32>
      tpu.vector_store %arg6[%swap3A_41, %swap3A_42], %broadcast_in_dim3A_40 {strides = array<i32>} : memref<2x32xf32, #tpu.memory_space<vmem>>, vector<2x32xf32>,
    } else {
    }
    %reduce_sum3A = arith.constant dense<0.000000e+00> : vector<32xf32>
    %reduce_sum3A_26 = vector.multi_reduction <add>, %add3A_18, %reduce_sum3A [0] : vector<1024x32xf32> to vector<32xf32>
    %broadcast_in_dim3A_27 = vector.shape_cast %reduce_sum3A_26 : vector<32xf32> to vector<1x32xf32>
    %mul3A = arith.mulf %add3A_18, %add3A_18 : vector<1024x32xf32>
    %reduce_sum3A_28 = arith.constant dense<0.000000e+00> : vector<32xf32>
    %reduce_sum3A_29 = vector.multi_reduction <add>, %mul3A, %reduce_sum3A_28 [0] : vector<1024x32xf32> to vector<32xf32>
    %broadcast_in_dim3A_30 = vector.shape_cast %reduce_sum3A_29 : vector<32xf32> to vector<1x32xf32>
    %get3A_31 = arith.constant 0 : index
    %get3A_32 = arith.constant 0 : index
    %get3A_33 = vector.load %arg6[%get3A_31, %get3A_32] : memref<2x32xf32, #tpu.memory_space<vmem>>, vector<2x32xf32>
    %concatenate3A_34 = tpu.concatenate %broadcast_in_dim3A_27, %broadcast_in_dim3A_30 in 0 : vector<1x32xf32>, vector<1x32xf32> -> vector<2x32xf32>
    %add3A_35 = arith.addf %get3A_33, %concatenate3A_34 : vector<2x32xf32>
    %swap3A_36 = arith.constant 0 : index
    %swap3A_37 = arith.constant 0 : index
    %swap3A_38 = vector.load %arg6[%swap3A_36, %swap3A_37] : memref<2x32xf32, #tpu.memory_space<vmem>>, vector<2x32xf32>
    tpu.vector_store %arg6[%swap3A_36, %swap3A_37], %add3A_35 {strides = array<i32>} : memref<2x32xf32, #tpu.memory_space<vmem>>, vector<2x32xf32>,
    return
  }
  func.func @transform_0(%arg0: i32) -> (i32, i32, i32) {
    %c0_i32 = arith.constant 0 : i32
    %c0_i32_0 = arith.constant 0 : i32
    %c0_i32_1 = arith.constant 0 : i32
    return %arg0, %c0_i32, %c0_i32_0 : i32, i32, i32
  }
  func.func @transform_1(%arg0: i32) -> (i32, i32, i32) {
    %c0_i32 = arith.constant 0 : i32
    %c0_i32_0 = arith.constant 0 : i32
    %c0_i32_1 = arith.constant 0 : i32
    return %arg0, %c0_i32, %c0_i32_0 : i32, i32, i32
  }
  func.func @transform_2(%arg0: i32) -> (i32, i32) {
    %c0_i32 = arith.constant 0 : i32
    %c0_i32_0 = arith.constant 0 : i32
    %c0_i32_1 = arith.constant 0 : i32
    return %c0_i32, %c0_i32_0 : i32, i32
  }
  func.func @transform_3(%arg0: i32) -> (i32, i32) {
    %c0_i32 = arith.constant 0 : i32
    %c0_i32_0 = arith.constant 0 : i32
    %c0_i32_1 = arith.constant 0 : i32
    return %c0_i32, %c0_i32_0 : i32, i32
  }
  func.func @transform_4(%arg0: i32) -> (i32, i32, i32) {
    %c0_i32 = arith.constant 0 : i32
    %c0_i32_0 = arith.constant 0 : i32
    %c0_i32_1 = arith.constant 0 : i32
    return %arg0, %c0_i32, %c0_i32_0 : i32, i32, i32
  }
  func.func @transform_5(%arg0: i32) -> (i32, i32) {
    %c0_i32 = arith.constant 0 : i32
    %c0_i32_0 = arith.constant 0 : i32
    %c0_i32_1 = arith.constant 0 : i32
    return %c0_i32, %c0_i32_0 : i32, i32
  }
}

module attributes {stable_mosaic.version = 14 : i64} {
  func.func @_b2_body(%arg0: i32, %arg1: memref<8x128x32xf32, #tpu.memory_space<vmem>>, %arg2: memref<2x32xf32, #tpu.memory_space<vmem>>, %arg3: memref<1x32xf32, #tpu.memory_space<vmem>>, %arg4: memref<1x32xf32, #tpu.memory_space<vmem>>, %arg5: memref<32x32xf32, #tpu.memory_space<vmem>>, %arg6: memref<1x32xf32, #tpu.memory_space<vmem>>, %arg7: memref<8x128x32xf32, #tpu.memory_space<vmem>>, %arg8: memref<2x32xf32, #tpu.memory_space<vmem>>) attributes {dimension_semantics = [#tpu.dimension_semantics<arbitrary>], iteration_bounds = array<i64: 1250>, scalar_prefetch = 0 : i64, scratch_operands = 0 : i64, tpu.core_type = #tpu.core_type<tc>, window_params = [{transform_indices = @transform_0, window_bounds = array<i64: 8, 128, 32>}, {pipeline_mode = #tpu.pipeline_mode<synchronous>, transform_indices = @transform_1, window_bounds = array<i64: 2, 32>}, {pipeline_mode = #tpu.pipeline_mode<synchronous>, transform_indices = @transform_2, window_bounds = array<i64: 1, 32>}, {pipeline_mode = #tpu.pipeline_mode<synchronous>, transform_indices = @transform_3, window_bounds = array<i64: 1, 32>}, {pipeline_mode = #tpu.pipeline_mode<synchronous>, transform_indices = @transform_4, window_bounds = array<i64: 32, 32>}, {pipeline_mode = #tpu.pipeline_mode<synchronous>, transform_indices = @transform_5, window_bounds = array<i64: 1, 32>}, {transform_indices = @transform_6, window_bounds = array<i64: 8, 128, 32>}, {pipeline_mode = #tpu.pipeline_mode<synchronous>, transform_indices = @transform_7, window_bounds = array<i64: 2, 32>}]} {
    %get3A = arith.constant 0 : index
    %get3A_0 = arith.constant 0 : index
    %get3A_1 = arith.constant 0 : index
    %get3A_2 = vector.load %arg1[%get3A, %get3A_0, %get3A_1] : memref<8x128x32xf32, #tpu.memory_space<vmem>>, vector<8x128x32xf32>
    %reshape3A = vector.shape_cast %get3A_2 : vector<8x128x32xf32> to vector<1024x32xf32>
    %get3A_3 = arith.constant 0 : index
    %get3A_4 = arith.constant 0 : index
    %get3A_5 = vector.load %arg2[%get3A_3, %get3A_4] : memref<2x32xf32, #tpu.memory_space<vmem>>, vector<1x32xf32>
    %div3A = arith.constant 1.280000e+06 : f32
    %div3A_6 = vector.broadcast %div3A : f32 to vector<1x32xf32>
    %div3A_7 = arith.divf %get3A_5, %div3A_6 : vector<1x32xf32>
    %get3A_8 = arith.constant 1 : index
    %get3A_9 = arith.constant 0 : index
    %get3A_10 = vector.load %arg2[%get3A_8, %get3A_9] : memref<2x32xf32, #tpu.memory_space<vmem>>, vector<1x32xf32>
    %div3A_11 = arith.constant 1.280000e+06 : f32
    %div3A_12 = vector.broadcast %div3A_11 : f32 to vector<1x32xf32>
    %div3A_13 = arith.divf %get3A_10, %div3A_12 : vector<1x32xf32>
    %mul3A = arith.mulf %div3A_7, %div3A_7 : vector<1x32xf32>
    %sub3A = arith.subf %div3A_13, %mul3A : vector<1x32xf32>
    %sub3A_14 = vector.broadcast %div3A_7 : vector<1x32xf32> to vector<1024x32xf32>
    %sub3A_15 = arith.subf %reshape3A, %sub3A_14 : vector<1024x32xf32>
    %add3A = arith.constant 9.99999974E-6 : f32
    %add3A_16 = vector.broadcast %add3A : f32 to vector<1x32xf32>
    %add3A_17 = arith.addf %sub3A, %add3A_16 : vector<1x32xf32>
    %sqrt3A = math.sqrt %add3A_17 : vector<1x32xf32>
    %div3A_18 = vector.broadcast %sqrt3A : vector<1x32xf32> to vector<1024x32xf32>
    %div3A_19 = arith.divf %sub3A_15, %div3A_18 : vector<1024x32xf32>
    %get3A_20 = arith.constant 0 : index
    %get3A_21 = arith.constant 0 : index
    %get3A_22 = vector.load %arg3[%get3A_20, %get3A_21] : memref<1x32xf32, #tpu.memory_space<vmem>>, vector<1x32xf32>
    %mul3A_23 = vector.broadcast %get3A_22 : vector<1x32xf32> to vector<1024x32xf32>
    %mul3A_24 = arith.mulf %div3A_19, %mul3A_23 : vector<1024x32xf32>
    %get3A_25 = arith.constant 0 : index
    %get3A_26 = arith.constant 0 : index
    %get3A_27 = vector.load %arg4[%get3A_25, %get3A_26] : memref<1x32xf32, #tpu.memory_space<vmem>>, vector<1x32xf32>
    %add3A_28 = vector.broadcast %get3A_27 : vector<1x32xf32> to vector<1024x32xf32>
    %add3A_29 = arith.addf %mul3A_24, %add3A_28 : vector<1024x32xf32>
    %max3A = arith.constant 0.000000e+00 : f32
    %max3A_30 = vector.broadcast %max3A : f32 to vector<1024x32xf32>
    %max3A_31 = arith.maximumf %add3A_29, %max3A_30 : vector<1024x32xf32>
    %get3A_32 = arith.constant 0 : index
    %get3A_33 = arith.constant 0 : index
    %get3A_34 = vector.load %arg5[%get3A_32, %get3A_33] : memref<32x32xf32, #tpu.memory_space<vmem>>, vector<32x32xf32>
    %convert_element_type3A = arith.truncf %max3A_31 : vector<1024x32xf32> to vector<1024x32xbf16>
    %convert_element_type3A_35 = arith.truncf %get3A_34 : vector<32x32xf32> to vector<32x32xbf16>
    %dot_general3A = arith.constant dense<0.000000e+00> : vector<1024x32xf32>
    %dot_general3A_36 = tpu.matmul %convert_element_type3A, %convert_element_type3A_35, %dot_general3A {dimension_numbers = #tpu.dot_dimension_numbers<[1], [0], [0], [1], [0, 0, 1, 1], [], []>, transpose_lhs_hint = false} : vector<1024x32xbf16>, vector<32x32xbf16>, vector<1024x32xf32> -> vector<1024x32xf32>
    %get3A_37 = arith.constant 0 : index
    %get3A_38 = arith.constant 0 : index
    %get3A_39 = vector.load %arg6[%get3A_37, %get3A_38] : memref<1x32xf32, #tpu.memory_space<vmem>>, vector<1x32xf32>
    %add3A_40 = vector.broadcast %get3A_39 : vector<1x32xf32> to vector<1024x32xf32>
    %add3A_41 = arith.addf %dot_general3A_36, %add3A_40 : vector<1024x32xf32>
    %reshape3A_42 = vector.shape_cast %add3A_41 : vector<1024x32xf32> to vector<8x128x32xf32>
    %swap3A = arith.constant 0 : index
    %swap3A_43 = arith.constant 0 : index
    %swap3A_44 = arith.constant 0 : index
    %swap3A_45 = vector.load %arg7[%swap3A, %swap3A_43, %swap3A_44] : memref<8x128x32xf32, #tpu.memory_space<vmem>>, vector<8x128x32xf32>
    tpu.vector_store %arg7[%swap3A, %swap3A_43, %swap3A_44], %reshape3A_42 {strides = array<i32>} : memref<8x128x32xf32, #tpu.memory_space<vmem>>, vector<8x128x32xf32>,
    %eq3A = arith.constant 0 : i32
    %eq3A_46 = arith.cmpi eq, %arg0, %eq3A : i32
    %convert_element_type3A_47 = arith.extui %eq3A_46 : i1 to i32
    %cond3A = arith.constant 0 : i32
    %cond3A_48 = arith.cmpi ne, %convert_element_type3A_47, %cond3A : i32
    scf.if %cond3A_48 {
      %broadcast_in_dim3A_61 = arith.constant 0.000000e+00 : f32
      %broadcast_in_dim3A_62 = vector.broadcast %broadcast_in_dim3A_61 : f32 to vector<2x32xf32>
      %swap3A_63 = arith.constant 0 : index
      %swap3A_64 = arith.constant 0 : index
      %swap3A_65 = vector.load %arg8[%swap3A_63, %swap3A_64] : memref<2x32xf32, #tpu.memory_space<vmem>>, vector<2x32xf32>
      tpu.vector_store %arg8[%swap3A_63, %swap3A_64], %broadcast_in_dim3A_62 {strides = array<i32>} : memref<2x32xf32, #tpu.memory_space<vmem>>, vector<2x32xf32>,
    } else {
    }
    %reduce_sum3A = arith.constant dense<0.000000e+00> : vector<32xf32>
    %reduce_sum3A_49 = vector.multi_reduction <add>, %add3A_41, %reduce_sum3A [0] : vector<1024x32xf32> to vector<32xf32>
    %broadcast_in_dim3A = vector.shape_cast %reduce_sum3A_49 : vector<32xf32> to vector<1x32xf32>
    %mul3A_50 = arith.mulf %add3A_41, %add3A_41 : vector<1024x32xf32>
    %reduce_sum3A_51 = arith.constant dense<0.000000e+00> : vector<32xf32>
    %reduce_sum3A_52 = vector.multi_reduction <add>, %mul3A_50, %reduce_sum3A_51 [0] : vector<1024x32xf32> to vector<32xf32>
    %broadcast_in_dim3A_53 = vector.shape_cast %reduce_sum3A_52 : vector<32xf32> to vector<1x32xf32>
    %get3A_54 = arith.constant 0 : index
    %get3A_55 = arith.constant 0 : index
    %get3A_56 = vector.load %arg8[%get3A_54, %get3A_55] : memref<2x32xf32, #tpu.memory_space<vmem>>, vector<2x32xf32>
    %concatenate3A = tpu.concatenate %broadcast_in_dim3A, %broadcast_in_dim3A_53 in 0 : vector<1x32xf32>, vector<1x32xf32> -> vector<2x32xf32>
    %add3A_57 = arith.addf %get3A_56, %concatenate3A : vector<2x32xf32>
    %swap3A_58 = arith.constant 0 : index
    %swap3A_59 = arith.constant 0 : index
    %swap3A_60 = vector.load %arg8[%swap3A_58, %swap3A_59] : memref<2x32xf32, #tpu.memory_space<vmem>>, vector<2x32xf32>
    tpu.vector_store %arg8[%swap3A_58, %swap3A_59], %add3A_57 {strides = array<i32>} : memref<2x32xf32, #tpu.memory_space<vmem>>, vector<2x32xf32>,
    return
  }
  func.func @transform_0(%arg0: i32) -> (i32, i32, i32) {
    %c0_i32 = arith.constant 0 : i32
    %c0_i32_0 = arith.constant 0 : i32
    %c0_i32_1 = arith.constant 0 : i32
    return %arg0, %c0_i32, %c0_i32_0 : i32, i32, i32
  }
  func.func @transform_1(%arg0: i32) -> (i32, i32) {
    %c0_i32 = arith.constant 0 : i32
    %c0_i32_0 = arith.constant 0 : i32
    %c0_i32_1 = arith.constant 0 : i32
    return %c0_i32, %c0_i32_0 : i32, i32
  }
  func.func @transform_2(%arg0: i32) -> (i32, i32) {
    %c0_i32 = arith.constant 0 : i32
    %c0_i32_0 = arith.constant 0 : i32
    %c0_i32_1 = arith.constant 0 : i32
    return %c0_i32, %c0_i32_0 : i32, i32
  }
  func.func @transform_3(%arg0: i32) -> (i32, i32) {
    %c0_i32 = arith.constant 0 : i32
    %c0_i32_0 = arith.constant 0 : i32
    %c0_i32_1 = arith.constant 0 : i32
    return %c0_i32, %c0_i32_0 : i32, i32
  }
  func.func @transform_4(%arg0: i32) -> (i32, i32) {
    %c0_i32 = arith.constant 0 : i32
    %c0_i32_0 = arith.constant 0 : i32
    %c0_i32_1 = arith.constant 0 : i32
    return %c0_i32, %c0_i32_0 : i32, i32
  }
  func.func @transform_5(%arg0: i32) -> (i32, i32) {
    %c0_i32 = arith.constant 0 : i32
    %c0_i32_0 = arith.constant 0 : i32
    %c0_i32_1 = arith.constant 0 : i32
    return %c0_i32, %c0_i32_0 : i32, i32
  }
  func.func @transform_6(%arg0: i32) -> (i32, i32, i32) {
    %c0_i32 = arith.constant 0 : i32
    %c0_i32_0 = arith.constant 0 : i32
    %c0_i32_1 = arith.constant 0 : i32
    return %arg0, %c0_i32, %c0_i32_0 : i32, i32, i32
  }
  func.func @transform_7(%arg0: i32) -> (i32, i32) {
    %c0_i32 = arith.constant 0 : i32
    %c0_i32_0 = arith.constant 0 : i32
    %c0_i32_1 = arith.constant 0 : i32
    return %c0_i32, %c0_i32_0 : i32, i32
  }
}

module attributes {stable_mosaic.version = 14 : i64} {
  func.func @_b2_body(%arg0: i32, %arg1: memref<8x128x32xf32, #tpu.memory_space<vmem>>, %arg2: memref<2x32xf32, #tpu.memory_space<vmem>>, %arg3: memref<1x32xf32, #tpu.memory_space<vmem>>, %arg4: memref<1x32xf32, #tpu.memory_space<vmem>>, %arg5: memref<32x64xf32, #tpu.memory_space<vmem>>, %arg6: memref<1x64xf32, #tpu.memory_space<vmem>>, %arg7: memref<8x128x64xf32, #tpu.memory_space<vmem>>, %arg8: memref<2x64xf32, #tpu.memory_space<vmem>>) attributes {dimension_semantics = [#tpu.dimension_semantics<arbitrary>], iteration_bounds = array<i64: 1250>, scalar_prefetch = 0 : i64, scratch_operands = 0 : i64, tpu.core_type = #tpu.core_type<tc>, window_params = [{transform_indices = @transform_0, window_bounds = array<i64: 8, 128, 32>}, {pipeline_mode = #tpu.pipeline_mode<synchronous>, transform_indices = @transform_1, window_bounds = array<i64: 2, 32>}, {pipeline_mode = #tpu.pipeline_mode<synchronous>, transform_indices = @transform_2, window_bounds = array<i64: 1, 32>}, {pipeline_mode = #tpu.pipeline_mode<synchronous>, transform_indices = @transform_3, window_bounds = array<i64: 1, 32>}, {pipeline_mode = #tpu.pipeline_mode<synchronous>, transform_indices = @transform_4, window_bounds = array<i64: 32, 64>}, {pipeline_mode = #tpu.pipeline_mode<synchronous>, transform_indices = @transform_5, window_bounds = array<i64: 1, 64>}, {transform_indices = @transform_6, window_bounds = array<i64: 8, 128, 64>}, {pipeline_mode = #tpu.pipeline_mode<synchronous>, transform_indices = @transform_7, window_bounds = array<i64: 2, 64>}]} {
    %get3A = arith.constant 0 : index
    %get3A_0 = arith.constant 0 : index
    %get3A_1 = arith.constant 0 : index
    %get3A_2 = vector.load %arg1[%get3A, %get3A_0, %get3A_1] : memref<8x128x32xf32, #tpu.memory_space<vmem>>, vector<8x128x32xf32>
    %reshape3A = vector.shape_cast %get3A_2 : vector<8x128x32xf32> to vector<1024x32xf32>
    %get3A_3 = arith.constant 0 : index
    %get3A_4 = arith.constant 0 : index
    %get3A_5 = vector.load %arg2[%get3A_3, %get3A_4] : memref<2x32xf32, #tpu.memory_space<vmem>>, vector<1x32xf32>
    %div3A = arith.constant 1.280000e+06 : f32
    %div3A_6 = vector.broadcast %div3A : f32 to vector<1x32xf32>
    %div3A_7 = arith.divf %get3A_5, %div3A_6 : vector<1x32xf32>
    %get3A_8 = arith.constant 1 : index
    %get3A_9 = arith.constant 0 : index
    %get3A_10 = vector.load %arg2[%get3A_8, %get3A_9] : memref<2x32xf32, #tpu.memory_space<vmem>>, vector<1x32xf32>
    %div3A_11 = arith.constant 1.280000e+06 : f32
    %div3A_12 = vector.broadcast %div3A_11 : f32 to vector<1x32xf32>
    %div3A_13 = arith.divf %get3A_10, %div3A_12 : vector<1x32xf32>
    %mul3A = arith.mulf %div3A_7, %div3A_7 : vector<1x32xf32>
    %sub3A = arith.subf %div3A_13, %mul3A : vector<1x32xf32>
    %sub3A_14 = vector.broadcast %div3A_7 : vector<1x32xf32> to vector<1024x32xf32>
    %sub3A_15 = arith.subf %reshape3A, %sub3A_14 : vector<1024x32xf32>
    %add3A = arith.constant 9.99999974E-6 : f32
    %add3A_16 = vector.broadcast %add3A : f32 to vector<1x32xf32>
    %add3A_17 = arith.addf %sub3A, %add3A_16 : vector<1x32xf32>
    %sqrt3A = math.sqrt %add3A_17 : vector<1x32xf32>
    %div3A_18 = vector.broadcast %sqrt3A : vector<1x32xf32> to vector<1024x32xf32>
    %div3A_19 = arith.divf %sub3A_15, %div3A_18 : vector<1024x32xf32>
    %get3A_20 = arith.constant 0 : index
    %get3A_21 = arith.constant 0 : index
    %get3A_22 = vector.load %arg3[%get3A_20, %get3A_21] : memref<1x32xf32, #tpu.memory_space<vmem>>, vector<1x32xf32>
    %mul3A_23 = vector.broadcast %get3A_22 : vector<1x32xf32> to vector<1024x32xf32>
    %mul3A_24 = arith.mulf %div3A_19, %mul3A_23 : vector<1024x32xf32>
    %get3A_25 = arith.constant 0 : index
    %get3A_26 = arith.constant 0 : index
    %get3A_27 = vector.load %arg4[%get3A_25, %get3A_26] : memref<1x32xf32, #tpu.memory_space<vmem>>, vector<1x32xf32>
    %add3A_28 = vector.broadcast %get3A_27 : vector<1x32xf32> to vector<1024x32xf32>
    %add3A_29 = arith.addf %mul3A_24, %add3A_28 : vector<1024x32xf32>
    %max3A = arith.constant 0.000000e+00 : f32
    %max3A_30 = vector.broadcast %max3A : f32 to vector<1024x32xf32>
    %max3A_31 = arith.maximumf %add3A_29, %max3A_30 : vector<1024x32xf32>
    %get3A_32 = arith.constant 0 : index
    %get3A_33 = arith.constant 0 : index
    %get3A_34 = vector.load %arg5[%get3A_32, %get3A_33] : memref<32x64xf32, #tpu.memory_space<vmem>>, vector<32x64xf32>
    %convert_element_type3A = arith.truncf %max3A_31 : vector<1024x32xf32> to vector<1024x32xbf16>
    %convert_element_type3A_35 = arith.truncf %get3A_34 : vector<32x64xf32> to vector<32x64xbf16>
    %dot_general3A = arith.constant dense<0.000000e+00> : vector<1024x64xf32>
    %dot_general3A_36 = tpu.matmul %convert_element_type3A, %convert_element_type3A_35, %dot_general3A {dimension_numbers = #tpu.dot_dimension_numbers<[1], [0], [0], [1], [0, 0, 1, 1], [], []>, transpose_lhs_hint = false} : vector<1024x32xbf16>, vector<32x64xbf16>, vector<1024x64xf32> -> vector<1024x64xf32>
    %get3A_37 = arith.constant 0 : index
    %get3A_38 = arith.constant 0 : index
    %get3A_39 = vector.load %arg6[%get3A_37, %get3A_38] : memref<1x64xf32, #tpu.memory_space<vmem>>, vector<1x64xf32>
    %add3A_40 = vector.broadcast %get3A_39 : vector<1x64xf32> to vector<1024x64xf32>
    %add3A_41 = arith.addf %dot_general3A_36, %add3A_40 : vector<1024x64xf32>
    %reshape3A_42 = vector.shape_cast %add3A_41 : vector<1024x64xf32> to vector<8x128x64xf32>
    %swap3A = arith.constant 0 : index
    %swap3A_43 = arith.constant 0 : index
    %swap3A_44 = arith.constant 0 : index
    %swap3A_45 = vector.load %arg7[%swap3A, %swap3A_43, %swap3A_44] : memref<8x128x64xf32, #tpu.memory_space<vmem>>, vector<8x128x64xf32>
    tpu.vector_store %arg7[%swap3A, %swap3A_43, %swap3A_44], %reshape3A_42 {strides = array<i32>} : memref<8x128x64xf32, #tpu.memory_space<vmem>>, vector<8x128x64xf32>,
    %eq3A = arith.constant 0 : i32
    %eq3A_46 = arith.cmpi eq, %arg0, %eq3A : i32
    %convert_element_type3A_47 = arith.extui %eq3A_46 : i1 to i32
    %cond3A = arith.constant 0 : i32
    %cond3A_48 = arith.cmpi ne, %convert_element_type3A_47, %cond3A : i32
    scf.if %cond3A_48 {
      %broadcast_in_dim3A_61 = arith.constant 0.000000e+00 : f32
      %broadcast_in_dim3A_62 = vector.broadcast %broadcast_in_dim3A_61 : f32 to vector<2x64xf32>
      %swap3A_63 = arith.constant 0 : index
      %swap3A_64 = arith.constant 0 : index
      %swap3A_65 = vector.load %arg8[%swap3A_63, %swap3A_64] : memref<2x64xf32, #tpu.memory_space<vmem>>, vector<2x64xf32>
      tpu.vector_store %arg8[%swap3A_63, %swap3A_64], %broadcast_in_dim3A_62 {strides = array<i32>} : memref<2x64xf32, #tpu.memory_space<vmem>>, vector<2x64xf32>,
    } else {
    }
    %reduce_sum3A = arith.constant dense<0.000000e+00> : vector<64xf32>
    %reduce_sum3A_49 = vector.multi_reduction <add>, %add3A_41, %reduce_sum3A [0] : vector<1024x64xf32> to vector<64xf32>
    %broadcast_in_dim3A = vector.shape_cast %reduce_sum3A_49 : vector<64xf32> to vector<1x64xf32>
    %mul3A_50 = arith.mulf %add3A_41, %add3A_41 : vector<1024x64xf32>
    %reduce_sum3A_51 = arith.constant dense<0.000000e+00> : vector<64xf32>
    %reduce_sum3A_52 = vector.multi_reduction <add>, %mul3A_50, %reduce_sum3A_51 [0] : vector<1024x64xf32> to vector<64xf32>
    %broadcast_in_dim3A_53 = vector.shape_cast %reduce_sum3A_52 : vector<64xf32> to vector<1x64xf32>
    %get3A_54 = arith.constant 0 : index
    %get3A_55 = arith.constant 0 : index
    %get3A_56 = vector.load %arg8[%get3A_54, %get3A_55] : memref<2x64xf32, #tpu.memory_space<vmem>>, vector<2x64xf32>
    %concatenate3A = tpu.concatenate %broadcast_in_dim3A, %broadcast_in_dim3A_53 in 0 : vector<1x64xf32>, vector<1x64xf32> -> vector<2x64xf32>
    %add3A_57 = arith.addf %get3A_56, %concatenate3A : vector<2x64xf32>
    %swap3A_58 = arith.constant 0 : index
    %swap3A_59 = arith.constant 0 : index
    %swap3A_60 = vector.load %arg8[%swap3A_58, %swap3A_59] : memref<2x64xf32, #tpu.memory_space<vmem>>, vector<2x64xf32>
    tpu.vector_store %arg8[%swap3A_58, %swap3A_59], %add3A_57 {strides = array<i32>} : memref<2x64xf32, #tpu.memory_space<vmem>>, vector<2x64xf32>,
    return
  }
  func.func @transform_0(%arg0: i32) -> (i32, i32, i32) {
    %c0_i32 = arith.constant 0 : i32
    %c0_i32_0 = arith.constant 0 : i32
    %c0_i32_1 = arith.constant 0 : i32
    return %arg0, %c0_i32, %c0_i32_0 : i32, i32, i32
  }
  func.func @transform_1(%arg0: i32) -> (i32, i32) {
    %c0_i32 = arith.constant 0 : i32
    %c0_i32_0 = arith.constant 0 : i32
    %c0_i32_1 = arith.constant 0 : i32
    return %c0_i32, %c0_i32_0 : i32, i32
  }
  func.func @transform_2(%arg0: i32) -> (i32, i32) {
    %c0_i32 = arith.constant 0 : i32
    %c0_i32_0 = arith.constant 0 : i32
    %c0_i32_1 = arith.constant 0 : i32
    return %c0_i32, %c0_i32_0 : i32, i32
  }
  func.func @transform_3(%arg0: i32) -> (i32, i32) {
    %c0_i32 = arith.constant 0 : i32
    %c0_i32_0 = arith.constant 0 : i32
    %c0_i32_1 = arith.constant 0 : i32
    return %c0_i32, %c0_i32_0 : i32, i32
  }
  func.func @transform_4(%arg0: i32) -> (i32, i32) {
    %c0_i32 = arith.constant 0 : i32
    %c0_i32_0 = arith.constant 0 : i32
    %c0_i32_1 = arith.constant 0 : i32
    return %c0_i32, %c0_i32_0 : i32, i32
  }
  func.func @transform_5(%arg0: i32) -> (i32, i32) {
    %c0_i32 = arith.constant 0 : i32
    %c0_i32_0 = arith.constant 0 : i32
    %c0_i32_1 = arith.constant 0 : i32
    return %c0_i32, %c0_i32_0 : i32, i32
  }
  func.func @transform_6(%arg0: i32) -> (i32, i32, i32) {
    %c0_i32 = arith.constant 0 : i32
    %c0_i32_0 = arith.constant 0 : i32
    %c0_i32_1 = arith.constant 0 : i32
    return %arg0, %c0_i32, %c0_i32_0 : i32, i32, i32
  }
  func.func @transform_7(%arg0: i32) -> (i32, i32) {
    %c0_i32 = arith.constant 0 : i32
    %c0_i32_0 = arith.constant 0 : i32
    %c0_i32_1 = arith.constant 0 : i32
    return %c0_i32, %c0_i32_0 : i32, i32
  }
}

module attributes {stable_mosaic.version = 14 : i64} {
  func.func @_b4_body(%arg0: i32, %arg1: memref<8x128x64xf32, #tpu.memory_space<vmem>>, %arg2: memref<2x64xf32, #tpu.memory_space<vmem>>, %arg3: memref<1x64xf32, #tpu.memory_space<vmem>>, %arg4: memref<1x64xf32, #tpu.memory_space<vmem>>, %arg5: memref<8x64xf32, #tpu.memory_space<vmem>>) attributes {dimension_semantics = [#tpu.dimension_semantics<arbitrary>], iteration_bounds = array<i64: 1250>, scalar_prefetch = 0 : i64, scratch_operands = 0 : i64, tpu.core_type = #tpu.core_type<tc>, window_params = [{transform_indices = @transform_0, window_bounds = array<i64: 8, 128, 64>}, {pipeline_mode = #tpu.pipeline_mode<synchronous>, transform_indices = @transform_1, window_bounds = array<i64: 2, 64>}, {pipeline_mode = #tpu.pipeline_mode<synchronous>, transform_indices = @transform_2, window_bounds = array<i64: 1, 64>}, {pipeline_mode = #tpu.pipeline_mode<synchronous>, transform_indices = @transform_3, window_bounds = array<i64: 1, 64>}, {transform_indices = @transform_4, window_bounds = array<i64: 8, 64>}]} {
    %get3A = arith.constant 0 : index
    %get3A_0 = arith.constant 0 : index
    %get3A_1 = arith.constant 0 : index
    %get3A_2 = vector.load %arg1[%get3A, %get3A_0, %get3A_1] : memref<8x128x64xf32, #tpu.memory_space<vmem>>, vector<8x128x64xf32>
    %reshape3A = vector.shape_cast %get3A_2 : vector<8x128x64xf32> to vector<1024x64xf32>
    %get3A_3 = arith.constant 0 : index
    %get3A_4 = arith.constant 0 : index
    %get3A_5 = vector.load %arg2[%get3A_3, %get3A_4] : memref<2x64xf32, #tpu.memory_space<vmem>>, vector<1x64xf32>
    %div3A = arith.constant 1.280000e+06 : f32
    %div3A_6 = vector.broadcast %div3A : f32 to vector<1x64xf32>
    %div3A_7 = arith.divf %get3A_5, %div3A_6 : vector<1x64xf32>
    %get3A_8 = arith.constant 1 : index
    %get3A_9 = arith.constant 0 : index
    %get3A_10 = vector.load %arg2[%get3A_8, %get3A_9] : memref<2x64xf32, #tpu.memory_space<vmem>>, vector<1x64xf32>
    %div3A_11 = arith.constant 1.280000e+06 : f32
    %div3A_12 = vector.broadcast %div3A_11 : f32 to vector<1x64xf32>
    %div3A_13 = arith.divf %get3A_10, %div3A_12 : vector<1x64xf32>
    %mul3A = arith.mulf %div3A_7, %div3A_7 : vector<1x64xf32>
    %sub3A = arith.subf %div3A_13, %mul3A : vector<1x64xf32>
    %sub3A_14 = vector.broadcast %div3A_7 : vector<1x64xf32> to vector<1024x64xf32>
    %sub3A_15 = arith.subf %reshape3A, %sub3A_14 : vector<1024x64xf32>
    %add3A = arith.constant 9.99999974E-6 : f32
    %add3A_16 = vector.broadcast %add3A : f32 to vector<1x64xf32>
    %add3A_17 = arith.addf %sub3A, %add3A_16 : vector<1x64xf32>
    %sqrt3A = math.sqrt %add3A_17 : vector<1x64xf32>
    %div3A_18 = vector.broadcast %sqrt3A : vector<1x64xf32> to vector<1024x64xf32>
    %div3A_19 = arith.divf %sub3A_15, %div3A_18 : vector<1024x64xf32>
    %get3A_20 = arith.constant 0 : index
    %get3A_21 = arith.constant 0 : index
    %get3A_22 = vector.load %arg3[%get3A_20, %get3A_21] : memref<1x64xf32, #tpu.memory_space<vmem>>, vector<1x64xf32>
    %mul3A_23 = vector.broadcast %get3A_22 : vector<1x64xf32> to vector<1024x64xf32>
    %mul3A_24 = arith.mulf %div3A_19, %mul3A_23 : vector<1024x64xf32>
    %get3A_25 = arith.constant 0 : index
    %get3A_26 = arith.constant 0 : index
    %get3A_27 = vector.load %arg4[%get3A_25, %get3A_26] : memref<1x64xf32, #tpu.memory_space<vmem>>, vector<1x64xf32>
    %add3A_28 = vector.broadcast %get3A_27 : vector<1x64xf32> to vector<1024x64xf32>
    %add3A_29 = arith.addf %mul3A_24, %add3A_28 : vector<1024x64xf32>
    %max3A = arith.constant 0.000000e+00 : f32
    %max3A_30 = vector.broadcast %max3A : f32 to vector<1024x64xf32>
    %max3A_31 = arith.maximumf %add3A_29, %max3A_30 : vector<1024x64xf32>
    %reshape3A_32 = vector.shape_cast %max3A_31 : vector<1024x64xf32> to vector<8x128x64xf32>
    %reduce_max3A = arith.constant dense<0xFF800000> : vector<8x64xf32>
    %reduce_max3A_33 = vector.multi_reduction <maximumf>, %reshape3A_32, %reduce_max3A [1] : vector<8x128x64xf32> to vector<8x64xf32>
    %swap3A = arith.constant 0 : index
    %swap3A_34 = arith.constant 0 : index
    %swap3A_35 = vector.load %arg5[%swap3A, %swap3A_34] : memref<8x64xf32, #tpu.memory_space<vmem>>, vector<8x64xf32>
    tpu.vector_store %arg5[%swap3A, %swap3A_34], %reduce_max3A_33 {strides = array<i32>} : memref<8x64xf32, #tpu.memory_space<vmem>>, vector<8x64xf32>,
    return
  }
  func.func @transform_0(%arg0: i32) -> (i32, i32, i32) {
    %c0_i32 = arith.constant 0 : i32
    %c0_i32_0 = arith.constant 0 : i32
    %c0_i32_1 = arith.constant 0 : i32
    return %arg0, %c0_i32, %c0_i32_0 : i32, i32, i32
  }
  func.func @transform_1(%arg0: i32) -> (i32, i32) {
    %c0_i32 = arith.constant 0 : i32
    %c0_i32_0 = arith.constant 0 : i32
    %c0_i32_1 = arith.constant 0 : i32
    return %c0_i32, %c0_i32_0 : i32, i32
  }
  func.func @transform_2(%arg0: i32) -> (i32, i32) {
    %c0_i32 = arith.constant 0 : i32
    %c0_i32_0 = arith.constant 0 : i32
    %c0_i32_1 = arith.constant 0 : i32
    return %c0_i32, %c0_i32_0 : i32, i32
  }
  func.func @transform_3(%arg0: i32) -> (i32, i32) {
    %c0_i32 = arith.constant 0 : i32
    %c0_i32_0 = arith.constant 0 : i32
    %c0_i32_1 = arith.constant 0 : i32
    return %c0_i32, %c0_i32_0 : i32, i32
  }
  func.func @transform_4(%arg0: i32) -> (i32, i32) {
    %c0_i32 = arith.constant 0 : i32
    %c0_i32_0 = arith.constant 0 : i32
    return %arg0, %c0_i32 : i32, i32
  }
}

module attributes {stable_mosaic.version = 14 : i64} {
  func.func @_select_body(%arg0: i32, %arg1: memref<1x8x3xf32, #tpu.memory_space<vmem>>, %arg2: memref<3x10112xf32, #tpu.memory_space<vmem>>, %arg3: memref<1x8x32xi32, #tpu.memory_space<vmem>>) attributes {dimension_semantics = [#tpu.dimension_semantics<arbitrary>], iteration_bounds = array<i64: 1250>, scalar_prefetch = 0 : i64, scratch_operands = 0 : i64, tpu.core_type = #tpu.core_type<tc>, window_params = [{transform_indices = @transform_0, window_bounds = array<i64: 1, 8, 3>}, {pipeline_mode = #tpu.pipeline_mode<synchronous>, transform_indices = @transform_1, window_bounds = array<i64: 3, 10112>}, {transform_indices = @transform_2, window_bounds = array<i64: 1, 8, 32>}]} {
    %get3A = arith.constant 0 : index
    %get3A_0 = arith.constant 0 : index
    %get3A_1 = arith.constant 0 : index
    %get3A_2 = vector.load %arg1[%get3A, %get3A_0, %get3A_1] : memref<1x8x3xf32, #tpu.memory_space<vmem>>, vector<1x8x3xf32>
    %get3A_3 = vector.shape_cast %get3A_2 : vector<1x8x3xf32> to vector<8x3xf32>
    %get3A_4 = arith.constant 0 : index
    %get3A_5 = arith.constant 0 : index
    %get3A_6 = vector.load %arg2[%get3A_4, %get3A_5] : memref<3x10112xf32, #tpu.memory_space<vmem>>, vector<1x10112xf32>
    %get3A_7 = arith.constant 1 : index
    %get3A_8 = arith.constant 0 : index
    %get3A_9 = vector.load %arg2[%get3A_7, %get3A_8] : memref<3x10112xf32, #tpu.memory_space<vmem>>, vector<1x10112xf32>
    %get3A_10 = arith.constant 2 : index
    %get3A_11 = arith.constant 0 : index
    %get3A_12 = vector.load %arg2[%get3A_10, %get3A_11] : memref<3x10112xf32, #tpu.memory_space<vmem>>, vector<1x10112xf32>
    %mul3A = arith.mulf %get3A_6, %get3A_6 : vector<1x10112xf32>
    %mul3A_13 = arith.mulf %get3A_12, %get3A_12 : vector<1x10112xf32>
    %add3A = arith.addf %mul3A, %mul3A_13 : vector<1x10112xf32>
    %mul3A_14 = arith.mulf %get3A_9, %get3A_9 : vector<1x10112xf32>
    %add3A_15 = arith.addf %add3A, %mul3A_14 : vector<1x10112xf32>
    %get3A_16 = arith.constant 0 : index
    %get3A_17 = arith.constant 0 : index
    %get3A_18 = vector.load %arg2[%get3A_16, %get3A_17] : memref<3x10112xf32, #tpu.memory_space<vmem>>, vector<3x10112xf32>
    %convert_element_type3A = arith.truncf %get3A_3 : vector<8x3xf32> to vector<8x3xbf16>
    %convert_element_type3A_19 = arith.truncf %get3A_18 : vector<3x10112xf32> to vector<3x10112xbf16>
    %dot_general3A = arith.constant dense<0.000000e+00> : vector<8x10112xf32>
    %dot_general3A_20 = tpu.matmul %convert_element_type3A, %convert_element_type3A_19, %dot_general3A {dimension_numbers = #tpu.dot_dimension_numbers<[1], [0], [0], [1], [0, 0, 1, 1], [], []>, transpose_lhs_hint = false} : vector<8x3xbf16>, vector<3x10112xbf16>, vector<8x10112xf32> -> vector<8x10112xf32>
    %slice3A = vector.extract_strided_slice %get3A_3 {offsets = [0, 0], sizes = [8, 1], strides = [1, 1]} : vector<8x3xf32> to vector<8x1xf32>
    %slice3A_21 = vector.extract_strided_slice %get3A_3 {offsets = [0, 1], sizes = [8, 1], strides = [1, 1]} : vector<8x3xf32> to vector<8x1xf32>
    %slice3A_22 = vector.extract_strided_slice %get3A_3 {offsets = [0, 2], sizes = [8, 1], strides = [1, 1]} : vector<8x3xf32> to vector<8x1xf32>
    %mul3A_23 = arith.mulf %slice3A, %slice3A : vector<8x1xf32>
    %mul3A_24 = arith.mulf %slice3A_22, %slice3A_22 : vector<8x1xf32>
    %add3A_25 = arith.addf %mul3A_23, %mul3A_24 : vector<8x1xf32>
    %mul3A_26 = arith.mulf %slice3A_21, %slice3A_21 : vector<8x1xf32>
    %add3A_27 = arith.addf %add3A_25, %mul3A_26 : vector<8x1xf32>
    %mul3A_28 = arith.constant 2.000000e+00 : f32
    %mul3A_29 = vector.broadcast %mul3A_28 : f32 to vector<8x10112xf32>
    %mul3A_30 = arith.mulf %mul3A_29, %dot_general3A_20 : vector<8x10112xf32>
    %sub3A = vector.broadcast %add3A_27 : vector<8x1xf32> to vector<8x10112xf32>
    %sub3A_31 = arith.subf %sub3A, %mul3A_30 : vector<8x10112xf32>
    %add3A_32 = vector.broadcast %add3A_15 : vector<1x10112xf32> to vector<8x10112xf32>
    %add3A_33 = arith.addf %sub3A_31, %add3A_32 : vector<8x10112xf32>
    %iota3A = tpu.iota {dimensions = array<i32: 1>} : vector<8x10112xi32>
    %gt3A = arith.constant 1.600000e-01 : f32
    %gt3A_34 = vector.broadcast %gt3A : f32 to vector<8x10112xf32>
    %gt3A_35 = arith.cmpf ogt, %add3A_33, %gt3A_34 : vector<8x10112xf32>
    %not3A = arith.constant dense<true> : vector<8x10112xi1>
    %not3A_36 = arith.xori %gt3A_35, %not3A : vector<8x10112xi1>
    %lt3A = arith.constant 10000 : i32
    %lt3A_37 = vector.broadcast %lt3A : i32 to vector<8x10112xi32>
    %lt3A_38 = arith.cmpi slt, %iota3A, %lt3A_37 : vector<8x10112xi32>
    %and3A = arith.andi %not3A_36, %lt3A_38 : vector<8x10112xi1>
    %convert_element_type3A_39 = arith.sitofp %iota3A : vector<8x10112xi32> to vector<8x10112xf32>
    %jit3A = arith.constant 3.000000e+07 : f32
    %broadcast_in_dim3A = vector.broadcast %jit3A : f32 to vector<8x10112xf32>
    %select_n3A = arith.select %and3A, %convert_element_type3A_39, %broadcast_in_dim3A : vector<8x10112xi1>, vector<8x10112xf32>
    %convert_element_type3A_40 = arith.extui %and3A : vector<8x10112xi1> to vector<8x10112xi32>
    %reduce_sum3A = arith.constant dense<0> : vector<8xi32>
    %reduce_sum3A_41 = vector.multi_reduction <add>, %convert_element_type3A_40, %reduce_sum3A [1] : vector<8x10112xi32> to vector<8xi32>
    %reduce_max3A = vector.shape_cast %reduce_sum3A_41 : vector<8xi32> to vector<1x8xi32>
    %reduce_max3A_42 = arith.constant dense<-2147483648> : vector<1xi32>
    %reduce_max3A_43 = vector.multi_reduction <maxsi>, %reduce_max3A, %reduce_max3A_42 [1] : vector<1x8xi32> to vector<1xi32>
    %reduce_max3A_44 = vector.shape_cast %reduce_max3A_43 : vector<1xi32> to vector<1x1xi32>
    %reduce_max3A_45 = vector.extract %reduce_max3A_44[0, 0] : i32 from vector<1x1xi32>
    %min3A = arith.constant 32 : i32
    %min3A_46 = arith.minsi %reduce_max3A_45, %min3A : i32
    %iota3A_47 = tpu.iota {dimensions = array<i32: 1>} : vector<8x128xi32>
    %broadcast_in_dim3A_48 = arith.constant 3.000000e+07 : f32
    %broadcast_in_dim3A_49 = vector.broadcast %broadcast_in_dim3A_48 : f32 to vector<8x128xf32>
    %broadcast_in_dim3A_50 = arith.constant -1.000000e+00 : f32
    %broadcast_in_dim3A_51 = vector.broadcast %broadcast_in_dim3A_50 : f32 to vector<8x1xf32>
    %scan3A = arith.constant 0 : i32
    %scan3A_52 = arith.constant 32 : i32
    %scan3A_53 = arith.addi %scan3A, %scan3A_52 : i32
    %scan3A_54 = arith.constant 1 : i32
    %scan3A_55:2 = scf.for %scan3A_73 = %scan3A to %scan3A_53 step %scan3A_54 iter_args(%scan3A_74 = %broadcast_in_dim3A_49, %scan3A_75 = %broadcast_in_dim3A_51) -> (vector<8x128xf32>, vector<8x1xf32>)  : i32 {
      %lt3A_76 = arith.cmpi slt, %scan3A_73, %min3A_46 : i32
      %convert_element_type3A_77 = arith.extui %lt3A_76 : i1 to i32
      %cond3A = arith.constant 0 : i32
      %cond3A_78 = arith.cmpi ne, %convert_element_type3A_77, %cond3A : i32
      %cond3A_79:2 = scf.if %cond3A_78 -> (vector<8x128xf32>, vector<8x1xf32>) {
        %gt3A_80 = vector.broadcast %scan3A_75 : vector<8x1xf32> to vector<8x10112xf32>
        %gt3A_81 = arith.cmpf ogt, %select_n3A, %gt3A_80 : vector<8x10112xf32>
        %jit3A_82 = arith.constant 3.000000e+07 : f32
        %broadcast_in_dim3A_83 = vector.broadcast %jit3A_82 : f32 to vector<8x10112xf32>
        %select_n3A_84 = arith.select %gt3A_81, %select_n3A, %broadcast_in_dim3A_83 : vector<8x10112xi1>, vector<8x10112xf32>
        %reduce_min3A = arith.constant dense<0x7F800000> : vector<8xf32>
        %reduce_min3A_85 = vector.multi_reduction <minimumf>, %select_n3A_84, %reduce_min3A [1] : vector<8x10112xf32> to vector<8xf32>
        %broadcast_in_dim3A_86 = vector.shape_cast %reduce_min3A_85 : vector<8xf32> to vector<8x1xf32>
        %eq3A = vector.broadcast %scan3A_73 : i32 to vector<8x128xi32>
        %eq3A_87 = arith.cmpi eq, %iota3A_47, %eq3A : vector<8x128xi32>
        %broadcast_in_dim3A_88 = vector.shape_cast %broadcast_in_dim3A_86 : vector<8x1xf32> to vector<8x1xf32>
        %broadcast_in_dim3A_89 = vector.broadcast %broadcast_in_dim3A_88 : vector<8x1xf32> to vector<8x128xf32>
        %select_n3A_90 = arith.select %eq3A_87, %broadcast_in_dim3A_89, %scan3A_74 : vector<8x128xi1>, vector<8x128xf32>
        scf.yield %select_n3A_90, %broadcast_in_dim3A_86 : vector<8x128xf32>, vector<8x1xf32>
      } else {
        scf.yield %scan3A_74, %scan3A_75 : vector<8x128xf32>, vector<8x1xf32>
      }
      scf.yield %cond3A_79#0, %cond3A_79#1 : vector<8x128xf32>, vector<8x1xf32>
    }
    %scan3A_56 = arith.constant 32 : i32
    %slice3A_57 = vector.extract_strided_slice %scan3A_55#0 {offsets = [0, 0], sizes = [8, 1], strides = [1, 1]} : vector<8x128xf32> to vector<8x1xf32>
    %ge3A = arith.constant 3.000000e+07 : f32
    %ge3A_58 = vector.broadcast %ge3A : f32 to vector<8x128xf32>
    %ge3A_59 = arith.cmpf oge, %scan3A_55#0, %ge3A_58 : vector<8x128xf32>
    %broadcast_in_dim3A_60 = vector.shape_cast %slice3A_57 : vector<8x1xf32> to vector<8x1xf32>
    %broadcast_in_dim3A_61 = vector.broadcast %broadcast_in_dim3A_60 : vector<8x1xf32> to vector<8x128xf32>
    %select_n3A_62 = arith.select %ge3A_59, %broadcast_in_dim3A_61, %scan3A_55#0 : vector<8x128xi1>, vector<8x128xf32>
    %min3A_63 = arith.constant 9.999000e+03 : f32
    %min3A_64 = vector.broadcast %min3A_63 : f32 to vector<8x128xf32>
    %min3A_65 = arith.minimumf %select_n3A_62, %min3A_64 : vector<8x128xf32>
    %convert_element_type3A_66 = arith.fptosi %min3A_65 : vector<8x128xf32> to vector<8x128xi32>
    %slice3A_67 = vector.extract_strided_slice %convert_element_type3A_66 {offsets = [0, 0], sizes = [8, 32], strides = [1, 1]} : vector<8x128xi32> to vector<8x32xi32>
    %swap3A = arith.constant 0 : index
    %swap3A_68 = arith.constant 0 : index
    %swap3A_69 = arith.constant 0 : index
    %swap3A_70 = vector.load %arg3[%swap3A, %swap3A_68, %swap3A_69] : memref<1x8x32xi32, #tpu.memory_space<vmem>>, vector<1x8x32xi32>
    %swap3A_71 = vector.shape_cast %swap3A_70 : vector<1x8x32xi32> to vector<8x32xi32>
    %swap3A_72 = vector.shape_cast %slice3A_67 : vector<8x32xi32> to vector<1x8x32xi32>
    tpu.vector_store %arg3[%swap3A, %swap3A_68, %swap3A_69], %swap3A_72 {strides = array<i32>} : memref<1x8x32xi32, #tpu.memory_space<vmem>>, vector<1x8x32xi32>,
    return
  }
  func.func @transform_0(%arg0: i32) -> (i32, i32, i32) {
    %c0_i32 = arith.constant 0 : i32
    %c0_i32_0 = arith.constant 0 : i32
    %c0_i32_1 = arith.constant 0 : i32
    return %arg0, %c0_i32, %c0_i32_0 : i32, i32, i32
  }
  func.func @transform_1(%arg0: i32) -> (i32, i32) {
    %c0_i32 = arith.constant 0 : i32
    %c0_i32_0 = arith.constant 0 : i32
    %c0_i32_1 = arith.constant 0 : i32
    return %c0_i32, %c0_i32_0 : i32, i32
  }
  func.func @transform_2(%arg0: i32) -> (i32, i32, i32) {
    %c0_i32 = arith.constant 0 : i32
    %c0_i32_0 = arith.constant 0 : i32
    %c0_i32_1 = arith.constant 0 : i32
    return %arg0, %c0_i32, %c0_i32_0 : i32, i32, i32
  }
}

module attributes {stable_mosaic.version = 14 : i64} {
  func.func @_b1_body(%arg0: i32, %arg1: memref<8x64x80xf32, #tpu.memory_space<vmem>>, %arg2: memref<1x8x3xf32, #tpu.memory_space<vmem>>, %arg3: memref<80x64xf32, #tpu.memory_space<vmem>>, %arg4: memref<1x64xf32, #tpu.memory_space<vmem>>, %arg5: memref<8x64x64xf32, #tpu.memory_space<vmem>>, %arg6: memref<2x64xf32, #tpu.memory_space<vmem>>) attributes {dimension_semantics = [#tpu.dimension_semantics<arbitrary>], iteration_bounds = array<i64: 1250>, scalar_prefetch = 0 : i64, scratch_operands = 0 : i64, tpu.core_type = #tpu.core_type<tc>, window_params = [{transform_indices = @transform_0, window_bounds = array<i64: 8, 64, 80>}, {transform_indices = @transform_1, window_bounds = array<i64: 1, 8, 3>}, {pipeline_mode = #tpu.pipeline_mode<synchronous>, transform_indices = @transform_2, window_bounds = array<i64: 80, 64>}, {pipeline_mode = #tpu.pipeline_mode<synchronous>, transform_indices = @transform_3, window_bounds = array<i64: 1, 64>}, {transform_indices = @transform_4, window_bounds = array<i64: 8, 64, 64>}, {pipeline_mode = #tpu.pipeline_mode<synchronous>, transform_indices = @transform_5, window_bounds = array<i64: 2, 64>}]} {
    %get3A = arith.constant 0 : index
    %get3A_0 = arith.constant 0 : index
    %get3A_1 = arith.constant 0 : index
    %get3A_2 = vector.load %arg1[%get3A, %get3A_0, %get3A_1] : memref<8x64x80xf32, #tpu.memory_space<vmem>>, vector<8x64x80xf32>
    %get3A_3 = arith.constant 0 : index
    %get3A_4 = arith.constant 0 : index
    %get3A_5 = arith.constant 0 : index
    %get3A_6 = vector.load %arg2[%get3A_3, %get3A_4, %get3A_5] : memref<1x8x3xf32, #tpu.memory_space<vmem>>, vector<1x8x3xf32>
    %get3A_7 = vector.shape_cast %get3A_6 : vector<1x8x3xf32> to vector<8x3xf32>
    %slice3A = vector.extract_strided_slice %get3A_2 {offsets = [0, 0, 0], sizes = [8, 64, 3], strides = [1, 1, 1]} : vector<8x64x80xf32> to vector<8x64x3xf32>
    %broadcast_in_dim3A = vector.shape_cast %get3A_7 : vector<8x3xf32> to vector<8x1x3xf32>
    %sub3A = vector.broadcast %broadcast_in_dim3A : vector<8x1x3xf32> to vector<8x64x3xf32>
    %sub3A_8 = arith.subf %slice3A, %sub3A : vector<8x64x3xf32>
    %slice3A_9 = vector.extract_strided_slice %get3A_2 {offsets = [0, 0, 3], sizes = [8, 64, 77], strides = [1, 1, 1]} : vector<8x64x80xf32> to vector<8x64x77xf32>
    %concatenate3A = tpu.concatenate %sub3A_8, %slice3A_9 in 2 : vector<8x64x3xf32>, vector<8x64x77xf32> -> vector<8x64x80xf32>
    %reshape3A = vector.shape_cast %concatenate3A : vector<8x64x80xf32> to vector<512x80xf32>
    %get3A_10 = arith.constant 0 : index
    %get3A_11 = arith.constant 0 : index
    %get3A_12 = vector.load %arg3[%get3A_10, %get3A_11] : memref<80x64xf32, #tpu.memory_space<vmem>>, vector<80x64xf32>
    %convert_element_type3A = arith.truncf %reshape3A : vector<512x80xf32> to vector<512x80xbf16>
    %convert_element_type3A_13 = arith.truncf %get3A_12 : vector<80x64xf32> to vector<80x64xbf16>
    %dot_general3A = arith.constant dense<0.000000e+00> : vector<512x64xf32>
    %dot_general3A_14 = tpu.matmul %convert_element_type3A, %convert_element_type3A_13, %dot_general3A {dimension_numbers = #tpu.dot_dimension_numbers<[1], [0], [0], [1], [0, 0, 1, 1], [], []>, transpose_lhs_hint = false} : vector<512x80xbf16>, vector<80x64xbf16>, vector<512x64xf32> -> vector<512x64xf32>
    %get3A_15 = arith.constant 0 : index
    %get3A_16 = arith.constant 0 : index
    %get3A_17 = vector.load %arg4[%get3A_15, %get3A_16] : memref<1x64xf32, #tpu.memory_space<vmem>>, vector<1x64xf32>
    %add3A = vector.broadcast %get3A_17 : vector<1x64xf32> to vector<512x64xf32>
    %add3A_18 = arith.addf %dot_general3A_14, %add3A : vector<512x64xf32>
    %reshape3A_19 = vector.shape_cast %add3A_18 : vector<512x64xf32> to vector<8x64x64xf32>
    %swap3A = arith.constant 0 : index
    %swap3A_20 = arith.constant 0 : index
    %swap3A_21 = arith.constant 0 : index
    %swap3A_22 = vector.load %arg5[%swap3A, %swap3A_20, %swap3A_21] : memref<8x64x64xf32, #tpu.memory_space<vmem>>, vector<8x64x64xf32>
    tpu.vector_store %arg5[%swap3A, %swap3A_20, %swap3A_21], %reshape3A_19 {strides = array<i32>} : memref<8x64x64xf32, #tpu.memory_space<vmem>>, vector<8x64x64xf32>,
    %eq3A = arith.constant 0 : i32
    %eq3A_23 = arith.cmpi eq, %arg0, %eq3A : i32
    %convert_element_type3A_24 = arith.extui %eq3A_23 : i1 to i32
    %cond3A = arith.constant 0 : i32
    %cond3A_25 = arith.cmpi ne, %convert_element_type3A_24, %cond3A : i32
    scf.if %cond3A_25 {
      %broadcast_in_dim3A_39 = arith.constant 0.000000e+00 : f32
      %broadcast_in_dim3A_40 = vector.broadcast %broadcast_in_dim3A_39 : f32 to vector<2x64xf32>
      %swap3A_41 = arith.constant 0 : index
      %swap3A_42 = arith.constant 0 : index
      %swap3A_43 = vector.load %arg6[%swap3A_41, %swap3A_42] : memref<2x64xf32, #tpu.memory_space<vmem>>, vector<2x64xf32>
      tpu.vector_store %arg6[%swap3A_41, %swap3A_42], %broadcast_in_dim3A_40 {strides = array<i32>} : memref<2x64xf32, #tpu.memory_space<vmem>>, vector<2x64xf32>,
    } else {
    }
    %reduce_sum3A = arith.constant dense<0.000000e+00> : vector<64xf32>
    %reduce_sum3A_26 = vector.multi_reduction <add>, %add3A_18, %reduce_sum3A [0] : vector<512x64xf32> to vector<64xf32>
    %broadcast_in_dim3A_27 = vector.shape_cast %reduce_sum3A_26 : vector<64xf32> to vector<1x64xf32>
    %mul3A = arith.mulf %add3A_18, %add3A_18 : vector<512x64xf32>
    %reduce_sum3A_28 = arith.constant dense<0.000000e+00> : vector<64xf32>
    %reduce_sum3A_29 = vector.multi_reduction <add>, %mul3A, %reduce_sum3A_28 [0] : vector<512x64xf32> to vector<64xf32>
    %broadcast_in_dim3A_30 = vector.shape_cast %reduce_sum3A_29 : vector<64xf32> to vector<1x64xf32>
    %get3A_31 = arith.constant 0 : index
    %get3A_32 = arith.constant 0 : index
    %get3A_33 = vector.load %arg6[%get3A_31, %get3A_32] : memref<2x64xf32, #tpu.memory_space<vmem>>, vector<2x64xf32>
    %concatenate3A_34 = tpu.concatenate %broadcast_in_dim3A_27, %broadcast_in_dim3A_30 in 0 : vector<1x64xf32>, vector<1x64xf32> -> vector<2x64xf32>
    %add3A_35 = arith.addf %get3A_33, %concatenate3A_34 : vector<2x64xf32>
    %swap3A_36 = arith.constant 0 : index
    %swap3A_37 = arith.constant 0 : index
    %swap3A_38 = vector.load %arg6[%swap3A_36, %swap3A_37] : memref<2x64xf32, #tpu.memory_space<vmem>>, vector<2x64xf32>
    tpu.vector_store %arg6[%swap3A_36, %swap3A_37], %add3A_35 {strides = array<i32>} : memref<2x64xf32, #tpu.memory_space<vmem>>, vector<2x64xf32>,
    return
  }
  func.func @transform_0(%arg0: i32) -> (i32, i32, i32) {
    %c0_i32 = arith.constant 0 : i32
    %c0_i32_0 = arith.constant 0 : i32
    %c0_i32_1 = arith.constant 0 : i32
    return %arg0, %c0_i32, %c0_i32_0 : i32, i32, i32
  }
  func.func @transform_1(%arg0: i32) -> (i32, i32, i32) {
    %c0_i32 = arith.constant 0 : i32
    %c0_i32_0 = arith.constant 0 : i32
    %c0_i32_1 = arith.constant 0 : i32
    return %arg0, %c0_i32, %c0_i32_0 : i32, i32, i32
  }
  func.func @transform_2(%arg0: i32) -> (i32, i32) {
    %c0_i32 = arith.constant 0 : i32
    %c0_i32_0 = arith.constant 0 : i32
    %c0_i32_1 = arith.constant 0 : i32
    return %c0_i32, %c0_i32_0 : i32, i32
  }
  func.func @transform_3(%arg0: i32) -> (i32, i32) {
    %c0_i32 = arith.constant 0 : i32
    %c0_i32_0 = arith.constant 0 : i32
    %c0_i32_1 = arith.constant 0 : i32
    return %c0_i32, %c0_i32_0 : i32, i32
  }
  func.func @transform_4(%arg0: i32) -> (i32, i32, i32) {
    %c0_i32 = arith.constant 0 : i32
    %c0_i32_0 = arith.constant 0 : i32
    %c0_i32_1 = arith.constant 0 : i32
    return %arg0, %c0_i32, %c0_i32_0 : i32, i32, i32
  }
  func.func @transform_5(%arg0: i32) -> (i32, i32) {
    %c0_i32 = arith.constant 0 : i32
    %c0_i32_0 = arith.constant 0 : i32
    %c0_i32_1 = arith.constant 0 : i32
    return %c0_i32, %c0_i32_0 : i32, i32
  }
}

module attributes {stable_mosaic.version = 14 : i64} {
  func.func @_b2_body(%arg0: i32, %arg1: memref<8x64x64xf32, #tpu.memory_space<vmem>>, %arg2: memref<2x64xf32, #tpu.memory_space<vmem>>, %arg3: memref<1x64xf32, #tpu.memory_space<vmem>>, %arg4: memref<1x64xf32, #tpu.memory_space<vmem>>, %arg5: memref<64x64xf32, #tpu.memory_space<vmem>>, %arg6: memref<1x64xf32, #tpu.memory_space<vmem>>, %arg7: memref<8x64x64xf32, #tpu.memory_space<vmem>>, %arg8: memref<2x64xf32, #tpu.memory_space<vmem>>) attributes {dimension_semantics = [#tpu.dimension_semantics<arbitrary>], iteration_bounds = array<i64: 1250>, scalar_prefetch = 0 : i64, scratch_operands = 0 : i64, tpu.core_type = #tpu.core_type<tc>, window_params = [{transform_indices = @transform_0, window_bounds = array<i64: 8, 64, 64>}, {pipeline_mode = #tpu.pipeline_mode<synchronous>, transform_indices = @transform_1, window_bounds = array<i64: 2, 64>}, {pipeline_mode = #tpu.pipeline_mode<synchronous>, transform_indices = @transform_2, window_bounds = array<i64: 1, 64>}, {pipeline_mode = #tpu.pipeline_mode<synchronous>, transform_indices = @transform_3, window_bounds = array<i64: 1, 64>}, {pipeline_mode = #tpu.pipeline_mode<synchronous>, transform_indices = @transform_4, window_bounds = array<i64: 64, 64>}, {pipeline_mode = #tpu.pipeline_mode<synchronous>, transform_indices = @transform_5, window_bounds = array<i64: 1, 64>}, {transform_indices = @transform_6, window_bounds = array<i64: 8, 64, 64>}, {pipeline_mode = #tpu.pipeline_mode<synchronous>, transform_indices = @transform_7, window_bounds = array<i64: 2, 64>}]} {
    %get3A = arith.constant 0 : index
    %get3A_0 = arith.constant 0 : index
    %get3A_1 = arith.constant 0 : index
    %get3A_2 = vector.load %arg1[%get3A, %get3A_0, %get3A_1] : memref<8x64x64xf32, #tpu.memory_space<vmem>>, vector<8x64x64xf32>
    %reshape3A = vector.shape_cast %get3A_2 : vector<8x64x64xf32> to vector<512x64xf32>
    %get3A_3 = arith.constant 0 : index
    %get3A_4 = arith.constant 0 : index
    %get3A_5 = vector.load %arg2[%get3A_3, %get3A_4] : memref<2x64xf32, #tpu.memory_space<vmem>>, vector<1x64xf32>
    %div3A = arith.constant 6.400000e+05 : f32
    %div3A_6 = vector.broadcast %div3A : f32 to vector<1x64xf32>
    %div3A_7 = arith.divf %get3A_5, %div3A_6 : vector<1x64xf32>
    %get3A_8 = arith.constant 1 : index
    %get3A_9 = arith.constant 0 : index
    %get3A_10 = vector.load %arg2[%get3A_8, %get3A_9] : memref<2x64xf32, #tpu.memory_space<vmem>>, vector<1x64xf32>
    %div3A_11 = arith.constant 6.400000e+05 : f32
    %div3A_12 = vector.broadcast %div3A_11 : f32 to vector<1x64xf32>
    %div3A_13 = arith.divf %get3A_10, %div3A_12 : vector<1x64xf32>
    %mul3A = arith.mulf %div3A_7, %div3A_7 : vector<1x64xf32>
    %sub3A = arith.subf %div3A_13, %mul3A : vector<1x64xf32>
    %sub3A_14 = vector.broadcast %div3A_7 : vector<1x64xf32> to vector<512x64xf32>
    %sub3A_15 = arith.subf %reshape3A, %sub3A_14 : vector<512x64xf32>
    %add3A = arith.constant 9.99999974E-6 : f32
    %add3A_16 = vector.broadcast %add3A : f32 to vector<1x64xf32>
    %add3A_17 = arith.addf %sub3A, %add3A_16 : vector<1x64xf32>
    %sqrt3A = math.sqrt %add3A_17 : vector<1x64xf32>
    %div3A_18 = vector.broadcast %sqrt3A : vector<1x64xf32> to vector<512x64xf32>
    %div3A_19 = arith.divf %sub3A_15, %div3A_18 : vector<512x64xf32>
    %get3A_20 = arith.constant 0 : index
    %get3A_21 = arith.constant 0 : index
    %get3A_22 = vector.load %arg3[%get3A_20, %get3A_21] : memref<1x64xf32, #tpu.memory_space<vmem>>, vector<1x64xf32>
    %mul3A_23 = vector.broadcast %get3A_22 : vector<1x64xf32> to vector<512x64xf32>
    %mul3A_24 = arith.mulf %div3A_19, %mul3A_23 : vector<512x64xf32>
    %get3A_25 = arith.constant 0 : index
    %get3A_26 = arith.constant 0 : index
    %get3A_27 = vector.load %arg4[%get3A_25, %get3A_26] : memref<1x64xf32, #tpu.memory_space<vmem>>, vector<1x64xf32>
    %add3A_28 = vector.broadcast %get3A_27 : vector<1x64xf32> to vector<512x64xf32>
    %add3A_29 = arith.addf %mul3A_24, %add3A_28 : vector<512x64xf32>
    %max3A = arith.constant 0.000000e+00 : f32
    %max3A_30 = vector.broadcast %max3A : f32 to vector<512x64xf32>
    %max3A_31 = arith.maximumf %add3A_29, %max3A_30 : vector<512x64xf32>
    %get3A_32 = arith.constant 0 : index
    %get3A_33 = arith.constant 0 : index
    %get3A_34 = vector.load %arg5[%get3A_32, %get3A_33] : memref<64x64xf32, #tpu.memory_space<vmem>>, vector<64x64xf32>
    %convert_element_type3A = arith.truncf %max3A_31 : vector<512x64xf32> to vector<512x64xbf16>
    %convert_element_type3A_35 = arith.truncf %get3A_34 : vector<64x64xf32> to vector<64x64xbf16>
    %dot_general3A = arith.constant dense<0.000000e+00> : vector<512x64xf32>
    %dot_general3A_36 = tpu.matmul %convert_element_type3A, %convert_element_type3A_35, %dot_general3A {dimension_numbers = #tpu.dot_dimension_numbers<[1], [0], [0], [1], [0, 0, 1, 1], [], []>, transpose_lhs_hint = false} : vector<512x64xbf16>, vector<64x64xbf16>, vector<512x64xf32> -> vector<512x64xf32>
    %get3A_37 = arith.constant 0 : index
    %get3A_38 = arith.constant 0 : index
    %get3A_39 = vector.load %arg6[%get3A_37, %get3A_38] : memref<1x64xf32, #tpu.memory_space<vmem>>, vector<1x64xf32>
    %add3A_40 = vector.broadcast %get3A_39 : vector<1x64xf32> to vector<512x64xf32>
    %add3A_41 = arith.addf %dot_general3A_36, %add3A_40 : vector<512x64xf32>
    %reshape3A_42 = vector.shape_cast %add3A_41 : vector<512x64xf32> to vector<8x64x64xf32>
    %swap3A = arith.constant 0 : index
    %swap3A_43 = arith.constant 0 : index
    %swap3A_44 = arith.constant 0 : index
    %swap3A_45 = vector.load %arg7[%swap3A, %swap3A_43, %swap3A_44] : memref<8x64x64xf32, #tpu.memory_space<vmem>>, vector<8x64x64xf32>
    tpu.vector_store %arg7[%swap3A, %swap3A_43, %swap3A_44], %reshape3A_42 {strides = array<i32>} : memref<8x64x64xf32, #tpu.memory_space<vmem>>, vector<8x64x64xf32>,
    %eq3A = arith.constant 0 : i32
    %eq3A_46 = arith.cmpi eq, %arg0, %eq3A : i32
    %convert_element_type3A_47 = arith.extui %eq3A_46 : i1 to i32
    %cond3A = arith.constant 0 : i32
    %cond3A_48 = arith.cmpi ne, %convert_element_type3A_47, %cond3A : i32
    scf.if %cond3A_48 {
      %broadcast_in_dim3A_61 = arith.constant 0.000000e+00 : f32
      %broadcast_in_dim3A_62 = vector.broadcast %broadcast_in_dim3A_61 : f32 to vector<2x64xf32>
      %swap3A_63 = arith.constant 0 : index
      %swap3A_64 = arith.constant 0 : index
      %swap3A_65 = vector.load %arg8[%swap3A_63, %swap3A_64] : memref<2x64xf32, #tpu.memory_space<vmem>>, vector<2x64xf32>
      tpu.vector_store %arg8[%swap3A_63, %swap3A_64], %broadcast_in_dim3A_62 {strides = array<i32>} : memref<2x64xf32, #tpu.memory_space<vmem>>, vector<2x64xf32>,
    } else {
    }
    %reduce_sum3A = arith.constant dense<0.000000e+00> : vector<64xf32>
    %reduce_sum3A_49 = vector.multi_reduction <add>, %add3A_41, %reduce_sum3A [0] : vector<512x64xf32> to vector<64xf32>
    %broadcast_in_dim3A = vector.shape_cast %reduce_sum3A_49 : vector<64xf32> to vector<1x64xf32>
    %mul3A_50 = arith.mulf %add3A_41, %add3A_41 : vector<512x64xf32>
    %reduce_sum3A_51 = arith.constant dense<0.000000e+00> : vector<64xf32>
    %reduce_sum3A_52 = vector.multi_reduction <add>, %mul3A_50, %reduce_sum3A_51 [0] : vector<512x64xf32> to vector<64xf32>
    %broadcast_in_dim3A_53 = vector.shape_cast %reduce_sum3A_52 : vector<64xf32> to vector<1x64xf32>
    %get3A_54 = arith.constant 0 : index
    %get3A_55 = arith.constant 0 : index
    %get3A_56 = vector.load %arg8[%get3A_54, %get3A_55] : memref<2x64xf32, #tpu.memory_space<vmem>>, vector<2x64xf32>
    %concatenate3A = tpu.concatenate %broadcast_in_dim3A, %broadcast_in_dim3A_53 in 0 : vector<1x64xf32>, vector<1x64xf32> -> vector<2x64xf32>
    %add3A_57 = arith.addf %get3A_56, %concatenate3A : vector<2x64xf32>
    %swap3A_58 = arith.constant 0 : index
    %swap3A_59 = arith.constant 0 : index
    %swap3A_60 = vector.load %arg8[%swap3A_58, %swap3A_59] : memref<2x64xf32, #tpu.memory_space<vmem>>, vector<2x64xf32>
    tpu.vector_store %arg8[%swap3A_58, %swap3A_59], %add3A_57 {strides = array<i32>} : memref<2x64xf32, #tpu.memory_space<vmem>>, vector<2x64xf32>,
    return
  }
  func.func @transform_0(%arg0: i32) -> (i32, i32, i32) {
    %c0_i32 = arith.constant 0 : i32
    %c0_i32_0 = arith.constant 0 : i32
    %c0_i32_1 = arith.constant 0 : i32
    return %arg0, %c0_i32, %c0_i32_0 : i32, i32, i32
  }
  func.func @transform_1(%arg0: i32) -> (i32, i32) {
    %c0_i32 = arith.constant 0 : i32
    %c0_i32_0 = arith.constant 0 : i32
    %c0_i32_1 = arith.constant 0 : i32
    return %c0_i32, %c0_i32_0 : i32, i32
  }
  func.func @transform_2(%arg0: i32) -> (i32, i32) {
    %c0_i32 = arith.constant 0 : i32
    %c0_i32_0 = arith.constant 0 : i32
    %c0_i32_1 = arith.constant 0 : i32
    return %c0_i32, %c0_i32_0 : i32, i32
  }
  func.func @transform_3(%arg0: i32) -> (i32, i32) {
    %c0_i32 = arith.constant 0 : i32
    %c0_i32_0 = arith.constant 0 : i32
    %c0_i32_1 = arith.constant 0 : i32
    return %c0_i32, %c0_i32_0 : i32, i32
  }
  func.func @transform_4(%arg0: i32) -> (i32, i32) {
    %c0_i32 = arith.constant 0 : i32
    %c0_i32_0 = arith.constant 0 : i32
    %c0_i32_1 = arith.constant 0 : i32
    return %c0_i32, %c0_i32_0 : i32, i32
  }
  func.func @transform_5(%arg0: i32) -> (i32, i32) {
    %c0_i32 = arith.constant 0 : i32
    %c0_i32_0 = arith.constant 0 : i32
    %c0_i32_1 = arith.constant 0 : i32
    return %c0_i32, %c0_i32_0 : i32, i32
  }
  func.func @transform_6(%arg0: i32) -> (i32, i32, i32) {
    %c0_i32 = arith.constant 0 : i32
    %c0_i32_0 = arith.constant 0 : i32
    %c0_i32_1 = arith.constant 0 : i32
    return %arg0, %c0_i32, %c0_i32_0 : i32, i32, i32
  }
  func.func @transform_7(%arg0: i32) -> (i32, i32) {
    %c0_i32 = arith.constant 0 : i32
    %c0_i32_0 = arith.constant 0 : i32
    %c0_i32_1 = arith.constant 0 : i32
    return %c0_i32, %c0_i32_0 : i32, i32
  }
}

module attributes {stable_mosaic.version = 14 : i64} {
  func.func @_b4_body(%arg0: i32, %arg1: memref<8x64x64xf32, #tpu.memory_space<vmem>>, %arg2: memref<2x64xf32, #tpu.memory_space<vmem>>, %arg3: memref<1x64xf32, #tpu.memory_space<vmem>>, %arg4: memref<1x64xf32, #tpu.memory_space<vmem>>, %arg5: memref<8x64xf32, #tpu.memory_space<vmem>>) attributes {dimension_semantics = [#tpu.dimension_semantics<arbitrary>], iteration_bounds = array<i64: 1250>, scalar_prefetch = 0 : i64, scratch_operands = 0 : i64, tpu.core_type = #tpu.core_type<tc>, window_params = [{transform_indices = @transform_0, window_bounds = array<i64: 8, 64, 64>}, {pipeline_mode = #tpu.pipeline_mode<synchronous>, transform_indices = @transform_1, window_bounds = array<i64: 2, 64>}, {pipeline_mode = #tpu.pipeline_mode<synchronous>, transform_indices = @transform_2, window_bounds = array<i64: 1, 64>}, {pipeline_mode = #tpu.pipeline_mode<synchronous>, transform_indices = @transform_3, window_bounds = array<i64: 1, 64>}, {transform_indices = @transform_4, window_bounds = array<i64: 8, 64>}]} {
    %get3A = arith.constant 0 : index
    %get3A_0 = arith.constant 0 : index
    %get3A_1 = arith.constant 0 : index
    %get3A_2 = vector.load %arg1[%get3A, %get3A_0, %get3A_1] : memref<8x64x64xf32, #tpu.memory_space<vmem>>, vector<8x64x64xf32>
    %reshape3A = vector.shape_cast %get3A_2 : vector<8x64x64xf32> to vector<512x64xf32>
    %get3A_3 = arith.constant 0 : index
    %get3A_4 = arith.constant 0 : index
    %get3A_5 = vector.load %arg2[%get3A_3, %get3A_4] : memref<2x64xf32, #tpu.memory_space<vmem>>, vector<1x64xf32>
    %div3A = arith.constant 6.400000e+05 : f32
    %div3A_6 = vector.broadcast %div3A : f32 to vector<1x64xf32>
    %div3A_7 = arith.divf %get3A_5, %div3A_6 : vector<1x64xf32>
    %get3A_8 = arith.constant 1 : index
    %get3A_9 = arith.constant 0 : index
    %get3A_10 = vector.load %arg2[%get3A_8, %get3A_9] : memref<2x64xf32, #tpu.memory_space<vmem>>, vector<1x64xf32>
    %div3A_11 = arith.constant 6.400000e+05 : f32
    %div3A_12 = vector.broadcast %div3A_11 : f32 to vector<1x64xf32>
    %div3A_13 = arith.divf %get3A_10, %div3A_12 : vector<1x64xf32>
    %mul3A = arith.mulf %div3A_7, %div3A_7 : vector<1x64xf32>
    %sub3A = arith.subf %div3A_13, %mul3A : vector<1x64xf32>
    %sub3A_14 = vector.broadcast %div3A_7 : vector<1x64xf32> to vector<512x64xf32>
    %sub3A_15 = arith.subf %reshape3A, %sub3A_14 : vector<512x64xf32>
    %add3A = arith.constant 9.99999974E-6 : f32
    %add3A_16 = vector.broadcast %add3A : f32 to vector<1x64xf32>
    %add3A_17 = arith.addf %sub3A, %add3A_16 : vector<1x64xf32>
    %sqrt3A = math.sqrt %add3A_17 : vector<1x64xf32>
    %div3A_18 = vector.broadcast %sqrt3A : vector<1x64xf32> to vector<512x64xf32>
    %div3A_19 = arith.divf %sub3A_15, %div3A_18 : vector<512x64xf32>
    %get3A_20 = arith.constant 0 : index
    %get3A_21 = arith.constant 0 : index
    %get3A_22 = vector.load %arg3[%get3A_20, %get3A_21] : memref<1x64xf32, #tpu.memory_space<vmem>>, vector<1x64xf32>
    %mul3A_23 = vector.broadcast %get3A_22 : vector<1x64xf32> to vector<512x64xf32>
    %mul3A_24 = arith.mulf %div3A_19, %mul3A_23 : vector<512x64xf32>
    %get3A_25 = arith.constant 0 : index
    %get3A_26 = arith.constant 0 : index
    %get3A_27 = vector.load %arg4[%get3A_25, %get3A_26] : memref<1x64xf32, #tpu.memory_space<vmem>>, vector<1x64xf32>
    %add3A_28 = vector.broadcast %get3A_27 : vector<1x64xf32> to vector<512x64xf32>
    %add3A_29 = arith.addf %mul3A_24, %add3A_28 : vector<512x64xf32>
    %max3A = arith.constant 0.000000e+00 : f32
    %max3A_30 = vector.broadcast %max3A : f32 to vector<512x64xf32>
    %max3A_31 = arith.maximumf %add3A_29, %max3A_30 : vector<512x64xf32>
    %reshape3A_32 = vector.shape_cast %max3A_31 : vector<512x64xf32> to vector<8x64x64xf32>
    %reduce_max3A = arith.constant dense<0xFF800000> : vector<8x64xf32>
    %reduce_max3A_33 = vector.multi_reduction <maximumf>, %reshape3A_32, %reduce_max3A [1] : vector<8x64x64xf32> to vector<8x64xf32>
    %swap3A = arith.constant 0 : index
    %swap3A_34 = arith.constant 0 : index
    %swap3A_35 = vector.load %arg5[%swap3A, %swap3A_34] : memref<8x64xf32, #tpu.memory_space<vmem>>, vector<8x64xf32>
    tpu.vector_store %arg5[%swap3A, %swap3A_34], %reduce_max3A_33 {strides = array<i32>} : memref<8x64xf32, #tpu.memory_space<vmem>>, vector<8x64xf32>,
    return
  }
  func.func @transform_0(%arg0: i32) -> (i32, i32, i32) {
    %c0_i32 = arith.constant 0 : i32
    %c0_i32_0 = arith.constant 0 : i32
    %c0_i32_1 = arith.constant 0 : i32
    return %arg0, %c0_i32, %c0_i32_0 : i32, i32, i32
  }
  func.func @transform_1(%arg0: i32) -> (i32, i32) {
    %c0_i32 = arith.constant 0 : i32
    %c0_i32_0 = arith.constant 0 : i32
    %c0_i32_1 = arith.constant 0 : i32
    return %c0_i32, %c0_i32_0 : i32, i32
  }
  func.func @transform_2(%arg0: i32) -> (i32, i32) {
    %c0_i32 = arith.constant 0 : i32
    %c0_i32_0 = arith.constant 0 : i32
    %c0_i32_1 = arith.constant 0 : i32
    return %c0_i32, %c0_i32_0 : i32, i32
  }
  func.func @transform_3(%arg0: i32) -> (i32, i32) {
    %c0_i32 = arith.constant 0 : i32
    %c0_i32_0 = arith.constant 0 : i32
    %c0_i32_1 = arith.constant 0 : i32
    return %c0_i32, %c0_i32_0 : i32, i32
  }
  func.func @transform_4(%arg0: i32) -> (i32, i32) {
    %c0_i32 = arith.constant 0 : i32
    %c0_i32_0 = arith.constant 0 : i32
    return %arg0, %c0_i32 : i32, i32
  }
}

module attributes {stable_mosaic.version = 14 : i64} {
  func.func @_b1_body(%arg0: i32, %arg1: memref<8x32x80xf32, #tpu.memory_space<vmem>>, %arg2: memref<1x8x3xf32, #tpu.memory_space<vmem>>, %arg3: memref<80x32xf32, #tpu.memory_space<vmem>>, %arg4: memref<1x32xf32, #tpu.memory_space<vmem>>, %arg5: memref<8x32x32xf32, #tpu.memory_space<vmem>>, %arg6: memref<2x32xf32, #tpu.memory_space<vmem>>) attributes {dimension_semantics = [#tpu.dimension_semantics<arbitrary>], iteration_bounds = array<i64: 1250>, scalar_prefetch = 0 : i64, scratch_operands = 0 : i64, tpu.core_type = #tpu.core_type<tc>, window_params = [{transform_indices = @transform_0, window_bounds = array<i64: 8, 32, 80>}, {transform_indices = @transform_1, window_bounds = array<i64: 1, 8, 3>}, {pipeline_mode = #tpu.pipeline_mode<synchronous>, transform_indices = @transform_2, window_bounds = array<i64: 80, 32>}, {pipeline_mode = #tpu.pipeline_mode<synchronous>, transform_indices = @transform_3, window_bounds = array<i64: 1, 32>}, {transform_indices = @transform_4, window_bounds = array<i64: 8, 32, 32>}, {pipeline_mode = #tpu.pipeline_mode<synchronous>, transform_indices = @transform_5, window_bounds = array<i64: 2, 32>}]} {
    %get3A = arith.constant 0 : index
    %get3A_0 = arith.constant 0 : index
    %get3A_1 = arith.constant 0 : index
    %get3A_2 = vector.load %arg1[%get3A, %get3A_0, %get3A_1] : memref<8x32x80xf32, #tpu.memory_space<vmem>>, vector<8x32x80xf32>
    %get3A_3 = arith.constant 0 : index
    %get3A_4 = arith.constant 0 : index
    %get3A_5 = arith.constant 0 : index
    %get3A_6 = vector.load %arg2[%get3A_3, %get3A_4, %get3A_5] : memref<1x8x3xf32, #tpu.memory_space<vmem>>, vector<1x8x3xf32>
    %get3A_7 = vector.shape_cast %get3A_6 : vector<1x8x3xf32> to vector<8x3xf32>
    %slice3A = vector.extract_strided_slice %get3A_2 {offsets = [0, 0, 0], sizes = [8, 32, 3], strides = [1, 1, 1]} : vector<8x32x80xf32> to vector<8x32x3xf32>
    %broadcast_in_dim3A = vector.shape_cast %get3A_7 : vector<8x3xf32> to vector<8x1x3xf32>
    %sub3A = vector.broadcast %broadcast_in_dim3A : vector<8x1x3xf32> to vector<8x32x3xf32>
    %sub3A_8 = arith.subf %slice3A, %sub3A : vector<8x32x3xf32>
    %slice3A_9 = vector.extract_strided_slice %get3A_2 {offsets = [0, 0, 3], sizes = [8, 32, 77], strides = [1, 1, 1]} : vector<8x32x80xf32> to vector<8x32x77xf32>
    %concatenate3A = tpu.concatenate %sub3A_8, %slice3A_9 in 2 : vector<8x32x3xf32>, vector<8x32x77xf32> -> vector<8x32x80xf32>
    %reshape3A = vector.shape_cast %concatenate3A : vector<8x32x80xf32> to vector<256x80xf32>
    %get3A_10 = arith.constant 0 : index
    %get3A_11 = arith.constant 0 : index
    %get3A_12 = vector.load %arg3[%get3A_10, %get3A_11] : memref<80x32xf32, #tpu.memory_space<vmem>>, vector<80x32xf32>
    %convert_element_type3A = arith.truncf %reshape3A : vector<256x80xf32> to vector<256x80xbf16>
    %convert_element_type3A_13 = arith.truncf %get3A_12 : vector<80x32xf32> to vector<80x32xbf16>
    %dot_general3A = arith.constant dense<0.000000e+00> : vector<256x32xf32>
    %dot_general3A_14 = tpu.matmul %convert_element_type3A, %convert_element_type3A_13, %dot_general3A {dimension_numbers = #tpu.dot_dimension_numbers<[1], [0], [0], [1], [0, 0, 1, 1], [], []>, transpose_lhs_hint = false} : vector<256x80xbf16>, vector<80x32xbf16>, vector<256x32xf32> -> vector<256x32xf32>
    %get3A_15 = arith.constant 0 : index
    %get3A_16 = arith.constant 0 : index
    %get3A_17 = vector.load %arg4[%get3A_15, %get3A_16] : memref<1x32xf32, #tpu.memory_space<vmem>>, vector<1x32xf32>
    %add3A = vector.broadcast %get3A_17 : vector<1x32xf32> to vector<256x32xf32>
    %add3A_18 = arith.addf %dot_general3A_14, %add3A : vector<256x32xf32>
    %reshape3A_19 = vector.shape_cast %add3A_18 : vector<256x32xf32> to vector<8x32x32xf32>
    %swap3A = arith.constant 0 : index
    %swap3A_20 = arith.constant 0 : index
    %swap3A_21 = arith.constant 0 : index
    %swap3A_22 = vector.load %arg5[%swap3A, %swap3A_20, %swap3A_21] : memref<8x32x32xf32, #tpu.memory_space<vmem>>, vector<8x32x32xf32>
    tpu.vector_store %arg5[%swap3A, %swap3A_20, %swap3A_21], %reshape3A_19 {strides = array<i32>} : memref<8x32x32xf32, #tpu.memory_space<vmem>>, vector<8x32x32xf32>,
    %eq3A = arith.constant 0 : i32
    %eq3A_23 = arith.cmpi eq, %arg0, %eq3A : i32
    %convert_element_type3A_24 = arith.extui %eq3A_23 : i1 to i32
    %cond3A = arith.constant 0 : i32
    %cond3A_25 = arith.cmpi ne, %convert_element_type3A_24, %cond3A : i32
    scf.if %cond3A_25 {
      %broadcast_in_dim3A_39 = arith.constant 0.000000e+00 : f32
      %broadcast_in_dim3A_40 = vector.broadcast %broadcast_in_dim3A_39 : f32 to vector<2x32xf32>
      %swap3A_41 = arith.constant 0 : index
      %swap3A_42 = arith.constant 0 : index
      %swap3A_43 = vector.load %arg6[%swap3A_41, %swap3A_42] : memref<2x32xf32, #tpu.memory_space<vmem>>, vector<2x32xf32>
      tpu.vector_store %arg6[%swap3A_41, %swap3A_42], %broadcast_in_dim3A_40 {strides = array<i32>} : memref<2x32xf32, #tpu.memory_space<vmem>>, vector<2x32xf32>,
    } else {
    }
    %reduce_sum3A = arith.constant dense<0.000000e+00> : vector<32xf32>
    %reduce_sum3A_26 = vector.multi_reduction <add>, %add3A_18, %reduce_sum3A [0] : vector<256x32xf32> to vector<32xf32>
    %broadcast_in_dim3A_27 = vector.shape_cast %reduce_sum3A_26 : vector<32xf32> to vector<1x32xf32>
    %mul3A = arith.mulf %add3A_18, %add3A_18 : vector<256x32xf32>
    %reduce_sum3A_28 = arith.constant dense<0.000000e+00> : vector<32xf32>
    %reduce_sum3A_29 = vector.multi_reduction <add>, %mul3A, %reduce_sum3A_28 [0] : vector<256x32xf32> to vector<32xf32>
    %broadcast_in_dim3A_30 = vector.shape_cast %reduce_sum3A_29 : vector<32xf32> to vector<1x32xf32>
    %get3A_31 = arith.constant 0 : index
    %get3A_32 = arith.constant 0 : index
    %get3A_33 = vector.load %arg6[%get3A_31, %get3A_32] : memref<2x32xf32, #tpu.memory_space<vmem>>, vector<2x32xf32>
    %concatenate3A_34 = tpu.concatenate %broadcast_in_dim3A_27, %broadcast_in_dim3A_30 in 0 : vector<1x32xf32>, vector<1x32xf32> -> vector<2x32xf32>
    %add3A_35 = arith.addf %get3A_33, %concatenate3A_34 : vector<2x32xf32>
    %swap3A_36 = arith.constant 0 : index
    %swap3A_37 = arith.constant 0 : index
    %swap3A_38 = vector.load %arg6[%swap3A_36, %swap3A_37] : memref<2x32xf32, #tpu.memory_space<vmem>>, vector<2x32xf32>
    tpu.vector_store %arg6[%swap3A_36, %swap3A_37], %add3A_35 {strides = array<i32>} : memref<2x32xf32, #tpu.memory_space<vmem>>, vector<2x32xf32>,
    return
  }
  func.func @transform_0(%arg0: i32) -> (i32, i32, i32) {
    %c0_i32 = arith.constant 0 : i32
    %c0_i32_0 = arith.constant 0 : i32
    %c0_i32_1 = arith.constant 0 : i32
    return %arg0, %c0_i32, %c0_i32_0 : i32, i32, i32
  }
  func.func @transform_1(%arg0: i32) -> (i32, i32, i32) {
    %c0_i32 = arith.constant 0 : i32
    %c0_i32_0 = arith.constant 0 : i32
    %c0_i32_1 = arith.constant 0 : i32
    return %arg0, %c0_i32, %c0_i32_0 : i32, i32, i32
  }
  func.func @transform_2(%arg0: i32) -> (i32, i32) {
    %c0_i32 = arith.constant 0 : i32
    %c0_i32_0 = arith.constant 0 : i32
    %c0_i32_1 = arith.constant 0 : i32
    return %c0_i32, %c0_i32_0 : i32, i32
  }
  func.func @transform_3(%arg0: i32) -> (i32, i32) {
    %c0_i32 = arith.constant 0 : i32
    %c0_i32_0 = arith.constant 0 : i32
    %c0_i32_1 = arith.constant 0 : i32
    return %c0_i32, %c0_i32_0 : i32, i32
  }
  func.func @transform_4(%arg0: i32) -> (i32, i32, i32) {
    %c0_i32 = arith.constant 0 : i32
    %c0_i32_0 = arith.constant 0 : i32
    %c0_i32_1 = arith.constant 0 : i32
    return %arg0, %c0_i32, %c0_i32_0 : i32, i32, i32
  }
  func.func @transform_5(%arg0: i32) -> (i32, i32) {
    %c0_i32 = arith.constant 0 : i32
    %c0_i32_0 = arith.constant 0 : i32
    %c0_i32_1 = arith.constant 0 : i32
    return %c0_i32, %c0_i32_0 : i32, i32
  }
}

module attributes {stable_mosaic.version = 14 : i64} {
  func.func @_b2_body(%arg0: i32, %arg1: memref<8x32x32xf32, #tpu.memory_space<vmem>>, %arg2: memref<2x32xf32, #tpu.memory_space<vmem>>, %arg3: memref<1x32xf32, #tpu.memory_space<vmem>>, %arg4: memref<1x32xf32, #tpu.memory_space<vmem>>, %arg5: memref<32x32xf32, #tpu.memory_space<vmem>>, %arg6: memref<1x32xf32, #tpu.memory_space<vmem>>, %arg7: memref<8x32x32xf32, #tpu.memory_space<vmem>>, %arg8: memref<2x32xf32, #tpu.memory_space<vmem>>) attributes {dimension_semantics = [#tpu.dimension_semantics<arbitrary>], iteration_bounds = array<i64: 1250>, scalar_prefetch = 0 : i64, scratch_operands = 0 : i64, tpu.core_type = #tpu.core_type<tc>, window_params = [{transform_indices = @transform_0, window_bounds = array<i64: 8, 32, 32>}, {pipeline_mode = #tpu.pipeline_mode<synchronous>, transform_indices = @transform_1, window_bounds = array<i64: 2, 32>}, {pipeline_mode = #tpu.pipeline_mode<synchronous>, transform_indices = @transform_2, window_bounds = array<i64: 1, 32>}, {pipeline_mode = #tpu.pipeline_mode<synchronous>, transform_indices = @transform_3, window_bounds = array<i64: 1, 32>}, {pipeline_mode = #tpu.pipeline_mode<synchronous>, transform_indices = @transform_4, window_bounds = array<i64: 32, 32>}, {pipeline_mode = #tpu.pipeline_mode<synchronous>, transform_indices = @transform_5, window_bounds = array<i64: 1, 32>}, {transform_indices = @transform_6, window_bounds = array<i64: 8, 32, 32>}, {pipeline_mode = #tpu.pipeline_mode<synchronous>, transform_indices = @transform_7, window_bounds = array<i64: 2, 32>}]} {
    %get3A = arith.constant 0 : index
    %get3A_0 = arith.constant 0 : index
    %get3A_1 = arith.constant 0 : index
    %get3A_2 = vector.load %arg1[%get3A, %get3A_0, %get3A_1] : memref<8x32x32xf32, #tpu.memory_space<vmem>>, vector<8x32x32xf32>
    %reshape3A = vector.shape_cast %get3A_2 : vector<8x32x32xf32> to vector<256x32xf32>
    %get3A_3 = arith.constant 0 : index
    %get3A_4 = arith.constant 0 : index
    %get3A_5 = vector.load %arg2[%get3A_3, %get3A_4] : memref<2x32xf32, #tpu.memory_space<vmem>>, vector<1x32xf32>
    %div3A = arith.constant 3.200000e+05 : f32
    %div3A_6 = vector.broadcast %div3A : f32 to vector<1x32xf32>
    %div3A_7 = arith.divf %get3A_5, %div3A_6 : vector<1x32xf32>
    %get3A_8 = arith.constant 1 : index
    %get3A_9 = arith.constant 0 : index
    %get3A_10 = vector.load %arg2[%get3A_8, %get3A_9] : memref<2x32xf32, #tpu.memory_space<vmem>>, vector<1x32xf32>
    %div3A_11 = arith.constant 3.200000e+05 : f32
    %div3A_12 = vector.broadcast %div3A_11 : f32 to vector<1x32xf32>
    %div3A_13 = arith.divf %get3A_10, %div3A_12 : vector<1x32xf32>
    %mul3A = arith.mulf %div3A_7, %div3A_7 : vector<1x32xf32>
    %sub3A = arith.subf %div3A_13, %mul3A : vector<1x32xf32>
    %sub3A_14 = vector.broadcast %div3A_7 : vector<1x32xf32> to vector<256x32xf32>
    %sub3A_15 = arith.subf %reshape3A, %sub3A_14 : vector<256x32xf32>
    %add3A = arith.constant 9.99999974E-6 : f32
    %add3A_16 = vector.broadcast %add3A : f32 to vector<1x32xf32>
    %add3A_17 = arith.addf %sub3A, %add3A_16 : vector<1x32xf32>
    %sqrt3A = math.sqrt %add3A_17 : vector<1x32xf32>
    %div3A_18 = vector.broadcast %sqrt3A : vector<1x32xf32> to vector<256x32xf32>
    %div3A_19 = arith.divf %sub3A_15, %div3A_18 : vector<256x32xf32>
    %get3A_20 = arith.constant 0 : index
    %get3A_21 = arith.constant 0 : index
    %get3A_22 = vector.load %arg3[%get3A_20, %get3A_21] : memref<1x32xf32, #tpu.memory_space<vmem>>, vector<1x32xf32>
    %mul3A_23 = vector.broadcast %get3A_22 : vector<1x32xf32> to vector<256x32xf32>
    %mul3A_24 = arith.mulf %div3A_19, %mul3A_23 : vector<256x32xf32>
    %get3A_25 = arith.constant 0 : index
    %get3A_26 = arith.constant 0 : index
    %get3A_27 = vector.load %arg4[%get3A_25, %get3A_26] : memref<1x32xf32, #tpu.memory_space<vmem>>, vector<1x32xf32>
    %add3A_28 = vector.broadcast %get3A_27 : vector<1x32xf32> to vector<256x32xf32>
    %add3A_29 = arith.addf %mul3A_24, %add3A_28 : vector<256x32xf32>
    %max3A = arith.constant 0.000000e+00 : f32
    %max3A_30 = vector.broadcast %max3A : f32 to vector<256x32xf32>
    %max3A_31 = arith.maximumf %add3A_29, %max3A_30 : vector<256x32xf32>
    %get3A_32 = arith.constant 0 : index
    %get3A_33 = arith.constant 0 : index
    %get3A_34 = vector.load %arg5[%get3A_32, %get3A_33] : memref<32x32xf32, #tpu.memory_space<vmem>>, vector<32x32xf32>
    %convert_element_type3A = arith.truncf %max3A_31 : vector<256x32xf32> to vector<256x32xbf16>
    %convert_element_type3A_35 = arith.truncf %get3A_34 : vector<32x32xf32> to vector<32x32xbf16>
    %dot_general3A = arith.constant dense<0.000000e+00> : vector<256x32xf32>
    %dot_general3A_36 = tpu.matmul %convert_element_type3A, %convert_element_type3A_35, %dot_general3A {dimension_numbers = #tpu.dot_dimension_numbers<[1], [0], [0], [1], [0, 0, 1, 1], [], []>, transpose_lhs_hint = false} : vector<256x32xbf16>, vector<32x32xbf16>, vector<256x32xf32> -> vector<256x32xf32>
    %get3A_37 = arith.constant 0 : index
    %get3A_38 = arith.constant 0 : index
    %get3A_39 = vector.load %arg6[%get3A_37, %get3A_38] : memref<1x32xf32, #tpu.memory_space<vmem>>, vector<1x32xf32>
    %add3A_40 = vector.broadcast %get3A_39 : vector<1x32xf32> to vector<256x32xf32>
    %add3A_41 = arith.addf %dot_general3A_36, %add3A_40 : vector<256x32xf32>
    %reshape3A_42 = vector.shape_cast %add3A_41 : vector<256x32xf32> to vector<8x32x32xf32>
    %swap3A = arith.constant 0 : index
    %swap3A_43 = arith.constant 0 : index
    %swap3A_44 = arith.constant 0 : index
    %swap3A_45 = vector.load %arg7[%swap3A, %swap3A_43, %swap3A_44] : memref<8x32x32xf32, #tpu.memory_space<vmem>>, vector<8x32x32xf32>
    tpu.vector_store %arg7[%swap3A, %swap3A_43, %swap3A_44], %reshape3A_42 {strides = array<i32>} : memref<8x32x32xf32, #tpu.memory_space<vmem>>, vector<8x32x32xf32>,
    %eq3A = arith.constant 0 : i32
    %eq3A_46 = arith.cmpi eq, %arg0, %eq3A : i32
    %convert_element_type3A_47 = arith.extui %eq3A_46 : i1 to i32
    %cond3A = arith.constant 0 : i32
    %cond3A_48 = arith.cmpi ne, %convert_element_type3A_47, %cond3A : i32
    scf.if %cond3A_48 {
      %broadcast_in_dim3A_61 = arith.constant 0.000000e+00 : f32
      %broadcast_in_dim3A_62 = vector.broadcast %broadcast_in_dim3A_61 : f32 to vector<2x32xf32>
      %swap3A_63 = arith.constant 0 : index
      %swap3A_64 = arith.constant 0 : index
      %swap3A_65 = vector.load %arg8[%swap3A_63, %swap3A_64] : memref<2x32xf32, #tpu.memory_space<vmem>>, vector<2x32xf32>
      tpu.vector_store %arg8[%swap3A_63, %swap3A_64], %broadcast_in_dim3A_62 {strides = array<i32>} : memref<2x32xf32, #tpu.memory_space<vmem>>, vector<2x32xf32>,
    } else {
    }
    %reduce_sum3A = arith.constant dense<0.000000e+00> : vector<32xf32>
    %reduce_sum3A_49 = vector.multi_reduction <add>, %add3A_41, %reduce_sum3A [0] : vector<256x32xf32> to vector<32xf32>
    %broadcast_in_dim3A = vector.shape_cast %reduce_sum3A_49 : vector<32xf32> to vector<1x32xf32>
    %mul3A_50 = arith.mulf %add3A_41, %add3A_41 : vector<256x32xf32>
    %reduce_sum3A_51 = arith.constant dense<0.000000e+00> : vector<32xf32>
    %reduce_sum3A_52 = vector.multi_reduction <add>, %mul3A_50, %reduce_sum3A_51 [0] : vector<256x32xf32> to vector<32xf32>
    %broadcast_in_dim3A_53 = vector.shape_cast %reduce_sum3A_52 : vector<32xf32> to vector<1x32xf32>
    %get3A_54 = arith.constant 0 : index
    %get3A_55 = arith.constant 0 : index
    %get3A_56 = vector.load %arg8[%get3A_54, %get3A_55] : memref<2x32xf32, #tpu.memory_space<vmem>>, vector<2x32xf32>
    %concatenate3A = tpu.concatenate %broadcast_in_dim3A, %broadcast_in_dim3A_53 in 0 : vector<1x32xf32>, vector<1x32xf32> -> vector<2x32xf32>
    %add3A_57 = arith.addf %get3A_56, %concatenate3A : vector<2x32xf32>
    %swap3A_58 = arith.constant 0 : index
    %swap3A_59 = arith.constant 0 : index
    %swap3A_60 = vector.load %arg8[%swap3A_58, %swap3A_59] : memref<2x32xf32, #tpu.memory_space<vmem>>, vector<2x32xf32>
    tpu.vector_store %arg8[%swap3A_58, %swap3A_59], %add3A_57 {strides = array<i32>} : memref<2x32xf32, #tpu.memory_space<vmem>>, vector<2x32xf32>,
    return
  }
  func.func @transform_0(%arg0: i32) -> (i32, i32, i32) {
    %c0_i32 = arith.constant 0 : i32
    %c0_i32_0 = arith.constant 0 : i32
    %c0_i32_1 = arith.constant 0 : i32
    return %arg0, %c0_i32, %c0_i32_0 : i32, i32, i32
  }
  func.func @transform_1(%arg0: i32) -> (i32, i32) {
    %c0_i32 = arith.constant 0 : i32
    %c0_i32_0 = arith.constant 0 : i32
    %c0_i32_1 = arith.constant 0 : i32
    return %c0_i32, %c0_i32_0 : i32, i32
  }
  func.func @transform_2(%arg0: i32) -> (i32, i32) {
    %c0_i32 = arith.constant 0 : i32
    %c0_i32_0 = arith.constant 0 : i32
    %c0_i32_1 = arith.constant 0 : i32
    return %c0_i32, %c0_i32_0 : i32, i32
  }
  func.func @transform_3(%arg0: i32) -> (i32, i32) {
    %c0_i32 = arith.constant 0 : i32
    %c0_i32_0 = arith.constant 0 : i32
    %c0_i32_1 = arith.constant 0 : i32
    return %c0_i32, %c0_i32_0 : i32, i32
  }
  func.func @transform_4(%arg0: i32) -> (i32, i32) {
    %c0_i32 = arith.constant 0 : i32
    %c0_i32_0 = arith.constant 0 : i32
    %c0_i32_1 = arith.constant 0 : i32
    return %c0_i32, %c0_i32_0 : i32, i32
  }
  func.func @transform_5(%arg0: i32) -> (i32, i32) {
    %c0_i32 = arith.constant 0 : i32
    %c0_i32_0 = arith.constant 0 : i32
    %c0_i32_1 = arith.constant 0 : i32
    return %c0_i32, %c0_i32_0 : i32, i32
  }
  func.func @transform_6(%arg0: i32) -> (i32, i32, i32) {
    %c0_i32 = arith.constant 0 : i32
    %c0_i32_0 = arith.constant 0 : i32
    %c0_i32_1 = arith.constant 0 : i32
    return %arg0, %c0_i32, %c0_i32_0 : i32, i32, i32
  }
  func.func @transform_7(%arg0: i32) -> (i32, i32) {
    %c0_i32 = arith.constant 0 : i32
    %c0_i32_0 = arith.constant 0 : i32
    %c0_i32_1 = arith.constant 0 : i32
    return %c0_i32, %c0_i32_0 : i32, i32
  }
}

module attributes {stable_mosaic.version = 14 : i64} {
  func.func @_b4_body(%arg0: i32, %arg1: memref<8x32x32xf32, #tpu.memory_space<vmem>>, %arg2: memref<2x32xf32, #tpu.memory_space<vmem>>, %arg3: memref<1x32xf32, #tpu.memory_space<vmem>>, %arg4: memref<1x32xf32, #tpu.memory_space<vmem>>, %arg5: memref<32x32xf32, #tpu.memory_space<vmem>>, %arg6: memref<1x32xf32, #tpu.memory_space<vmem>>, %arg7: memref<8x32xf32, #tpu.memory_space<vmem>>) attributes {dimension_semantics = [#tpu.dimension_semantics<arbitrary>], iteration_bounds = array<i64: 1250>, scalar_prefetch = 0 : i64, scratch_operands = 0 : i64, tpu.core_type = #tpu.core_type<tc>, window_params = [{transform_indices = @transform_0, window_bounds = array<i64: 8, 32, 32>}, {pipeline_mode = #tpu.pipeline_mode<synchronous>, transform_indices = @transform_1, window_bounds = array<i64: 2, 32>}, {pipeline_mode = #tpu.pipeline_mode<synchronous>, transform_indices = @transform_2, window_bounds = array<i64: 1, 32>}, {pipeline_mode = #tpu.pipeline_mode<synchronous>, transform_indices = @transform_3, window_bounds = array<i64: 1, 32>}, {pipeline_mode = #tpu.pipeline_mode<synchronous>, transform_indices = @transform_4, window_bounds = array<i64: 32, 32>}, {pipeline_mode = #tpu.pipeline_mode<synchronous>, transform_indices = @transform_5, window_bounds = array<i64: 1, 32>}, {transform_indices = @transform_6, window_bounds = array<i64: 8, 32>}]} {
    %get3A = arith.constant 0 : index
    %get3A_0 = arith.constant 0 : index
    %get3A_1 = arith.constant 0 : index
    %get3A_2 = vector.load %arg1[%get3A, %get3A_0, %get3A_1] : memref<8x32x32xf32, #tpu.memory_space<vmem>>, vector<8x32x32xf32>
    %reshape3A = vector.shape_cast %get3A_2 : vector<8x32x32xf32> to vector<256x32xf32>
    %get3A_3 = arith.constant 0 : index
    %get3A_4 = arith.constant 0 : index
    %get3A_5 = vector.load %arg2[%get3A_3, %get3A_4] : memref<2x32xf32, #tpu.memory_space<vmem>>, vector<1x32xf32>
    %div3A = arith.constant 3.200000e+05 : f32
    %div3A_6 = vector.broadcast %div3A : f32 to vector<1x32xf32>
    %div3A_7 = arith.divf %get3A_5, %div3A_6 : vector<1x32xf32>
    %get3A_8 = arith.constant 1 : index
    %get3A_9 = arith.constant 0 : index
    %get3A_10 = vector.load %arg2[%get3A_8, %get3A_9] : memref<2x32xf32, #tpu.memory_space<vmem>>, vector<1x32xf32>
    %div3A_11 = arith.constant 3.200000e+05 : f32
    %div3A_12 = vector.broadcast %div3A_11 : f32 to vector<1x32xf32>
    %div3A_13 = arith.divf %get3A_10, %div3A_12 : vector<1x32xf32>
    %mul3A = arith.mulf %div3A_7, %div3A_7 : vector<1x32xf32>
    %sub3A = arith.subf %div3A_13, %mul3A : vector<1x32xf32>
    %sub3A_14 = vector.broadcast %div3A_7 : vector<1x32xf32> to vector<256x32xf32>
    %sub3A_15 = arith.subf %reshape3A, %sub3A_14 : vector<256x32xf32>
    %add3A = arith.constant 9.99999974E-6 : f32
    %add3A_16 = vector.broadcast %add3A : f32 to vector<1x32xf32>
    %add3A_17 = arith.addf %sub3A, %add3A_16 : vector<1x32xf32>
    %sqrt3A = math.sqrt %add3A_17 : vector<1x32xf32>
    %div3A_18 = vector.broadcast %sqrt3A : vector<1x32xf32> to vector<256x32xf32>
    %div3A_19 = arith.divf %sub3A_15, %div3A_18 : vector<256x32xf32>
    %get3A_20 = arith.constant 0 : index
    %get3A_21 = arith.constant 0 : index
    %get3A_22 = vector.load %arg3[%get3A_20, %get3A_21] : memref<1x32xf32, #tpu.memory_space<vmem>>, vector<1x32xf32>
    %mul3A_23 = vector.broadcast %get3A_22 : vector<1x32xf32> to vector<256x32xf32>
    %mul3A_24 = arith.mulf %div3A_19, %mul3A_23 : vector<256x32xf32>
    %get3A_25 = arith.constant 0 : index
    %get3A_26 = arith.constant 0 : index
    %get3A_27 = vector.load %arg4[%get3A_25, %get3A_26] : memref<1x32xf32, #tpu.memory_space<vmem>>, vector<1x32xf32>
    %add3A_28 = vector.broadcast %get3A_27 : vector<1x32xf32> to vector<256x32xf32>
    %add3A_29 = arith.addf %mul3A_24, %add3A_28 : vector<256x32xf32>
    %max3A = arith.constant 0.000000e+00 : f32
    %max3A_30 = vector.broadcast %max3A : f32 to vector<256x32xf32>
    %max3A_31 = arith.maximumf %add3A_29, %max3A_30 : vector<256x32xf32>
    %reshape3A_32 = vector.shape_cast %max3A_31 : vector<256x32xf32> to vector<8x32x32xf32>
    %reduce_max3A = arith.constant dense<0xFF800000> : vector<8x32xf32>
    %reduce_max3A_33 = vector.multi_reduction <maximumf>, %reshape3A_32, %reduce_max3A [1] : vector<8x32x32xf32> to vector<8x32xf32>
    %get3A_34 = arith.constant 0 : index
    %get3A_35 = arith.constant 0 : index
    %get3A_36 = vector.load %arg5[%get3A_34, %get3A_35] : memref<32x32xf32, #tpu.memory_space<vmem>>, vector<32x32xf32>
    %convert_element_type3A = arith.truncf %reduce_max3A_33 : vector<8x32xf32> to vector<8x32xbf16>
    %convert_element_type3A_37 = arith.truncf %get3A_36 : vector<32x32xf32> to vector<32x32xbf16>
    %dot_general3A = arith.constant dense<0.000000e+00> : vector<8x32xf32>
    %dot_general3A_38 = tpu.matmul %convert_element_type3A, %convert_element_type3A_37, %dot_general3A {dimension_numbers = #tpu.dot_dimension_numbers<[1], [0], [0], [1], [0, 0, 1, 1], [], []>, transpose_lhs_hint = false} : vector<8x32xbf16>, vector<32x32xbf16>, vector<8x32xf32> -> vector<8x32xf32>
    %get3A_39 = arith.constant 0 : index
    %get3A_40 = arith.constant 0 : index
    %get3A_41 = vector.load %arg6[%get3A_39, %get3A_40] : memref<1x32xf32, #tpu.memory_space<vmem>>, vector<1x32xf32>
    %add3A_42 = vector.broadcast %get3A_41 : vector<1x32xf32> to vector<8x32xf32>
    %add3A_43 = arith.addf %dot_general3A_38, %add3A_42 : vector<8x32xf32>
    %swap3A = arith.constant 0 : index
    %swap3A_44 = arith.constant 0 : index
    %swap3A_45 = vector.load %arg7[%swap3A, %swap3A_44] : memref<8x32xf32, #tpu.memory_space<vmem>>, vector<8x32xf32>
    tpu.vector_store %arg7[%swap3A, %swap3A_44], %add3A_43 {strides = array<i32>} : memref<8x32xf32, #tpu.memory_space<vmem>>, vector<8x32xf32>,
    return
  }
  func.func @transform_0(%arg0: i32) -> (i32, i32, i32) {
    %c0_i32 = arith.constant 0 : i32
    %c0_i32_0 = arith.constant 0 : i32
    %c0_i32_1 = arith.constant 0 : i32
    return %arg0, %c0_i32, %c0_i32_0 : i32, i32, i32
  }
  func.func @transform_1(%arg0: i32) -> (i32, i32) {
    %c0_i32 = arith.constant 0 : i32
    %c0_i32_0 = arith.constant 0 : i32
    %c0_i32_1 = arith.constant 0 : i32
    return %c0_i32, %c0_i32_0 : i32, i32
  }
  func.func @transform_2(%arg0: i32) -> (i32, i32) {
    %c0_i32 = arith.constant 0 : i32
    %c0_i32_0 = arith.constant 0 : i32
    %c0_i32_1 = arith.constant 0 : i32
    return %c0_i32, %c0_i32_0 : i32, i32
  }
  func.func @transform_3(%arg0: i32) -> (i32, i32) {
    %c0_i32 = arith.constant 0 : i32
    %c0_i32_0 = arith.constant 0 : i32
    %c0_i32_1 = arith.constant 0 : i32
    return %c0_i32, %c0_i32_0 : i32, i32
  }
  func.func @transform_4(%arg0: i32) -> (i32, i32) {
    %c0_i32 = arith.constant 0 : i32
    %c0_i32_0 = arith.constant 0 : i32
    %c0_i32_1 = arith.constant 0 : i32
    return %c0_i32, %c0_i32_0 : i32, i32
  }
  func.func @transform_5(%arg0: i32) -> (i32, i32) {
    %c0_i32 = arith.constant 0 : i32
    %c0_i32_0 = arith.constant 0 : i32
    %c0_i32_1 = arith.constant 0 : i32
    return %c0_i32, %c0_i32_0 : i32, i32
  }
  func.func @transform_6(%arg0: i32) -> (i32, i32) {
    %c0_i32 = arith.constant 0 : i32
    %c0_i32_0 = arith.constant 0 : i32
    return %arg0, %c0_i32 : i32, i32
  }
}

</mosaic_0001>

<sc_bundles>
// kernel: kernel.21.cloned.1.call-start
scs
__scs_entry_jumppad:
0x0: {  	(pc) =	sbr.rel $0x88, $3  }
0x1: {  	(tag) =	ssettag $0x0;
	lr =	simm.s32 $0x1  }
0x2: {  	[smem:$0x3F82] =	sst lr;
	_ =	strace $0xD0000000  }
0x3: {  	_ = 	snop  }
0x4: {  	_ = 	snop  }
0x5: {  	_ = 	snop  }
0x6: {  	_ = 	snop  }
0x7: {  	_ = 	snop  }
__scs_overlays_trampoline_lowered:
0x8: {  	[smem:$0x3F91] =	sst s0  }
0x9: {  	[smem:$0x3F92] =	sst s1  }
0xa: {  	[smem:$0x3F93] =	sst s2  }
0xb: {  	[smem:$0x3F94] =	sst s3  }
0xc: {  	[smem:$0x3F95] =	sst s4  }
0xd: {  	[smem:$0x3F96] =	sst s5  }
0xe: {  	[smem:$0x3F97] =	sst s6  }
0xf: {  	[smem:$0x3F98] =	sst s7  }
0x10: {  	[smem:$0x3F99] =	sst s8  }
0x11: {  	[smem:$0x3F9A] =	sst s9;
	s0 =	simm.s32 @!p0 $0x0  }
0x12: {  	s1 =	sld [smem:$0x3F80];
	s0 =	simm.s32 @p0 $0x1  }
0x13: {  	[smem:$0x3F9B] =	sst s0;
	s0 =	simm.s32 @!p1 $0x0  }
0x14: {  	s2 =	sld [smem:$0x3F7F];
	s0 =	simm.s32 @p1 $0x1  }
0x15: {  	[smem:$0x3F9C] =	sst s0;
	s0 =	simm.s32 @!p2 $0x0  }
0x16: {  	s3 =	sld [smem:$0x3FDB];
	s0 =	simm.s32 @p2 $0x1  }
0x17: {  	s4 =	simm.s32 $0x1BF5;
	[smem:$0x3F9E] =	sst s0  }
0x18: {  	s0 =	sld [smem:$0x3F81];
	_ =	swait.ge [sflag:s4], $0x0  }
0x19: {  	s7 =	sld [smem:$0x3F82]  }
0x1a: {  	s8 =	sadd.s32 $0xFFFFE003, lr  }
0x1b: {  	s9 =	sadd.s32 $0xFFFFFEF7, lr;
	s5 =	simm.s32 $0xFFFFFFFF;
	p2 =	slt.u32 s8, $0xFFFFF086  }
0x1c: {  	p1 =	slt.u32 s9, $0xF7A;
	s5 =	simm.s32 @!p2 $0x0  }
0x1d: {  	s5 =	simm.s32 @p1 $0x1;
	p0 =	seq.s32 s7, s2  }
0x1e: {  	s7 =	smul.u32 @!p0 $0xF7A, s2;
	p2 =	seq.s32 @!p0 s5, $0x0  }
0x1f: {  	s9 =	smul.u32 $0xF7A, s1;
	s8 =	simm.s32 @!p0 $0x1BF5;
	p2 =	por !p2, p0  }
0x20: {  	[sflag:s8] =	ssyncset.s32 @!p0 $0xFFFFF086;
	s6 =	sadd.s32 @!p0 s3, s7;
	s7 =	simm.s32 @!p0 $0x108  }
0x21: {  	s3 =	sadd.s32 s3, s9;
	s6 =	sadd.s32 @!p0 $0x88, s6;
	s7 =	simm.s32 @p2 $0x1082  }
0x22: {  	[simem:s7], [sflag:s8] =	dma.local @!p0 [hbm:s6], $0xF7A  }
0x23: {  	s9 =	sor.u32 $0xD0000000, s2;
	s6 =	simm.s32 $0x108;
	_ =	swait.ge @!p0 [sflag:s8], $0x0  }
0x24: {  	s3 =	sadd.s32 $0x88, s3;
	s6 =	simm.s32 @!p1 $0x1082;
	[sflag:s4] =	ssyncset.s32 $0xFFFFF086  }
0x25: {  	[simem:s6], [sflag:s4] =	dma.local [hbm:s3], $0xF7A  }
0x26: {  	[smem:$0x3F82] =	sst s1;
	(tag) =	ssettag s2;
	_ =	strace s9  }
0x27: {  	s1 =	sld [smem:$0x3F92]  }
0x28: {  	s2 =	sld [smem:$0x3F93]  }
0x29: {  	s4 =	sld [smem:$0x3F95]  }
0x2a: {  	p0 =	seq.s32 s5, $0x0;
	s5 =	sld [smem:$0x3F96]  }
0x2b: {  	s6 =	sld [smem:$0x3F97]  }
0x2c: {  	s7 =	sld [smem:$0x3F98]  }
0x2d: {  	s3 =	simm.s32 $0x108;
	s8 =	sld [smem:$0x3F99]  }
0x2e: {  	s3 =	simm.s32 @!p0 $0x1082;
	s9 =	sld [smem:$0x3F9A]  }
0x2f: {  	lr =	sadd.s32 s0, s3;
	s0 =	sld [smem:$0x3F91]  }
0x30: {  	s3 =	sld [smem:$0x3F94]  }
0x31: {  	[smem:$0x3F9D] =	sst s10  }
0x32: {  	s10 =	sld [smem:$0x3F9B];
	_ =	sdelay $0x3  }
0x33: {  	p0 =	seq.s32 s10, $0x1;
	s10 =	sld [smem:$0x3F9D];
	_ =	sdelay $0x3  }
0x34: {  	[smem:$0x3F9D] =	sst s10  }
0x35: {  	s10 =	sld [smem:$0x3F9C];
	_ =	sdelay $0x3  }
0x36: {  	p1 =	seq.s32 s10, $0x1;
	s10 =	sld [smem:$0x3F9D];
	_ =	sdelay $0x3  }
0x37: {  	[smem:$0x3F9D] =	sst s10  }
0x38: {  	s10 =	sld [smem:$0x3F9E]  }
0x39: {  	_ = 	snop;
	(pc) =	sbr.ind lr, $3  }
0x3a: {  	_ = 	snop  }
0x3b: {  	_ = 	snop  }
0x3c: {  	p2 =	seq.s32 s10, $0x1;
	s10 =	sld [smem:$0x3F9D]  }
0x3d: {  	_ =	shalt  }
0x3e: {  	_ =	shalt  }
0x3f: {  	_ =	shalt  }
0x40: {  	_ =	shalt  }
0x41: {  	_ =	shalt  }
0x42: {  	_ =	shalt  }
0x43: {  	_ =	shalt  }
0x44: {  	_ =	shalt  }
0x45: {  	_ =	shalt  }
0x46: {  	_ =	shalt  }
0x47: {  	_ =	shalt  }
0x48: {  	_ =	shalt  }
0x49: {  	_ =	shalt  }
0x4a: {  	_ =	shalt  }
0x4b: {  	_ =	shalt  }
0x4c: {  	_ =	shalt  }
0x4d: {  	_ =	shalt  }
0x4e: {  	_ =	shalt  }
0x4f: {  	_ =	shalt  }
0x50: {  	_ =	shalt  }
0x51: {  	_ =	shalt  }
0x52: {  	_ =	shalt  }
0x53: {  	_ =	shalt  }
0x54: {  	_ =	shalt  }
0x55: {  	_ =	shalt  }
0x56: {  	_ =	shalt  }
0x57: {  	_ =	shalt  }
0x58: {  	_ =	shalt  }
0x59: {  	_ =	shalt  }
0x5a: {  	_ =	shalt  }
0x5b: {  	_ =	shalt  }
0x5c: {  	_ =	shalt  }
0x5d: {  	_ =	shalt  }
0x5e: {  	_ =	shalt  }
0x5f: {  	_ =	shalt  }
0x60: {  	_ =	shalt  }
0x61: {  	_ =	shalt  }
0x62: {  	_ =	shalt  }
0x63: {  	_ =	shalt  }
0x64: {  	_ =	shalt  }
0x65: {  	_ =	shalt  }
0x66: {  	_ =	shalt  }
0x67: {  	_ =	shalt  }
0x68: {  	_ =	shalt  }
0x69: {  	_ =	shalt  }
0x6a: {  	_ =	shalt  }
0x6b: {  	_ =	shalt  }
0x6c: {  	_ =	shalt  }
0x6d: {  	_ =	shalt  }
0x6e: {  	_ =	shalt  }
0x6f: {  	_ =	shalt  }
0x70: {  	_ =	shalt  }
0x71: {  	_ =	shalt  }
0x72: {  	_ =	shalt  }
0x73: {  	_ =	shalt  }
0x74: {  	_ =	shalt  }
0x75: {  	_ =	shalt  }
0x76: {  	_ =	shalt  }
0x77: {  	_ =	shalt  }
0x78: {  	_ =	shalt  }
0x79: {  	_ =	shalt  }
0x7a: {  	_ =	shalt  }
0x7b: {  	_ =	shalt  }
0x7c: {  	_ =	shalt  }
0x7d: {  	_ =	shalt  }
0x7e: {  	_ =	shalt  }
0x7f: {  	_ =	shalt  }
0x80: {  	_ =	shalt  }
0x81: {  	_ =	shalt  }
0x82: {  	_ =	shalt  }
0x83: {  	_ =	shalt  }
0x84: {  	_ =	shalt  }
0x85: {  	_ =	shalt  }
0x86: {  	_ =	shalt  }
0x87: {  	_ =	shalt  }
.Lfunc_end0:
.L_simem_size_0:
called_computation_lowered:
.L_overlay_start_0:
0x88: {  	s2 =	sld [smem:$0x3FD9]  }
0x89: {  	s3 =	sld [smem:$0x3FFE];
	_ =	sdelay $0x1  }
0x8a: {  	s1 =	srdreg.scid  }
0x8b: {  	s0 =	sand.u32 $0x1, s1  }
0x8c: {  	s14 =	sshll.u32 s0, $0xA;
	s2 =	sadd.s32 s3, s2  }
0x8d: {  	s2 =	sadd.s32 s2, s14  }
0x8e: {  	[smem:$0x3FA9] =	sst s2  }
0x8f: {  	_ = 	snop  }
0x90: {  	s2 =	sld [smem:$0x3FD0];
	_ =	sdelay $0x2  }
0x91: {  	s15 =	simm.s32 $0xA;
	s4 =	simm.s32 $0x10  }
0x92: {  	[smem:s4], [sflag:s15] =	dma.local [hbm:s2], $0x1  }
0x93: {  	_ =	swait.eq [sflag:s15], $0x1  }
0x94: {  	[sflag:s15] =	ssyncset.done $0x0  }
0x95: {  	[sflag:s15] =	ssyncadd.s32 $0xFFFFFFFF  }
0x96: {  	s16 =	sld [smem:$0x11];
	(tm) =	ssettm $0x1  }
0x97: {  	s17 =	sld [smem:$0x3FFB];
	_ =	sdelay $0x3  }
0x98: {  	_ =	strace s17  }
0x99: {  	s3 =	sld [smem:$0x3FFC];
	_ =	sdelay $0x3  }
0x9a: {  	_ =	strace s3  }
0x9b: {  	s3 =	sld [smem:$0x3FFD];
	_ =	sdelay $0x3  }
0x9c: {  	_ =	strace s3  }
0x9d: {  	_ =	strace $0x8FFFFFFF  }
0x9e: {  	s18 =	sld [smem:$0x3FDB];
	_ =	sdelay $0x1  }
0x9f: {  	s19 =	simm.s32 $_scs_section_size  }
0xa0: {  	s5 =	simm.s32 $_size__tile_overlayer_lowered;
	s6 =	simm.s32 $_tile_overlayer_lowered  }
0xa1: {  	s22 =	simm.s32 $0x1BFF;
	s21 =	sshll.u32 s6, $0x1;
	s3 =	sadd.s32 s19, s18  }
0xa2: {  	s7 =	simm.s32 $0x0;
	s20 =	sshll.u32 s5, $0x1;
	s5 =	sadd.s32 s21, s3  }
0xa3: {  	[timem:s7], [sflag:s22] =	dma.local [hbm:s5], s20  }
0xa4: {  	_ =	swait.ge [sflag:s22], s20  }
0xa5: {  	s4 =	ssub.s32 $0x0, s20;
	[sflag:s22] =	ssyncset.done $0x0  }
0xa6: {  	[sflag:s22] =	ssyncadd.s32 s4;
	_ =	sdelay $0x1  }
0xa7: {  	s23 =	simm.s32 $0x1B8B  }
0xa8: {  	_ =	swait.ge [sflag:s23], $0x1  }
0xa9: {  	[sflag:s23] =	ssyncset.done $0x0  }
0xaa: {  	s25 =	simm.s32 $0x1B8E;
	s24 =	sld [smem:$0x3FFE];
	[sflag:s23] =	ssyncadd.s32 $0xFFFFFFFF  }
0xab: {  	s26 =	simm.s32 $execute0_lowered;
	[smem:$0x3FD2] =	sst s25  }
0xac: {  	s5 =	sshll.u32 s26, $0x1;
	_ =	strace $0x80000046;
	[dreg:$0x1] =	wrdreg $0xFFFFFFFF  }
0xad: {  	s28 =	simm.s32 $_size_execute0_lowered;
	s3 =	sadd.s32 s3, s5;
	[dreg:$0x0] =	wrdreg $0x0  }
0xae: {  	s5 =	sshll.u32 s28, $0x1;
	[dreg:$0x2] =	wrdreg s3  }
0xaf: {  	[dreg:$0x3] =	wrdreg s5  }
0xb0: {  	[dreg:$0x4] =	wrdreg $0xC0  }
0xb1: {  	_ =	task [dreg:s7], $0x5FFFF  }
0xb2: {  	[dreg:$0x1] =	wrdreg $0xFFFFFFFF  }
0xb3: {  	[dreg:$0x0] =	wrdreg $0x60  }
0xb4: {  	[dreg:$0x2] =	wrdreg s16  }
0xb5: {  	[dreg:$0x3] =	wrdreg s24  }
0xb6: {  	[dreg:$0x4] =	wrdreg $0x9  }
0xb7: {  	_ =	task.clear_ibuf [dreg:s7], $0x5FFFF;
	_ =	strace $0x90000046  }
0xb8: {  	s29 =	simm.s32 $0x9;
	_ =	strace $0x80000048  }
0xb9: {  	_ =	swait.ge [sflag:s29], $0x1  }
0xba: {  	[sflag:s29] =	ssyncadd.s32 $0xFFFFFFFF  }
0xbb: {  	_ =	strace $0x90000048  }
0xbc: {  	_ =	sfence  }
0xbd: {  	s30 =	sld [smem:$0x0];
	_ =	sdelay $0x2  }
0xbe: {  	s31 =	sshll.u32 s1, $0xD;
	s1 =	sshrl.u32 s1, $0x2  }
0xbf: {  	s3 =	sand.u32 $0x4000, s31;
	s1 =	sadd.s32 s1, s30  }
0xc0: {  	s0 =	sor.u32 s3, s0;
	s1 =	sshll.u32 s1, $0x11  }
0xc1: {  	s0 =	sor.u32 s1, s0  }
0xc2: {  	s0 =	sadd.s32 $0x8F2B, s0  }
0xc3: {  	[sflag:s0] =	ssyncadd.remote.s32 $0x1  }
0xc4: {  	_ =	sfence.sel $0xFFFF  }
0xc5: {  	[dreg:$0x0] =	wrdreg $0xFFFFFFFF;
	(pc) =	sbr.abs _section_cstart, $3  }
0xc6: {  	[dreg:$0x1] =	wrdreg $0xFFFFFFFF  }
0xc7: {  	_ =	task.clear_ibuf [dreg:s7], $0x2FFFF;
	_ =	strace $0x9FFFFFFF  }
0xc8: {  	(tm) =	ssettm $0x7FFFFFFF  }
0xc9: {  	_ =	shalt  }
tec
execute0_lowered:
.L_overlay_start_1:
0x0: {  	(tag) =	ssettag $0x1  }
0x1: {  	s2 =	rddreg [dreg:$0x0]  }
0x2: {  	s4 =	rddreg [dreg:$0x1]  }
0x3: {  	s0 =	rddreg [dreg:$0x2];
	s1 =	stileid.u32  }
0x4: {  	s5 =	srdreg.scid;
	s3 =	simm.s32 $0x0;
	s6 =	smul.u32 $0x13880, s1  }
0x5: {  	s10 =	simm.s32 $0x0;
	s5 =	sand.u32 $0x1, s5;
	s8 =	smul.u32 $0x27100, s1  }
0x6: {  	[smem:$0x7FF] =	sst s3;
	s7 =	smul.u32 $0x9C40, s5;
	s9 =	ssub.s32 $0x2, s5  }
0x7: {  	_ =	strace $0x80000047;
	s5 =	smul.u32 $0x13880, s5;
	s31 =	sshrl.u32 s9, $0x1  }
0x8: {  	s8 =	sadd.s32 s8, s4;
	s6 =	sadd.s32 s7, s6;
	s7 =	ssub.s32 s9, s31  }
0x9: {  	s5 =	sadd.s32 s5, s8;
	s8 =	simm.s32 $0x50;
	s6 =	sshrl.u32 s6, $0x3  }
0xa: {  	s9 =	simm.s32 $0x1;
	s5 =	sadd.s32 $0x5A400, s5;
	s6 =	sadd.s32 s6, s4  }
0xb: {  	s4 =	smax.u32 s7, $0x1;
	s7 =	simm.s32 $0x2;
	s6 =	sadd.s32 $0x33200, s6  }
.LBB2_1:
0xc: {  	s11 =	sadd.s32 $0x0, s6  }
0xd: {  	[tilespmem:s3], [sflag:$0x2] =	stream.linear.gather [hbm4b:s11+s3], $0x50, $0x38;
	[tilespmem:$0x550] =	vst v63  }
0xe: {  	_ =	swait.ge [sflag:s7], $0x50  }
0xf: {  	[sflag:s7] =	ssyncset.done $0x0  }
0x10: {  	[sflag:s7] =	ssyncadd.s32 $0xFFFFFFB0  }
0x11: {  	[tilespmem:s8], [sflag:$0x1] =	stream.indirect.gather [hbm4b:s2+s8], $0x10, s3, s8, $0xb8;
	[tilespmem:$0x550] =	vst v63  }
0x12: {  	_ =	swait.ge [sflag:s9], $0x500  }
0x13: {  	[sflag:s9] =	ssyncset.done $0x0  }
0x14: {  	[sflag:s9] =	ssyncadd.s32 $0xFFFFFB00  }
0x15: {  	[hbm4b:s5+s3] =	stream.linear.scatter [tilespmem:s8], [sflag:$0x2], $0x500, $0x38;
	[tilespmem:$0x550] =	vst v63  }
0x16: {  	s12 =	simm.s32 $0xA;
	_ =	swait.ge [sflag:s7], $0x500  }
0x17: {  	s13 =	simm.s32 $0x14;
	s11 =	sadd.s32 $0xA0, s5;
	[sflag:s7] =	ssyncset.done $0x0  }
.LBB2_2:
0x18: {  	s14 =	sadd.s32 s12, s6  }
0x19: {  	[sflag:s7] =	ssyncadd.s32 $0xFFFFFB00;
	s12 =	smov.u32 s13;
	s15 =	sadd.s32 $0xA, s13  }
0x1a: {  	[tilespmem:s3], [sflag:$0x2] =	stream.linear.gather [hbm4b:s14+s3], $0x50, $0x38;
	[tilespmem:$0x550] =	vst v63  }
0x1b: {  	p0 =	sne.s32 s13, $0x137E;
	_ =	swait.ge [sflag:s7], $0x50  }
0x1c: {  	[sflag:s7] =	ssyncset.done $0x0  }
0x1d: {  	[sflag:s7] =	ssyncadd.s32 $0xFFFFFFB0  }
0x1e: {  	[tilespmem:s8], [sflag:$0x1] =	stream.indirect.gather [hbm4b:s2+s8], $0x10, s3, s8, $0xb8;
	[tilespmem:$0x550] =	vst v63  }
0x1f: {  	_ =	swait.ge [sflag:s9], $0x500  }
.Ltmp0:
0x20: {  	[sflag:s9] =	ssyncset.done $0x0;
	(pc) =	sbr.rel @p0 .LBB2_2-.Ltmp0, $4  }
0x21: {  	[sflag:s9] =	ssyncadd.s32 $0xFFFFFB00  }
0x22: {  	[hbm4b:s11+s3] =	stream.linear.scatter [tilespmem:s8], [sflag:$0x2], $0x500, $0x38;
	[tilespmem:$0x550] =	vst v63  }
0x23: {  	_ =	swait.ge [sflag:s7], $0x500  }
0x24: {  	s13 =	smov.u32 s15;
	s11 =	sadd.s32 $0xA0, s11;
	[sflag:s7] =	ssyncset.done $0x0  }
0x25: {  	s12 =	sadd.s32 s12, s6;
	[sflag:s7] =	ssyncadd.s32 $0xFFFFFB00  }
0x26: {  	[tilespmem:s3], [sflag:$0x2] =	stream.linear.gather [hbm4b:s12+s3], $0x50, $0x38;
	[tilespmem:$0x550] =	vst v63  }
0x27: {  	_ =	swait.ge [sflag:s7], $0x50  }
0x28: {  	[sflag:s7] =	ssyncset.done $0x0  }
0x29: {  	[sflag:s7] =	ssyncadd.s32 $0xFFFFFFB0  }
0x2a: {  	[tilespmem:s8], [sflag:$0x1] =	stream.indirect.gather [hbm4b:s2+s8], $0x10, s3, s8, $0xb8;
	[tilespmem:$0x550] =	vst v63  }
0x2b: {  	s10 =	sadd.s32 $0x1, s10;
	_ =	swait.ge [sflag:s9], $0x500  }
0x2c: {  	p0 =	sne.s32 s10, s4;
	[sflag:s9] =	ssyncset.done $0x0  }
.Ltmp1:
0x2d: {  	[sflag:s9] =	ssyncadd.s32 $0xFFFFFB00;
	(pc) =	sbr.rel @p0 .LBB2_1-.Ltmp1, $4  }
0x2e: {  	[hbm4b:s11+s3] =	stream.linear.scatter [tilespmem:s8], [sflag:$0x2], $0x500, $0x38;
	[tilespmem:$0x550] =	vst v63  }
0x2f: {  	_ =	swait.ge [sflag:s7], $0x500  }
0x30: {  	[sflag:s7] =	ssyncset.done $0x0  }
0x31: {  	[sflag:s7] =	ssyncadd.s32 $0xFFFFFB00  }
0x32: {  	_ =	sfence.sel $0x180000  }
0x33: {  	[bflag:$0x0] =	sbarrier.arrive $0xFFFF  }
0x34: {  	p0 =	sne.s32 s1, $0x0;
	_ =	strace $0x90000047  }
0x35: {  	s0 =	sadd.s32 @!p0 $0x100000, s0;
	[bflag:$0x2] =	sbarrier.arrive $0xFFFF  }
0x36: {  	[sflag:s0] =	ssyncadd.tile.s32 @!p0 $0x1;
	_ =	shalt  }
.Lfunc_end2:
_tile_overlayer_lowered:
.L_overlay_start_2:
0x37: {  	(tag) =	ssettag $0x2  }
0x38: {  	s0 =	rddreg [dreg:$0x0];
	s2 =	stileid.u32  }
0x39: {  	s1 =	rddreg [dreg:$0x1];
	p0 =	sne.s32 s2, $0x0  }
0x3a: {  	s3 =	rddreg [dreg:$0x2];
	[bflag:$0x3] =	sbarrier.arrive $0xFFFF;
	s2 =	simm.s32 @!p0 $0x1C02  }
0x3b: {  	[timem:s3], [sflag:s2] =	dma.local @!p0 [hbm:s0], s1  }
0x3c: {  	s0 =	simm.s32 @!p0 $0x2  }
0x3d: {  	_ =	swait.ge @!p0 [sflag:s0], s1  }
0x3e: {  	s1 =	ssub.s32 @!p0 $0x0, s1;
	[sflag:s0] =	ssyncset.done @!p0 $0x0  }
0x3f: {  	[sflag:s0] =	ssyncadd.s32 @!p0 s1  }
0x40: {  	[bflag:$0x3] =	sbarrier.arrive $0xFFFF  }
0x41: {  	_ =	shalt  }

// kernel: kernel.24.cloned.1.call-start
scs
__scs_entry_jumppad:
0x0: {  	(pc) =	sbr.rel $0x88, $3  }
0x1: {  	(tag) =	ssettag $0x0;
	lr =	simm.s32 $0x1  }
0x2: {  	[smem:$0x3F82] =	sst lr;
	_ =	strace $0xD0000000  }
0x3: {  	_ = 	snop  }
0x4: {  	_ = 	snop  }
0x5: {  	_ = 	snop  }
0x6: {  	_ = 	snop  }
0x7: {  	_ = 	snop  }
__scs_overlays_trampoline_lowered:
0x8: {  	[smem:$0x3F91] =	sst s0  }
0x9: {  	[smem:$0x3F92] =	sst s1  }
0xa: {  	[smem:$0x3F93] =	sst s2  }
0xb: {  	[smem:$0x3F94] =	sst s3  }
0xc: {  	[smem:$0x3F95] =	sst s4  }
0xd: {  	[smem:$0x3F96] =	sst s5  }
0xe: {  	[smem:$0x3F97] =	sst s6  }
0xf: {  	[smem:$0x3F98] =	sst s7  }
0x10: {  	[smem:$0x3F99] =	sst s8  }
0x11: {  	[smem:$0x3F9A] =	sst s9;
	s0 =	simm.s32 @!p0 $0x0  }
0x12: {  	s1 =	sld [smem:$0x3F80];
	s0 =	simm.s32 @p0 $0x1  }
0x13: {  	[smem:$0x3F9B] =	sst s0;
	s0 =	simm.s32 @!p1 $0x0  }
0x14: {  	s2 =	sld [smem:$0x3F7F];
	s0 =	simm.s32 @p1 $0x1  }
0x15: {  	[smem:$0x3F9C] =	sst s0;
	s0 =	simm.s32 @!p2 $0x0  }
0x16: {  	s3 =	sld [smem:$0x3FDB];
	s0 =	simm.s32 @p2 $0x1  }
0x17: {  	s4 =	simm.s32 $0x1BF5;
	[smem:$0x3F9E] =	sst s0  }
0x18: {  	s0 =	sld [smem:$0x3F81];
	_ =	swait.ge [sflag:s4], $0x0  }
0x19: {  	s7 =	sld [smem:$0x3F82]  }
0x1a: {  	s8 =	sadd.s32 $0xFFFFE003, lr  }
0x1b: {  	s9 =	sadd.s32 $0xFFFFFEF7, lr;
	s5 =	simm.s32 $0xFFFFFFFF;
	p2 =	slt.u32 s8, $0xFFFFF086  }
0x1c: {  	p1 =	slt.u32 s9, $0xF7A;
	s5 =	simm.s32 @!p2 $0x0  }
0x1d: {  	s5 =	simm.s32 @p1 $0x1;
	p0 =	seq.s32 s7, s2  }
0x1e: {  	s7 =	smul.u32 @!p0 $0xF7A, s2;
	p2 =	seq.s32 @!p0 s5, $0x0  }
0x1f: {  	s9 =	smul.u32 $0xF7A, s1;
	s8 =	simm.s32 @!p0 $0x1BF5;
	p2 =	por !p2, p0  }
0x20: {  	[sflag:s8] =	ssyncset.s32 @!p0 $0xFFFFF086;
	s6 =	sadd.s32 @!p0 s3, s7;
	s7 =	simm.s32 @!p0 $0x108  }
0x21: {  	s3 =	sadd.s32 s3, s9;
	s6 =	sadd.s32 @!p0 $0x88, s6;
	s7 =	simm.s32 @p2 $0x1082  }
0x22: {  	[simem:s7], [sflag:s8] =	dma.local @!p0 [hbm:s6], $0xF7A  }
0x23: {  	s9 =	sor.u32 $0xD0000000, s2;
	s6 =	simm.s32 $0x108;
	_ =	swait.ge @!p0 [sflag:s8], $0x0  }
0x24: {  	s3 =	sadd.s32 $0x88, s3;
	s6 =	simm.s32 @!p1 $0x1082;
	[sflag:s4] =	ssyncset.s32 $0xFFFFF086  }
0x25: {  	[simem:s6], [sflag:s4] =	dma.local [hbm:s3], $0xF7A  }
0x26: {  	[smem:$0x3F82] =	sst s1;
	(tag) =	ssettag s2;
	_ =	strace s9  }
0x27: {  	s1 =	sld [smem:$0x3F92]  }
0x28: {  	s2 =	sld [smem:$0x3F93]  }
0x29: {  	s4 =	sld [smem:$0x3F95]  }
0x2a: {  	p0 =	seq.s32 s5, $0x0;
	s5 =	sld [smem:$0x3F96]  }
0x2b: {  	s6 =	sld [smem:$0x3F97]  }
0x2c: {  	s7 =	sld [smem:$0x3F98]  }
0x2d: {  	s3 =	simm.s32 $0x108;
	s8 =	sld [smem:$0x3F99]  }
0x2e: {  	s3 =	simm.s32 @!p0 $0x1082;
	s9 =	sld [smem:$0x3F9A]  }
0x2f: {  	lr =	sadd.s32 s0, s3;
	s0 =	sld [smem:$0x3F91]  }
0x30: {  	s3 =	sld [smem:$0x3F94]  }
0x31: {  	[smem:$0x3F9D] =	sst s10  }
0x32: {  	s10 =	sld [smem:$0x3F9B];
	_ =	sdelay $0x3  }
0x33: {  	p0 =	seq.s32 s10, $0x1;
	s10 =	sld [smem:$0x3F9D];
	_ =	sdelay $0x3  }
0x34: {  	[smem:$0x3F9D] =	sst s10  }
0x35: {  	s10 =	sld [smem:$0x3F9C];
	_ =	sdelay $0x3  }
0x36: {  	p1 =	seq.s32 s10, $0x1;
	s10 =	sld [smem:$0x3F9D];
	_ =	sdelay $0x3  }
0x37: {  	[smem:$0x3F9D] =	sst s10  }
0x38: {  	s10 =	sld [smem:$0x3F9E]  }
0x39: {  	_ = 	snop;
	(pc) =	sbr.ind lr, $3  }
0x3a: {  	_ = 	snop  }
0x3b: {  	_ = 	snop  }
0x3c: {  	p2 =	seq.s32 s10, $0x1;
	s10 =	sld [smem:$0x3F9D]  }
0x3d: {  	_ =	shalt  }
0x3e: {  	_ =	shalt  }
0x3f: {  	_ =	shalt  }
0x40: {  	_ =	shalt  }
0x41: {  	_ =	shalt  }
0x42: {  	_ =	shalt  }
0x43: {  	_ =	shalt  }
0x44: {  	_ =	shalt  }
0x45: {  	_ =	shalt  }
0x46: {  	_ =	shalt  }
0x47: {  	_ =	shalt  }
0x48: {  	_ =	shalt  }
0x49: {  	_ =	shalt  }
0x4a: {  	_ =	shalt  }
0x4b: {  	_ =	shalt  }
0x4c: {  	_ =	shalt  }
0x4d: {  	_ =	shalt  }
0x4e: {  	_ =	shalt  }
0x4f: {  	_ =	shalt  }
0x50: {  	_ =	shalt  }
0x51: {  	_ =	shalt  }
0x52: {  	_ =	shalt  }
0x53: {  	_ =	shalt  }
0x54: {  	_ =	shalt  }
0x55: {  	_ =	shalt  }
0x56: {  	_ =	shalt  }
0x57: {  	_ =	shalt  }
0x58: {  	_ =	shalt  }
0x59: {  	_ =	shalt  }
0x5a: {  	_ =	shalt  }
0x5b: {  	_ =	shalt  }
0x5c: {  	_ =	shalt  }
0x5d: {  	_ =	shalt  }
0x5e: {  	_ =	shalt  }
0x5f: {  	_ =	shalt  }
0x60: {  	_ =	shalt  }
0x61: {  	_ =	shalt  }
0x62: {  	_ =	shalt  }
0x63: {  	_ =	shalt  }
0x64: {  	_ =	shalt  }
0x65: {  	_ =	shalt  }
0x66: {  	_ =	shalt  }
0x67: {  	_ =	shalt  }
0x68: {  	_ =	shalt  }
0x69: {  	_ =	shalt  }
0x6a: {  	_ =	shalt  }
0x6b: {  	_ =	shalt  }
0x6c: {  	_ =	shalt  }
0x6d: {  	_ =	shalt  }
0x6e: {  	_ =	shalt  }
0x6f: {  	_ =	shalt  }
0x70: {  	_ =	shalt  }
0x71: {  	_ =	shalt  }
0x72: {  	_ =	shalt  }
0x73: {  	_ =	shalt  }
0x74: {  	_ =	shalt  }
0x75: {  	_ =	shalt  }
0x76: {  	_ =	shalt  }
0x77: {  	_ =	shalt  }
0x78: {  	_ =	shalt  }
0x79: {  	_ =	shalt  }
0x7a: {  	_ =	shalt  }
0x7b: {  	_ =	shalt  }
0x7c: {  	_ =	shalt  }
0x7d: {  	_ =	shalt  }
0x7e: {  	_ =	shalt  }
0x7f: {  	_ =	shalt  }
0x80: {  	_ =	shalt  }
0x81: {  	_ =	shalt  }
0x82: {  	_ =	shalt  }
0x83: {  	_ =	shalt  }
0x84: {  	_ =	shalt  }
0x85: {  	_ =	shalt  }
0x86: {  	_ =	shalt  }
0x87: {  	_ =	shalt  }
.Lfunc_end0:
.L_simem_size_0:
called_computation.1_lowered:
.L_overlay_start_0:
0x88: {  	s2 =	sld [smem:$0x3FD9]  }
0x89: {  	s3 =	sld [smem:$0x3FFE];
	_ =	sdelay $0x1  }
0x8a: {  	s1 =	srdreg.scid  }
0x8b: {  	s0 =	sand.u32 $0x1, s1  }
0x8c: {  	s16 =	sshll.u32 s0, $0xA;
	s2 =	sadd.s32 s3, s2  }
0x8d: {  	s2 =	sadd.s32 s2, s16  }
0x8e: {  	[smem:$0x3FA9] =	sst s2  }
0x8f: {  	_ = 	snop  }
0x90: {  	(tm) =	ssettm $0x1  }
0x91: {  	s17 =	sld [smem:$0x3FFB];
	_ =	sdelay $0x3  }
0x92: {  	_ =	strace s17  }
0x93: {  	s2 =	sld [smem:$0x3FFC];
	_ =	sdelay $0x3  }
0x94: {  	_ =	strace s2  }
0x95: {  	s2 =	sld [smem:$0x3FFD];
	_ =	sdelay $0x3  }
0x96: {  	_ =	strace s2  }
0x97: {  	_ =	strace $0x8FFFFFFF  }
0x98: {  	s18 =	sld [smem:$0x3FDB];
	_ =	sdelay $0x1  }
0x99: {  	s19 =	simm.s32 $_scs_section_size  }
0x9a: {  	s4 =	simm.s32 $_size__tile_overlayer_lowered;
	s5 =	simm.s32 $_tile_overlayer_lowered  }
0x9b: {  	s22 =	simm.s32 $0x1BFF;
	s21 =	sshll.u32 s5, $0x1;
	s2 =	sadd.s32 s19, s18  }
0x9c: {  	s6 =	simm.s32 $0x0;
	s20 =	sshll.u32 s4, $0x1;
	s4 =	sadd.s32 s21, s2  }
0x9d: {  	[timem:s6], [sflag:s22] =	dma.local [hbm:s4], s20  }
0x9e: {  	_ =	swait.ge [sflag:s22], s20  }
0x9f: {  	s3 =	ssub.s32 $0x0, s20;
	[sflag:s22] =	ssyncset.done $0x0  }
0xa0: {  	[sflag:s22] =	ssyncadd.s32 s3;
	_ =	sdelay $0x1  }
0xa1: {  	s23 =	simm.s32 $0x1B8B  }
0xa2: {  	_ =	swait.ge [sflag:s23], $0x1  }
0xa3: {  	[sflag:s23] =	ssyncset.done $0x0  }
0xa4: {  	s25 =	simm.s32 $0x1B8E;
	s24 =	sld [smem:$0x3FFE];
	[sflag:s23] =	ssyncadd.s32 $0xFFFFFFFF  }
0xa5: {  	s26 =	simm.s32 $execute0_lowered;
	[smem:$0x3FD2] =	sst s25  }
0xa6: {  	s4 =	sshll.u32 s26, $0x1;
	_ =	strace $0x80000049;
	[dreg:$0x1] =	wrdreg $0xFFFFFFFF  }
0xa7: {  	s28 =	simm.s32 $_size_execute0_lowered;
	s2 =	sadd.s32 s2, s4;
	[dreg:$0x0] =	wrdreg $0x0  }
0xa8: {  	s4 =	sshll.u32 s28, $0x1;
	[dreg:$0x2] =	wrdreg s2  }
0xa9: {  	[dreg:$0x3] =	wrdreg s4  }
0xaa: {  	[dreg:$0x4] =	wrdreg $0xC0  }
0xab: {  	_ =	task [dreg:s6], $0x5FFFF  }
0xac: {  	[dreg:$0x1] =	wrdreg $0xFFFFFFFF  }
0xad: {  	[dreg:$0x0] =	wrdreg $0x60  }
0xae: {  	[dreg:$0x2] =	wrdreg s24  }
0xaf: {  	[dreg:$0x3] =	wrdreg $0x9  }
0xb0: {  	_ =	task.clear_ibuf [dreg:s6], $0x4FFFF;
	_ =	strace $0x90000049  }
0xb1: {  	s29 =	simm.s32 $0x9;
	_ =	strace $0x8000004B  }
0xb2: {  	_ =	swait.ge [sflag:s29], $0x1  }
0xb3: {  	[sflag:s29] =	ssyncadd.s32 $0xFFFFFFFF  }
0xb4: {  	_ =	strace $0x9000004B  }
0xb5: {  	_ =	sfence  }
0xb6: {  	s30 =	sld [smem:$0x0];
	_ =	sdelay $0x2  }
0xb7: {  	s31 =	sshll.u32 s1, $0xD;
	s1 =	sshrl.u32 s1, $0x2  }
0xb8: {  	s3 =	sand.u32 $0x4000, s31;
	s1 =	sadd.s32 s1, s30  }
0xb9: {  	s0 =	sor.u32 s3, s0;
	s1 =	sshll.u32 s1, $0x11  }
0xba: {  	s0 =	sor.u32 s1, s0  }
0xbb: {  	s0 =	sadd.s32 $0x8F2B, s0  }
0xbc: {  	[sflag:s0] =	ssyncadd.remote.s32 $0x1  }
0xbd: {  	_ =	sfence.sel $0xFFFF  }
0xbe: {  	[dreg:$0x0] =	wrdreg $0xFFFFFFFF;
	(pc) =	sbr.abs _section_cstart, $3  }
0xbf: {  	[dreg:$0x1] =	wrdreg $0xFFFFFFFF  }
0xc0: {  	_ =	task.clear_ibuf [dreg:s6], $0x2FFFF;
	_ =	strace $0x9FFFFFFF  }
0xc1: {  	(tm) =	ssettm $0x7FFFFFFF  }
tec
execute0_lowered:
.L_overlay_start_1:
0x0: {  	(tag) =	ssettag $0x1  }
0x1: {  	s4 =	rddreg [dreg:$0x0]  }
0x2: {  	s0 =	rddreg [dreg:$0x1];
	s2 =	simm.s32 $0x0;
	s1 =	stileid.u32  }
0x3: {  	s3 =	srdreg.scid;
	s10 =	simm.s32 $0x0;
	s6 =	smul.u32 $0x9C40, s1  }
0x4: {  	[smem:$0x7FF] =	sst s2;
	s5 =	sand.u32 $0x1, s3;
	s8 =	smul.u32 $0x61A80, s1  }
0x5: {  	s3 =	sadd.s32 $0xC000, s4;
	s7 =	smul.u32 $0x4E20, s5;
	s9 =	ssub.s32 $0x2, s5  }
0x6: {  	_ =	strace $0x8000004A;
	s5 =	smul.u32 $0x30D40, s5;
	s31 =	sshrl.u32 s9, $0x1  }
0x7: {  	s8 =	sadd.s32 s8, s4;
	s6 =	sadd.s32 s7, s6;
	s7 =	ssub.s32 s9, s31  }
0x8: {  	s5 =	sadd.s32 s5, s8;
	s8 =	simm.s32 $0x50;
	s6 =	sshrl.u32 s6, $0x3  }
0x9: {  	s9 =	simm.s32 $0x1;
	s5 =	sadd.s32 $0x37C600, s5;
	s6 =	sadd.s32 s6, s4  }
0xa: {  	s4 =	smax.u32 s7, $0x1;
	s7 =	simm.s32 $0x2;
	s6 =	sadd.s32 $0x368C00, s6  }
.LBB2_1:
0xb: {  	s11 =	sadd.s32 $0x0, s6  }
0xc: {  	[tilespmem:s2], [sflag:$0x2] =	stream.linear.gather [hbm4b:s11+s2], $0x50, $0x38;
	[tilespmem:$0x1950] =	vst v63  }
0xd: {  	_ =	swait.ge [sflag:s7], $0x50  }
0xe: {  	[sflag:s7] =	ssyncset.done $0x0  }
0xf: {  	[sflag:s7] =	ssyncadd.s32 $0xFFFFFFB0  }
0x10: {  	[tilespmem:s8], [sflag:$0x1] =	stream.indirect.gather [hbm4b:s3+s8], $0x50, s2, s8, $0xb8;
	[tilespmem:$0x1950] =	vst v63  }
0x11: {  	_ =	swait.ge [sflag:s9], $0x1900  }
0x12: {  	[sflag:s9] =	ssyncset.done $0x0  }
0x13: {  	[sflag:s9] =	ssyncadd.s32 $0xFFFFE700  }
0x14: {  	[hbm4b:s5+s2] =	stream.linear.scatter [tilespmem:s8], [sflag:$0x2], $0x1900, $0x38;
	[tilespmem:$0x1950] =	vst v63  }
0x15: {  	s12 =	simm.s32 $0xA;
	_ =	swait.ge [sflag:s7], $0x1900  }
0x16: {  	s13 =	simm.s32 $0x14;
	s11 =	sadd.s32 $0x320, s5;
	[sflag:s7] =	ssyncset.done $0x0  }
.LBB2_2:
0x17: {  	s14 =	sadd.s32 s12, s6  }
0x18: {  	[sflag:s7] =	ssyncadd.s32 $0xFFFFE700;
	s12 =	smov.u32 s13;
	s15 =	sadd.s32 $0xA, s13  }
0x19: {  	[tilespmem:s2], [sflag:$0x2] =	stream.linear.gather [hbm4b:s14+s2], $0x50, $0x38;
	[tilespmem:$0x1950] =	vst v63  }
0x1a: {  	p0 =	sne.s32 s13, $0x9BA;
	_ =	swait.ge [sflag:s7], $0x50  }
0x1b: {  	[sflag:s7] =	ssyncset.done $0x0  }
0x1c: {  	[sflag:s7] =	ssyncadd.s32 $0xFFFFFFB0  }
0x1d: {  	[tilespmem:s8], [sflag:$0x1] =	stream.indirect.gather [hbm4b:s3+s8], $0x50, s2, s8, $0xb8;
	[tilespmem:$0x1950] =	vst v63  }
0x1e: {  	_ =	swait.ge [sflag:s9], $0x1900  }
.Ltmp0:
0x1f: {  	[sflag:s9] =	ssyncset.done $0x0;
	(pc) =	sbr.rel @p0 .LBB2_2-.Ltmp0, $4  }
0x20: {  	[sflag:s9] =	ssyncadd.s32 $0xFFFFE700  }
0x21: {  	[hbm4b:s11+s2] =	stream.linear.scatter [tilespmem:s8], [sflag:$0x2], $0x1900, $0x38;
	[tilespmem:$0x1950] =	vst v63  }
0x22: {  	_ =	swait.ge [sflag:s7], $0x1900  }
0x23: {  	s13 =	smov.u32 s15;
	s11 =	sadd.s32 $0x320, s11;
	[sflag:s7] =	ssyncset.done $0x0  }
0x24: {  	s12 =	sadd.s32 s12, s6;
	[sflag:s7] =	ssyncadd.s32 $0xFFFFE700  }
0x25: {  	[tilespmem:s2], [sflag:$0x2] =	stream.linear.gather [hbm4b:s12+s2], $0x50, $0x38;
	[tilespmem:$0x1950] =	vst v63  }
0x26: {  	_ =	swait.ge [sflag:s7], $0x50  }
0x27: {  	[sflag:s7] =	ssyncset.done $0x0  }
0x28: {  	[sflag:s7] =	ssyncadd.s32 $0xFFFFFFB0  }
0x29: {  	[tilespmem:s8], [sflag:$0x1] =	stream.indirect.gather [hbm4b:s3+s8], $0x50, s2, s8, $0xb8;
	[tilespmem:$0x1950] =	vst v63  }
0x2a: {  	s10 =	sadd.s32 $0x1, s10;
	_ =	swait.ge [sflag:s9], $0x1900  }
0x2b: {  	p0 =	sne.s32 s10, s4;
	[sflag:s9] =	ssyncset.done $0x0  }
.Ltmp1:
0x2c: {  	[sflag:s9] =	ssyncadd.s32 $0xFFFFE700;
	(pc) =	sbr.rel @p0 .LBB2_1-.Ltmp1, $4  }
0x2d: {  	[hbm4b:s11+s2] =	stream.linear.scatter [tilespmem:s8], [sflag:$0x2], $0x1900, $0x38;
	[tilespmem:$0x1950] =	vst v63  }
0x2e: {  	_ =	swait.ge [sflag:s7], $0x1900  }
0x2f: {  	[sflag:s7] =	ssyncset.done $0x0  }
0x30: {  	[sflag:s7] =	ssyncadd.s32 $0xFFFFE700  }
0x31: {  	_ =	sfence.sel $0x180000  }
0x32: {  	[bflag:$0x0] =	sbarrier.arrive $0xFFFF  }
0x33: {  	p0 =	sne.s32 s1, $0x0;
	_ =	strace $0x9000004A  }
0x34: {  	s0 =	sadd.s32 @!p0 $0x100000, s0;
	[bflag:$0x2] =	sbarrier.arrive $0xFFFF  }
0x35: {  	[sflag:s0] =	ssyncadd.tile.s32 @!p0 $0x1;
	_ =	shalt  }
.Lfunc_end2:
_tile_overlayer_lowered:
.L_overlay_start_2:
0x36: {  	(tag) =	ssettag $0x2  }
0x37: {  	s0 =	rddreg [dreg:$0x0];
	s2 =	stileid.u32  }
0x38: {  	s1 =	rddreg [dreg:$0x1];
	p0 =	sne.s32 s2, $0x0  }
0x39: {  	s3 =	rddreg [dreg:$0x2];
	[bflag:$0x3] =	sbarrier.arrive $0xFFFF;
	s2 =	simm.s32 @!p0 $0x1C02  }
0x3a: {  	[timem:s3], [sflag:s2] =	dma.local @!p0 [hbm:s0], s1  }
0x3b: {  	s0 =	simm.s32 @!p0 $0x2  }
0x3c: {  	_ =	swait.ge @!p0 [sflag:s0], s1  }
0x3d: {  	s1 =	ssub.s32 @!p0 $0x0, s1;
	[sflag:s0] =	ssyncset.done @!p0 $0x0  }
0x3e: {  	[sflag:s0] =	ssyncadd.s32 @!p0 s1  }
0x3f: {  	[bflag:$0x3] =	sbarrier.arrive $0xFFFF  }
0x40: {  	_ =	shalt  }

// kernel: kernel.27.cloned.1.call-start
scs
__scs_entry_jumppad:
0x0: {  	(pc) =	sbr.rel $0x88, $3  }
0x1: {  	(tag) =	ssettag $0x0;
	lr =	simm.s32 $0x1  }
0x2: {  	[smem:$0x3F82] =	sst lr;
	_ =	strace $0xD0000000  }
0x3: {  	_ = 	snop  }
0x4: {  	_ = 	snop  }
0x5: {  	_ = 	snop  }
0x6: {  	_ = 	snop  }
0x7: {  	_ = 	snop  }
__scs_overlays_trampoline_lowered:
0x8: {  	[smem:$0x3F91] =	sst s0  }
0x9: {  	[smem:$0x3F92] =	sst s1  }
0xa: {  	[smem:$0x3F93] =	sst s2  }
0xb: {  	[smem:$0x3F94] =	sst s3  }
0xc: {  	[smem:$0x3F95] =	sst s4  }
0xd: {  	[smem:$0x3F96] =	sst s5  }
0xe: {  	[smem:$0x3F97] =	sst s6  }
0xf: {  	[smem:$0x3F98] =	sst s7  }
0x10: {  	[smem:$0x3F99] =	sst s8  }
0x11: {  	[smem:$0x3F9A] =	sst s9;
	s0 =	simm.s32 @!p0 $0x0  }
0x12: {  	s1 =	sld [smem:$0x3F80];
	s0 =	simm.s32 @p0 $0x1  }
0x13: {  	[smem:$0x3F9B] =	sst s0;
	s0 =	simm.s32 @!p1 $0x0  }
0x14: {  	s2 =	sld [smem:$0x3F7F];
	s0 =	simm.s32 @p1 $0x1  }
0x15: {  	[smem:$0x3F9C] =	sst s0;
	s0 =	simm.s32 @!p2 $0x0  }
0x16: {  	s3 =	sld [smem:$0x3FDB];
	s0 =	simm.s32 @p2 $0x1  }
0x17: {  	s4 =	simm.s32 $0x1BF5;
	[smem:$0x3F9E] =	sst s0  }
0x18: {  	s0 =	sld [smem:$0x3F81];
	_ =	swait.ge [sflag:s4], $0x0  }
0x19: {  	s7 =	sld [smem:$0x3F82]  }
0x1a: {  	s8 =	sadd.s32 $0xFFFFE003, lr  }
0x1b: {  	s9 =	sadd.s32 $0xFFFFFEF7, lr;
	s5 =	simm.s32 $0xFFFFFFFF;
	p2 =	slt.u32 s8, $0xFFFFF086  }
0x1c: {  	p1 =	slt.u32 s9, $0xF7A;
	s5 =	simm.s32 @!p2 $0x0  }
0x1d: {  	s5 =	simm.s32 @p1 $0x1;
	p0 =	seq.s32 s7, s2  }
0x1e: {  	s7 =	smul.u32 @!p0 $0xF7A, s2;
	p2 =	seq.s32 @!p0 s5, $0x0  }
0x1f: {  	s9 =	smul.u32 $0xF7A, s1;
	s8 =	simm.s32 @!p0 $0x1BF5;
	p2 =	por !p2, p0  }
0x20: {  	[sflag:s8] =	ssyncset.s32 @!p0 $0xFFFFF086;
	s6 =	sadd.s32 @!p0 s3, s7;
	s7 =	simm.s32 @!p0 $0x108  }
0x21: {  	s3 =	sadd.s32 s3, s9;
	s6 =	sadd.s32 @!p0 $0x88, s6;
	s7 =	simm.s32 @p2 $0x1082  }
0x22: {  	[simem:s7], [sflag:s8] =	dma.local @!p0 [hbm:s6], $0xF7A  }
0x23: {  	s9 =	sor.u32 $0xD0000000, s2;
	s6 =	simm.s32 $0x108;
	_ =	swait.ge @!p0 [sflag:s8], $0x0  }
0x24: {  	s3 =	sadd.s32 $0x88, s3;
	s6 =	simm.s32 @!p1 $0x1082;
	[sflag:s4] =	ssyncset.s32 $0xFFFFF086  }
0x25: {  	[simem:s6], [sflag:s4] =	dma.local [hbm:s3], $0xF7A  }
0x26: {  	[smem:$0x3F82] =	sst s1;
	(tag) =	ssettag s2;
	_ =	strace s9  }
0x27: {  	s1 =	sld [smem:$0x3F92]  }
0x28: {  	s2 =	sld [smem:$0x3F93]  }
0x29: {  	s4 =	sld [smem:$0x3F95]  }
0x2a: {  	p0 =	seq.s32 s5, $0x0;
	s5 =	sld [smem:$0x3F96]  }
0x2b: {  	s6 =	sld [smem:$0x3F97]  }
0x2c: {  	s7 =	sld [smem:$0x3F98]  }
0x2d: {  	s3 =	simm.s32 $0x108;
	s8 =	sld [smem:$0x3F99]  }
0x2e: {  	s3 =	simm.s32 @!p0 $0x1082;
	s9 =	sld [smem:$0x3F9A]  }
0x2f: {  	lr =	sadd.s32 s0, s3;
	s0 =	sld [smem:$0x3F91]  }
0x30: {  	s3 =	sld [smem:$0x3F94]  }
0x31: {  	[smem:$0x3F9D] =	sst s10  }
0x32: {  	s10 =	sld [smem:$0x3F9B];
	_ =	sdelay $0x3  }
0x33: {  	p0 =	seq.s32 s10, $0x1;
	s10 =	sld [smem:$0x3F9D];
	_ =	sdelay $0x3  }
0x34: {  	[smem:$0x3F9D] =	sst s10  }
0x35: {  	s10 =	sld [smem:$0x3F9C];
	_ =	sdelay $0x3  }
0x36: {  	p1 =	seq.s32 s10, $0x1;
	s10 =	sld [smem:$0x3F9D];
	_ =	sdelay $0x3  }
0x37: {  	[smem:$0x3F9D] =	sst s10  }
0x38: {  	s10 =	sld [smem:$0x3F9E]  }
0x39: {  	_ = 	snop;
	(pc) =	sbr.ind lr, $3  }
0x3a: {  	_ = 	snop  }
0x3b: {  	_ = 	snop  }
0x3c: {  	p2 =	seq.s32 s10, $0x1;
	s10 =	sld [smem:$0x3F9D]  }
0x3d: {  	_ =	shalt  }
0x3e: {  	_ =	shalt  }
0x3f: {  	_ =	shalt  }
0x40: {  	_ =	shalt  }
0x41: {  	_ =	shalt  }
0x42: {  	_ =	shalt  }
0x43: {  	_ =	shalt  }
0x44: {  	_ =	shalt  }
0x45: {  	_ =	shalt  }
0x46: {  	_ =	shalt  }
0x47: {  	_ =	shalt  }
0x48: {  	_ =	shalt  }
0x49: {  	_ =	shalt  }
0x4a: {  	_ =	shalt  }
0x4b: {  	_ =	shalt  }
0x4c: {  	_ =	shalt  }
0x4d: {  	_ =	shalt  }
0x4e: {  	_ =	shalt  }
0x4f: {  	_ =	shalt  }
0x50: {  	_ =	shalt  }
0x51: {  	_ =	shalt  }
0x52: {  	_ =	shalt  }
0x53: {  	_ =	shalt  }
0x54: {  	_ =	shalt  }
0x55: {  	_ =	shalt  }
0x56: {  	_ =	shalt  }
0x57: {  	_ =	shalt  }
0x58: {  	_ =	shalt  }
0x59: {  	_ =	shalt  }
0x5a: {  	_ =	shalt  }
0x5b: {  	_ =	shalt  }
0x5c: {  	_ =	shalt  }
0x5d: {  	_ =	shalt  }
0x5e: {  	_ =	shalt  }
0x5f: {  	_ =	shalt  }
0x60: {  	_ =	shalt  }
0x61: {  	_ =	shalt  }
0x62: {  	_ =	shalt  }
0x63: {  	_ =	shalt  }
0x64: {  	_ =	shalt  }
0x65: {  	_ =	shalt  }
0x66: {  	_ =	shalt  }
0x67: {  	_ =	shalt  }
0x68: {  	_ =	shalt  }
0x69: {  	_ =	shalt  }
0x6a: {  	_ =	shalt  }
0x6b: {  	_ =	shalt  }
0x6c: {  	_ =	shalt  }
0x6d: {  	_ =	shalt  }
0x6e: {  	_ =	shalt  }
0x6f: {  	_ =	shalt  }
0x70: {  	_ =	shalt  }
0x71: {  	_ =	shalt  }
0x72: {  	_ =	shalt  }
0x73: {  	_ =	shalt  }
0x74: {  	_ =	shalt  }
0x75: {  	_ =	shalt  }
0x76: {  	_ =	shalt  }
0x77: {  	_ =	shalt  }
0x78: {  	_ =	shalt  }
0x79: {  	_ =	shalt  }
0x7a: {  	_ =	shalt  }
0x7b: {  	_ =	shalt  }
0x7c: {  	_ =	shalt  }
0x7d: {  	_ =	shalt  }
0x7e: {  	_ =	shalt  }
0x7f: {  	_ =	shalt  }
0x80: {  	_ =	shalt  }
0x81: {  	_ =	shalt  }
0x82: {  	_ =	shalt  }
0x83: {  	_ =	shalt  }
0x84: {  	_ =	shalt  }
0x85: {  	_ =	shalt  }
0x86: {  	_ =	shalt  }
0x87: {  	_ =	shalt  }
.Lfunc_end0:
.L_simem_size_0:
called_computation.2_lowered:
.L_overlay_start_0:
0x88: {  	s2 =	sld [smem:$0x3FD9]  }
0x89: {  	s3 =	sld [smem:$0x3FFE];
	_ =	sdelay $0x1  }
0x8a: {  	s1 =	srdreg.scid  }
0x8b: {  	s0 =	sand.u32 $0x1, s1  }
0x8c: {  	s14 =	sshll.u32 s0, $0xA;
	s2 =	sadd.s32 s3, s2  }
0x8d: {  	s2 =	sadd.s32 s2, s14  }
0x8e: {  	[smem:$0x3FA9] =	sst s2  }
0x8f: {  	_ = 	snop  }
0x90: {  	s2 =	sld [smem:$0x3FD0];
	_ =	sdelay $0x2  }
0x91: {  	s15 =	simm.s32 $0xA;
	s4 =	simm.s32 $0x10  }
0x92: {  	[smem:s4], [sflag:s15] =	dma.local [hbm:s2], $0x1  }
0x93: {  	_ =	swait.eq [sflag:s15], $0x1  }
0x94: {  	[sflag:s15] =	ssyncset.done $0x0  }
0x95: {  	[sflag:s15] =	ssyncadd.s32 $0xFFFFFFFF  }
0x96: {  	s16 =	sld [smem:$0x11];
	(tm) =	ssettm $0x1  }
0x97: {  	s17 =	sld [smem:$0x3FFB];
	_ =	sdelay $0x3  }
0x98: {  	_ =	strace s17  }
0x99: {  	s3 =	sld [smem:$0x3FFC];
	_ =	sdelay $0x3  }
0x9a: {  	_ =	strace s3  }
0x9b: {  	s3 =	sld [smem:$0x3FFD];
	_ =	sdelay $0x3  }
0x9c: {  	_ =	strace s3  }
0x9d: {  	_ =	strace $0x8FFFFFFF  }
0x9e: {  	s18 =	sld [smem:$0x3FDB];
	_ =	sdelay $0x1  }
0x9f: {  	s19 =	simm.s32 $_scs_section_size  }
0xa0: {  	s5 =	simm.s32 $_size__tile_overlayer_lowered;
	s6 =	simm.s32 $_tile_overlayer_lowered  }
0xa1: {  	s22 =	simm.s32 $0x1BFF;
	s21 =	sshll.u32 s6, $0x1;
	s3 =	sadd.s32 s19, s18  }
0xa2: {  	s7 =	simm.s32 $0x0;
	s20 =	sshll.u32 s5, $0x1;
	s5 =	sadd.s32 s21, s3  }
0xa3: {  	[timem:s7], [sflag:s22] =	dma.local [hbm:s5], s20  }
0xa4: {  	_ =	swait.ge [sflag:s22], s20  }
0xa5: {  	s4 =	ssub.s32 $0x0, s20;
	[sflag:s22] =	ssyncset.done $0x0  }
0xa6: {  	[sflag:s22] =	ssyncadd.s32 s4;
	_ =	sdelay $0x1  }
0xa7: {  	s23 =	simm.s32 $0x1B8B  }
0xa8: {  	_ =	swait.ge [sflag:s23], $0x1  }
0xa9: {  	[sflag:s23] =	ssyncset.done $0x0  }
0xaa: {  	s25 =	simm.s32 $0x1B8E;
	s24 =	sld [smem:$0x3FFE];
	[sflag:s23] =	ssyncadd.s32 $0xFFFFFFFF  }
0xab: {  	s26 =	simm.s32 $execute0_lowered;
	[smem:$0x3FD2] =	sst s25  }
0xac: {  	s5 =	sshll.u32 s26, $0x1;
	_ =	strace $0x8000004C;
	[dreg:$0x1] =	wrdreg $0xFFFFFFFF  }
0xad: {  	s28 =	simm.s32 $_size_execute0_lowered;
	s3 =	sadd.s32 s3, s5;
	[dreg:$0x0] =	wrdreg $0x0  }
0xae: {  	s5 =	sshll.u32 s28, $0x1;
	[dreg:$0x2] =	wrdreg s3  }
0xaf: {  	[dreg:$0x3] =	wrdreg s5  }
0xb0: {  	[dreg:$0x4] =	wrdreg $0xC0  }
0xb1: {  	_ =	task [dreg:s7], $0x5FFFF  }
0xb2: {  	[dreg:$0x1] =	wrdreg $0xFFFFFFFF  }
0xb3: {  	[dreg:$0x0] =	wrdreg $0x60  }
0xb4: {  	[dreg:$0x2] =	wrdreg s24  }
0xb5: {  	[dreg:$0x3] =	wrdreg s16  }
0xb6: {  	[dreg:$0x4] =	wrdreg $0x9  }
0xb7: {  	_ =	task.clear_ibuf [dreg:s7], $0x5FFFF;
	_ =	strace $0x9000004C  }
0xb8: {  	s29 =	simm.s32 $0x9;
	_ =	strace $0x8000004E  }
0xb9: {  	_ =	swait.ge [sflag:s29], $0x1  }
0xba: {  	[sflag:s29] =	ssyncadd.s32 $0xFFFFFFFF  }
0xbb: {  	_ =	strace $0x9000004E  }
0xbc: {  	_ =	sfence  }
0xbd: {  	s30 =	sld [smem:$0x0];
	_ =	sdelay $0x2  }
0xbe: {  	s31 =	sshll.u32 s1, $0xD;
	s1 =	sshrl.u32 s1, $0x2  }
0xbf: {  	s3 =	sand.u32 $0x4000, s31;
	s1 =	sadd.s32 s1, s30  }
0xc0: {  	s0 =	sor.u32 s3, s0;
	s1 =	sshll.u32 s1, $0x11  }
0xc1: {  	s0 =	sor.u32 s1, s0  }
0xc2: {  	s0 =	sadd.s32 $0x8F2B, s0  }
0xc3: {  	[sflag:s0] =	ssyncadd.remote.s32 $0x1  }
0xc4: {  	_ =	sfence.sel $0xFFFF  }
0xc5: {  	[dreg:$0x0] =	wrdreg $0xFFFFFFFF;
	(pc) =	sbr.abs _section_cstart, $3  }
0xc6: {  	[dreg:$0x1] =	wrdreg $0xFFFFFFFF  }
0xc7: {  	_ =	task.clear_ibuf [dreg:s7], $0x2FFFF;
	_ =	strace $0x9FFFFFFF  }
0xc8: {  	(tm) =	ssettm $0x7FFFFFFF  }
0xc9: {  	_ =	shalt  }
tec
execute0_lowered:
.L_overlay_start_1:
0x0: {  	(tag) =	ssettag $0x1  }
0x1: {  	s3 =	rddreg [dreg:$0x0]  }
0x2: {  	s6 =	rddreg [dreg:$0x1]  }
0x3: {  	s0 =	rddreg [dreg:$0x2];
	s1 =	stileid.u32  }
0x4: {  	s2 =	simm.s32 $0x0;
	s5 =	srdreg.scid;
	s4 =	smul.u32 $0x30D40, s1  }
0x5: {  	[smem:$0x7FF] =	sst s2;
	s5 =	sand.u32 $0x1, s5;
	s7 =	smul.u32 $0x4E20, s1  }
0x6: {  	_ =	strace $0x8000004D;
	s8 =	ssub.s32 $0x2, s5;
	s9 =	smul.u32 $0x2710, s5  }
0x7: {  	s5 =	smul.u32 $0x186A0, s5;
	s10 =	sadd.s32 s4, s3;
	s31 =	sshrl.u32 s8, $0x1  }
0x8: {  	s3 =	sadd.s32 $0xC000, s3;
	s4 =	ssub.s32 s8, s31;
	s7 =	sadd.s32 s9, s7  }
0x9: {  	s5 =	sadd.s32 s5, s10;
	s8 =	simm.s32 $0x50;
	s9 =	simm.s32 $0x1  }
0xa: {  	s10 =	simm.s32 $0x0;
	s4 =	smax.u32 s4, $0x1;
	s7 =	sshrl.u32 s7, $0x3  }
0xb: {  	s5 =	sadd.s32 $0xC2600, s5;
	s6 =	sadd.s32 s7, s6;
	s7 =	simm.s32 $0x2  }
.LBB2_1:
0xc: {  	s11 =	sadd.s32 $0x0, s6  }
0xd: {  	[tilespmem:s2], [sflag:$0x2] =	stream.linear.gather [hbm4b:s11+s2], $0x50, $0x38;
	[tilespmem:$0x1950] =	vst v63  }
0xe: {  	_ =	swait.ge [sflag:s7], $0x50  }
0xf: {  	[sflag:s7] =	ssyncset.done $0x0  }
0x10: {  	[sflag:s7] =	ssyncadd.s32 $0xFFFFFFB0  }
0x11: {  	[tilespmem:s8], [sflag:$0x1] =	stream.indirect.gather [hbm4b:s3+s8], $0x50, s2, s8, $0xb8;
	[tilespmem:$0x1950] =	vst v63  }
0x12: {  	_ =	swait.ge [sflag:s9], $0x1900  }
0x13: {  	[sflag:s9] =	ssyncset.done $0x0  }
0x14: {  	[sflag:s9] =	ssyncadd.s32 $0xFFFFE700  }
0x15: {  	[hbm4b:s5+s2] =	stream.linear.scatter [tilespmem:s8], [sflag:$0x2], $0x1900, $0x38;
	[tilespmem:$0x1950] =	vst v63  }
0x16: {  	s12 =	simm.s32 $0xA;
	_ =	swait.ge [sflag:s7], $0x1900  }
0x17: {  	s13 =	simm.s32 $0x14;
	s11 =	sadd.s32 $0x320, s5;
	[sflag:s7] =	ssyncset.done $0x0  }
.LBB2_2:
0x18: {  	s14 =	sadd.s32 s12, s6  }
0x19: {  	[sflag:s7] =	ssyncadd.s32 $0xFFFFE700;
	s12 =	smov.u32 s13;
	s15 =	sadd.s32 $0xA, s13  }
0x1a: {  	[tilespmem:s2], [sflag:$0x2] =	stream.linear.gather [hbm4b:s14+s2], $0x50, $0x38;
	[tilespmem:$0x1950] =	vst v63  }
0x1b: {  	p0 =	sne.s32 s13, $0x4D8;
	_ =	swait.ge [sflag:s7], $0x50  }
0x1c: {  	[sflag:s7] =	ssyncset.done $0x0  }
0x1d: {  	[sflag:s7] =	ssyncadd.s32 $0xFFFFFFB0  }
0x1e: {  	[tilespmem:s8], [sflag:$0x1] =	stream.indirect.gather [hbm4b:s3+s8], $0x50, s2, s8, $0xb8;
	[tilespmem:$0x1950] =	vst v63  }
0x1f: {  	_ =	swait.ge [sflag:s9], $0x1900  }
.Ltmp0:
0x20: {  	[sflag:s9] =	ssyncset.done $0x0;
	(pc) =	sbr.rel @p0 .LBB2_2-.Ltmp0, $4  }
0x21: {  	[sflag:s9] =	ssyncadd.s32 $0xFFFFE700  }
0x22: {  	[hbm4b:s11+s2] =	stream.linear.scatter [tilespmem:s8], [sflag:$0x2], $0x1900, $0x38;
	[tilespmem:$0x1950] =	vst v63  }
0x23: {  	_ =	swait.ge [sflag:s7], $0x1900  }
0x24: {  	s13 =	smov.u32 s15;
	s11 =	sadd.s32 $0x320, s11;
	[sflag:s7] =	ssyncset.done $0x0  }
0x25: {  	s12 =	sadd.s32 s12, s6;
	[sflag:s7] =	ssyncadd.s32 $0xFFFFE700  }
0x26: {  	[tilespmem:s2], [sflag:$0x2] =	stream.linear.gather [hbm4b:s12+s2], $0x50, $0x38;
	[tilespmem:$0x1950] =	vst v63  }
0x27: {  	_ =	swait.ge [sflag:s7], $0x50  }
0x28: {  	[sflag:s7] =	ssyncset.done $0x0  }
0x29: {  	[sflag:s7] =	ssyncadd.s32 $0xFFFFFFB0  }
0x2a: {  	[tilespmem:s8], [sflag:$0x1] =	stream.indirect.gather [hbm4b:s3+s8], $0x50, s2, s8, $0xb8;
	[tilespmem:$0x1950] =	vst v63  }
0x2b: {  	s10 =	sadd.s32 $0x1, s10;
	_ =	swait.ge [sflag:s9], $0x1900  }
0x2c: {  	p0 =	sne.s32 s10, s4;
	[sflag:s9] =	ssyncset.done $0x0  }
.Ltmp1:
0x2d: {  	[sflag:s9] =	ssyncadd.s32 $0xFFFFE700;
	(pc) =	sbr.rel @p0 .LBB2_1-.Ltmp1, $4  }
0x2e: {  	[hbm4b:s11+s2] =	stream.linear.scatter [tilespmem:s8], [sflag:$0x2], $0x1900, $0x38;
	[tilespmem:$0x1950] =	vst v63  }
0x2f: {  	_ =	swait.ge [sflag:s7], $0x1900  }
0x30: {  	[sflag:s7] =	ssyncset.done $0x0  }
0x31: {  	[sflag:s7] =	ssyncadd.s32 $0xFFFFE700  }
0x32: {  	_ =	sfence.sel $0x180000  }
0x33: {  	[bflag:$0x0] =	sbarrier.arrive $0xFFFF  }
0x34: {  	p0 =	sne.s32 s1, $0x0;
	_ =	strace $0x9000004D  }
0x35: {  	s0 =	sadd.s32 @!p0 $0x100000, s0;
	[bflag:$0x2] =	sbarrier.arrive $0xFFFF  }
0x36: {  	[sflag:s0] =	ssyncadd.tile.s32 @!p0 $0x1;
	_ =	shalt  }
.Lfunc_end2:
_tile_overlayer_lowered:
.L_overlay_start_2:
0x37: {  	(tag) =	ssettag $0x2  }
0x38: {  	s0 =	rddreg [dreg:$0x0];
	s2 =	stileid.u32  }
0x39: {  	s1 =	rddreg [dreg:$0x1];
	p0 =	sne.s32 s2, $0x0  }
0x3a: {  	s3 =	rddreg [dreg:$0x2];
	[bflag:$0x3] =	sbarrier.arrive $0xFFFF;
	s2 =	simm.s32 @!p0 $0x1C02  }
0x3b: {  	[timem:s3], [sflag:s2] =	dma.local @!p0 [hbm:s0], s1  }
0x3c: {  	s0 =	simm.s32 @!p0 $0x2  }
0x3d: {  	_ =	swait.ge @!p0 [sflag:s0], s1  }
0x3e: {  	s1 =	ssub.s32 @!p0 $0x0, s1;
	[sflag:s0] =	ssyncset.done @!p0 $0x0  }
0x3f: {  	[sflag:s0] =	ssyncadd.s32 @!p0 s1  }
0x40: {  	[bflag:$0x3] =	sbarrier.arrive $0xFFFF  }
0x41: {  	_ =	shalt  }

</sc_bundles>
